<compile_context>
chip_gen: v7x
topology: tpu7x:2x2x1
jax: 0.10.2.dev20260603
libtpu: 0.0.44.dev20260713+nightly
codegen_flags: <defaults>
</compile_context>

<pallas_src>
import functools

import jax
import jax.numpy as jnp
from jax import lax
from jax.experimental import pallas as pl
from jax.experimental.pallas import tpu as pltpu
from jax.experimental.pallas import tpu_sc as plsc

N_NODES = 50000
N_EDGES = 800000
IN_DIM = 128
HID = 64
HALF = HID // 2
OUT_DIM = 60
NHALF = N_NODES // 2

NC = 2
NS = 16

CHUNK = 128
GROUP = 16
NGROUP = 25
NRING = 5
AHEAD = NRING - 1
EDGES_PER_TILE = CHUNK * GROUP * NGROUP
E_PAD = EDGES_PER_TILE * NS
NCHUNKS = E_PAD // CHUNK
CH_PER_TILE = NCHUNKS // NS

REGION = 25088
AGG_ROWS = 2 * REGION
AGG_ROWS_PER_TILE = AGG_ROWS // NS
TRASH = REGION - NHALF
OUT_ROWS = 25024
OUT_ROWS_PER_TILE = OUT_ROWS // NS

ROW_BLK = 5000
GRID = NHALF // ROW_BLK


def _seg_sum_body(h2v, idx2, dstc, zfull, out, idx_v, dst_v, rows_v, agg_sh,
                  sem_g, sem_s, sem_i):
  c = lax.axis_index("c")
  s = lax.axis_index("s")
  ch_base = s * CH_PER_TILE

  def load_idx(g, buf):
    ch0 = ch_base + g * GROUP
    pltpu.async_copy(idx2.at[c, pl.ds(ch0, GROUP)], idx_v.at[buf], sem_i)
    pltpu.async_copy(dstc.at[pl.ds(ch0, GROUP)], dst_v.at[buf], sem_i)

  def wait_idx():
    pltpu.make_async_copy(idx2.at[c, pl.ds(ch_base, GROUP)],
                          idx_v.at[0], sem_i).wait()
    pltpu.make_async_copy(dstc.at[pl.ds(ch_base, GROUP)],
                          dst_v.at[0], sem_i).wait()

  def fire_g(gb, j, slot):
    pltpu.async_copy(h2v.at[idx_v.at[gb, j]], rows_v.at[slot], sem_g)

  def wait_g(slot):
    pltpu.make_async_copy(h2v.at[idx_v.at[0, 0]], rows_v.at[slot],
                          sem_g).wait()

  def fire_s(gb, j, slot):
    pltpu.async_copy(rows_v.at[slot], agg_sh.at[dst_v.at[gb, j]], sem_s,
                     add=True)

  def wait_s(slot):
    pltpu.make_async_copy(rows_v.at[slot], agg_sh.at[dst_v.at[0, 0]],
                          sem_s).wait()

  load_idx(jnp.int32(0), jnp.int32(0))
  pltpu.sync_copy(zfull.at[pl.ds(s * AGG_ROWS_PER_TILE, AGG_ROWS_PER_TILE)],
                  agg_sh.at[pl.ds(s * AGG_ROWS_PER_TILE, AGG_ROWS_PER_TILE)])
  plsc.subcore_barrier()
  wait_idx()
  load_idx(jnp.int32(1), jnp.int32(1))

  z = jnp.int32(0)
  for k in range(AHEAD):
    fire_g(z, k, k)
  wait_g(0)
  fire_s(z, 0, 0)
  fire_g(z, AHEAD, AHEAD)

  def chunk_body(ch, carry):
    g = lax.div(ch, GROUP)
    j = lax.rem(ch, GROUP)
    slot = lax.rem(ch, NRING)
    wait_g(slot)
    fire_s(lax.rem(g, 2), j, slot)
    wait_s(slot)

    @pl.when(j == 0)
    def _load():
      load_idx(lax.min(g + 1, NGROUP - 1), lax.rem(g + 1, 2))

    @pl.when(j == GROUP - AHEAD)
    def _wait():
      wait_idx()

    chn = ch + AHEAD
    gn = lax.div(chn, GROUP)
    fire_g(lax.rem(gn, 2), lax.rem(chn, GROUP), lax.rem(chn, NRING))
    return carry

  lax.fori_loop(1, CH_PER_TILE - AHEAD, chunk_body, 0)
  lgb = jnp.int32((NGROUP - 1) % 2)
  for ch in range(CH_PER_TILE - AHEAD, CH_PER_TILE):
    wait_g(ch % NRING)
    fire_s(lgb, ch % GROUP, ch % NRING)
    wait_s(ch % NRING)
  wait_s(0)
  wait_idx()
  plsc.subcore_barrier()

  base = s * OUT_ROWS_PER_TILE
  pltpu.sync_copy(
      agg_sh.at[pl.ds(base, OUT_ROWS_PER_TILE)],
      out.at[pl.ds(base, OUT_ROWS_PER_TILE), pl.ds(c * HALF, HALF)])
  pltpu.sync_copy(
      agg_sh.at[pl.ds(REGION + base, OUT_ROWS_PER_TILE)],
      out.at[pl.ds(base, OUT_ROWS_PER_TILE), pl.ds(HID + c * HALF, HALF)])


_seg_sum = functools.partial(
    pl.kernel,
    out_type=jax.ShapeDtypeStruct((OUT_ROWS, 2 * HID), jnp.float32),
    mesh=plsc.VectorSubcoreMesh(core_axis_name="c", subcore_axis_name="s"),
    scratch_types=[
        pltpu.VMEM((2, GROUP, CHUNK), jnp.int32),
        pltpu.VMEM((2, GROUP, CHUNK), jnp.int32),
        pltpu.VMEM((NRING, CHUNK, HALF), jnp.float32),
        pltpu.VMEM_SHARED((AGG_ROWS, HALF), jnp.float32),
        pltpu.SemaphoreType.DMA,
        pltpu.SemaphoreType.DMA,
        pltpu.SemaphoreType.DMA,
    ],
    compiler_params=pltpu.CompilerParams(use_tc_tiling_on_sc=False),
)(_seg_sum_body)


def _mlp_body(x3, w1, b1, w2, b2, w3, b3, w4, b4, out):
  xx = jnp.concatenate([x3[0], x3[1]], axis=0)
  h = jnp.maximum(jnp.dot(xx, w1[...], preferred_element_type=jnp.float32)
                  + b1[...], 0.0)
  h = jnp.maximum(jnp.dot(h, w2[...], preferred_element_type=jnp.float32)
                  + b2[...], 0.0)
  h = jnp.maximum(jnp.dot(h, w3[...], preferred_element_type=jnp.float32)
                  + b3[...], 0.0) + h
  h = jnp.maximum(jnp.dot(h, w4[...], preferred_element_type=jnp.float32)
                  + b4[...], 0.0) + h
  out[...] = jnp.concatenate([h[:ROW_BLK], h[ROW_BLK:]], axis=1)


def _full(shape):
  return pl.BlockSpec(shape, lambda i: (0,) * len(shape))


def _mlp(x3, w1t, b1, w2t, b2, w3t, b3, w4t, b4):
  return pl.pallas_call(
      _mlp_body,
      grid=(GRID,),
      in_specs=[
          pl.BlockSpec((2, ROW_BLK, IN_DIM), lambda i: (0, i, 0)),
          _full((IN_DIM, HID)), _full((1, HID)),
          _full((HID, HID)), _full((1, HID)),
          _full((HID, HID)), _full((1, HID)),
          _full((HID, HID)), _full((1, HID)),
      ],
      out_specs=pl.BlockSpec((ROW_BLK, 2 * HID), lambda i: (i, 0)),
      out_shape=jax.ShapeDtypeStruct((NHALF, 2 * HID), jnp.float32),
  )(x3, w1t, b1, w2t, b2, w3t, b3, w4t, b4)


def _conv_combine_body(aggp, hp, wr, br, wroot, out):
  g = jnp.dot(aggp[...], wr[...], preferred_element_type=jnp.float32)
  g += jnp.dot(hp[...], wroot[...], preferred_element_type=jnp.float32)
  out[...] = jnp.maximum(g + br[...], 0.0)


def _conv_combine(aggp, hp, wr_bd, br_bd, wroot_bd):
  return pl.pallas_call(
      _conv_combine_body,
      grid=(GRID,),
      in_specs=[
          pl.BlockSpec((ROW_BLK, 2 * HID), lambda i: (i, 0)),
          pl.BlockSpec((ROW_BLK, 2 * HID), lambda i: (i, 0)),
          _full((2 * HID, 2 * HID)), _full((1, 2 * HID)),
          _full((2 * HID, 2 * HID)),
      ],
      out_specs=pl.BlockSpec((ROW_BLK, 2 * HID), lambda i: (i, 0)),
      out_shape=jax.ShapeDtypeStruct((NHALF, 2 * HID), jnp.float32),
  )(aggp, hp, wr_bd, br_bd, wroot_bd)


def _final_body(aggp, hp, wr, br, wroot, w5, b5, out):
  g = jnp.dot(aggp[...], wr[...], preferred_element_type=jnp.float32)
  g += jnp.dot(hp[...], wroot[...], preferred_element_type=jnp.float32)
  h2 = jnp.maximum(g + br[...], 0.0)
  out[...] = jnp.dot(h2, w5[...], preferred_element_type=jnp.float32) + b5[...]


def _final(aggp, hp, wr_bd, br_bd, wroot_bd, w5_bd, b5_bd):
  return pl.pallas_call(
      _final_body,
      grid=(GRID,),
      in_specs=[
          pl.BlockSpec((ROW_BLK, 2 * HID), lambda i: (i, 0)),
          pl.BlockSpec((ROW_BLK, 2 * HID), lambda i: (i, 0)),
          _full((2 * HID, 2 * HID)), _full((1, 2 * HID)),
          _full((2 * HID, 2 * HID)),
          _full((2 * HID, 2 * OUT_DIM)), _full((1, 2 * OUT_DIM)),
      ],
      out_specs=pl.BlockSpec((ROW_BLK, 2 * OUT_DIM), lambda i: (i, 0)),
      out_shape=jax.ShapeDtypeStruct((NHALF, 2 * OUT_DIM), jnp.float32),
  )(aggp, hp, wr_bd, br_bd, wroot_bd, w5_bd, b5_bd)


def _blockdiag(a):
  n, m = a.shape
  z = jnp.zeros((n, m), a.dtype)
  return jnp.concatenate([
      jnp.concatenate([a, z], axis=1),
      jnp.concatenate([z, a], axis=1)], axis=0)


def kernel(x, edge_index, W1, b1, W2, b2, W3, b3, W4, b4,
           Wrel1, brel1, Wroot1, Wrel2, brel2, Wroot2, W5, b5):
  src = edge_index[0].astype(jnp.int32)
  dst = edge_index[1].astype(jnp.int32)

  npad = E_PAD - N_EDGES
  i_pad = jnp.arange(npad, dtype=jnp.int32)
  srcp = jnp.concatenate([src, i_pad % N_NODES])
  src4 = jnp.where(srcp < NHALF, 4 * srcp, 4 * (srcp - NHALF) + 2)
  idx2 = jnp.stack([src4, src4 + 1]).reshape(NC, NCHUNKS, CHUNK)
  dst2 = jnp.where(dst < NHALF, dst, dst + TRASH)
  pad_dst = jnp.where(i_pad % 2 == 0,
                      NHALF + (i_pad // 2) % TRASH,
                      REGION + NHALF + (i_pad // 2) % TRASH)
  dstc = jnp.concatenate([dst2, pad_dst]).reshape(NCHUNKS, CHUNK)
  zfull = jnp.zeros((AGG_ROWS, HALF), jnp.float32)

  x3 = x.reshape(2, NHALF, IN_DIM)
  hp = _mlp(x3, W1.T, b1.reshape(1, HID), W2.T, b2.reshape(1, HID),
            W3.T, b3.reshape(1, HID), W4.T, b4.reshape(1, HID))

  wrel1_bd = _blockdiag(Wrel1.T)
  wroot1_bd = _blockdiag(Wroot1.T)
  brel1_bd = jnp.concatenate([brel1, brel1]).reshape(1, 2 * HID)
  wrel2_bd = _blockdiag(Wrel2.T)
  wroot2_bd = _blockdiag(Wroot2.T)
  brel2_bd = jnp.concatenate([brel2, brel2]).reshape(1, 2 * HID)
  w5_bd = _blockdiag(W5.T)
  b5_bd = jnp.concatenate([b5, b5]).reshape(1, 2 * OUT_DIM)

  agg1 = _seg_sum(hp.reshape(4 * NHALF, HALF), idx2, dstc, zfull)
  h1p = _conv_combine(agg1, hp, wrel1_bd, brel1_bd, wroot1_bd)

  agg2 = _seg_sum(h1p.reshape(4 * NHALF, HALF), idx2, dstc, zfull)
  outp = _final(agg2, h1p, wrel2_bd, brel2_bd, wroot2_bd,
                w5_bd, b5_bd)
  return jnp.concatenate([outp[:, :OUT_DIM], outp[:, OUT_DIM:]], axis=0)

# --- scband reference (transcript-rebuilt; emitter-appended) ---
"""Pipeline reference for scband-gnn-mtl-gnn-map-1451698946791 (READ-ONLY COPY).

The authoritative reference and input builder live on the scoring server;
editing this copy changes nothing except your own understanding.
"""

import jax, jax.numpy as jnp
import numpy as np

N_NODES = 50000
N_EDGES = 800000
IN_DIM = 128
HID = 64
OUT = 60


def setup_inputs(seed: int = 0) -> dict:
    key = jax.random.key(seed)
    ks = jax.random.split(key, 20)
    inp = {}
    inp['x'] = jax.random.normal(ks[0], (N_NODES, IN_DIM), dtype=jnp.float32)
    inp['edge_index'] = jax.random.randint(ks[1], (2, N_EDGES), 0, N_NODES, dtype=jnp.int64)
    s = 1.0 / np.sqrt(IN_DIM)
    inp['W1'] = jax.random.uniform(ks[2], (64, IN_DIM), jnp.float32, -s, s)
    inp['b1'] = jax.random.uniform(ks[3], (64,), jnp.float32, -s, s)
    s = 1.0 / np.sqrt(64)
    inp['W2'] = jax.random.uniform(ks[4], (HID, 64), jnp.float32, -s, s)
    inp['b2'] = jax.random.uniform(ks[5], (HID,), jnp.float32, -s, s)
    s = 1.0 / np.sqrt(HID)
    inp['W3'] = jax.random.uniform(ks[6], (HID, HID), jnp.float32, -s, s)
    inp['b3'] = jax.random.uniform(ks[7], (HID,), jnp.float32, -s, s)
    inp['W4'] = jax.random.uniform(ks[8], (HID, HID), jnp.float32, -s, s)
    inp['b4'] = jax.random.uniform(ks[9], (HID,), jnp.float32, -s, s)
    inp['Wrel1'] = jax.random.uniform(ks[10], (HID, HID), jnp.float32, -s, s)
    inp['brel1'] = jax.random.uniform(ks[11], (HID,), jnp.float32, -s, s)
    inp['Wroot1'] = jax.random.uniform(ks[12], (HID, HID), jnp.float32, -s, s)
    inp['Wrel2'] = jax.random.uniform(ks[13], (HID, HID), jnp.float32, -s, s)
    inp['brel2'] = jax.random.uniform(ks[14], (HID,), jnp.float32, -s, s)
    inp['Wroot2'] = jax.random.uniform(ks[15], (HID, HID), jnp.float32, -s, s)
    inp['W5'] = jax.random.uniform(ks[16], (OUT, HID), jnp.float32, -s, s)
    inp['b5'] = jax.random.uniform(ks[17], (OUT,), jnp.float32, -s, s)
    return inp


def _graph_conv(x, src, dst, Wrel, brel, Wroot):
    # PyG GraphConv: out = lin_rel(sum_{j in N(i)} x_j) + lin_root(x_i)
    msgs = jnp.take(x, src, axis=0)
    agg = jax.ops.segment_sum(msgs, dst, num_segments=N_NODES)
    return agg @ Wrel.T + brel + x @ Wroot.T


def reference(x, edge_index, W1, b1, W2, b2, W3, b3, W4, b4,
              Wrel1, brel1, Wroot1, Wrel2, brel2, Wroot2, W5, b5):
    src = edge_index[0]
    dst = edge_index[1]
    h = jax.nn.relu(x @ W1.T + b1)
    h = jax.nn.relu(h @ W2.T + b2)
    h = jax.nn.relu(h @ W3.T + b3) + h
    h = jax.nn.relu(h @ W4.T + b4) + h
    h = jax.nn.relu(_graph_conv(h, src, dst, Wrel1, brel1, Wroot1))
    h = jax.nn.relu(_graph_conv(h, src, dst, Wrel2, brel2, Wroot2))
    out = h @ W5.T + b5
    return out

if __name__ == "__main__":
    import jax
    _d = setup_inputs()
    print(jax.jit(kernel)(*tuple(_d.values())))

</pallas_src>

<mosaic_0001>
#map = affine_map<(d0, d1) -> (0, 0)>
#map1 = affine_map<(d0, d1) -> (0, 0, 0)>
module attributes {stable_mosaic.version = 14 : i64} {
  func.func @_seg_sum_body(%arg0: i32, %arg1: i32, %arg2: memref<100000x32xf32, #tpu.memory_space<hbm>>, %arg3: memref<2x6400x128xi32, #tpu.memory_space<hbm>>, %arg4: memref<6400x128xi32, #tpu.memory_space<hbm>>, %arg5: memref<50176x32xf32, #tpu.memory_space<hbm>>, %arg6: memref<25024x128xf32, #tpu.memory_space<hbm>>, %arg7: memref<2x16x128xi32, #tpu.memory_space<vmem>>, %arg8: memref<2x16x128xi32, #tpu.memory_space<vmem>>, %arg9: memref<5x128x32xf32, #tpu.memory_space<vmem>>, %arg10: memref<50176x32xf32, #tpu.memory_space<vmem_shared>>, %arg11: memref<!tpu.dma_semaphore, #tpu.memory_space<semaphore_mem>>, %arg12: memref<!tpu.dma_semaphore, #tpu.memory_space<semaphore_mem>>, %arg13: memref<!tpu.dma_semaphore, #tpu.memory_space<semaphore_mem>>) attributes {dimension_semantics = [#tpu.dimension_semantics<core_parallel>, #tpu.dimension_semantics<subcore_parallel>], iteration_bounds = array<i64: 2, 16>, scalar_prefetch = 0 : i64, scratch_operands = 7 : i64, tpu.core_type = #tpu.core_type<sc_vector_subcore>, window_params = [{transform_indices = #map}, {transform_indices = #map1}, {transform_indices = #map}, {transform_indices = #map}, {transform_indices = #map}]} {
    %mul3A = arith.constant 400 : i32
    %mul3A_0 = arith.muli %arg1, %mul3A : i32
    %mul3A_1 = arith.constant 0 : i32
    %mul3A_2 = arith.constant 16 : i32
    %mul3A_3 = arith.muli %mul3A_1, %mul3A_2 : i32
    %add3A = arith.addi %mul3A_0, %mul3A_3 : i32
    %dma_start3A = arith.constant 0 : i32
    %dma_start3A_4 = arith.constant 0 : i32
    %dma_start3A_5 = arith.constant 0 : i32
    %dma_start3A_6 = tpu.memref_slice %arg7[%dma_start3A, %dma_start3A_4, %dma_start3A_5] : memref<2x16x128xi32, #tpu.memory_space<vmem>> -> memref<1x16x128xi32, #tpu.memory_space<vmem>>
    %dma_start3A_7 = tpu.memref_squeeze %dma_start3A_6 : memref<1x16x128xi32, #tpu.memory_space<vmem>> -> memref<16x128xi32, #tpu.memory_space<vmem>>
    %dma_start3A_8 = arith.constant 0 : i32
    %dma_start3A_9 = tpu.memref_slice %arg3[%arg0, %add3A, %dma_start3A_8] : memref<2x6400x128xi32, #tpu.memory_space<hbm>> -> memref<1x16x128xi32, #tpu.memory_space<hbm>>
    %dma_start3A_10 = tpu.memref_squeeze %dma_start3A_9 : memref<1x16x128xi32, #tpu.memory_space<hbm>> -> memref<16x128xi32, #tpu.memory_space<hbm>>
    %dma_start3A_11 = arith.constant 0 : i32
    %dma_start3A_12 = arith.constant 0 : i32
    %dma_start3A_13 = tpu.memref_slice %arg7[%dma_start3A, %dma_start3A_11, %dma_start3A_12] : memref<2x16x128xi32, #tpu.memory_space<vmem>> -> memref<1x16x128xi32, #tpu.memory_space<vmem>>
    %dma_start3A_14 = tpu.memref_squeeze %dma_start3A_13 : memref<1x16x128xi32, #tpu.memory_space<vmem>> -> memref<16x128xi32, #tpu.memory_space<vmem>>
    %dma_start3A_15 = arith.constant 0 : i32
    %dma_start3A_16 = tpu.memref_slice %arg3[%arg0, %add3A, %dma_start3A_15] : memref<2x6400x128xi32, #tpu.memory_space<hbm>> -> memref<1x16x128xi32, #tpu.memory_space<hbm>>
    %dma_start3A_17 = tpu.memref_squeeze %dma_start3A_16 : memref<1x16x128xi32, #tpu.memory_space<hbm>> -> memref<16x128xi32, #tpu.memory_space<hbm>>
    tpu.enqueue_dma source(%dma_start3A_17 : memref<16x128xi32, #tpu.memory_space<hbm>>) target(%dma_start3A_14 : memref<16x128xi32, #tpu.memory_space<vmem>>) target_semaphore(%arg13 : memref<!tpu.dma_semaphore, #tpu.memory_space<semaphore_mem>>)
    %dma_start3A_18 = arith.constant 0 : i32
    %dma_start3A_19 = arith.constant 0 : i32
    %dma_start3A_20 = arith.constant 0 : i32
    %dma_start3A_21 = tpu.memref_slice %arg8[%dma_start3A_18, %dma_start3A_19, %dma_start3A_20] : memref<2x16x128xi32, #tpu.memory_space<vmem>> -> memref<1x16x128xi32, #tpu.memory_space<vmem>>
    %dma_start3A_22 = tpu.memref_squeeze %dma_start3A_21 : memref<1x16x128xi32, #tpu.memory_space<vmem>> -> memref<16x128xi32, #tpu.memory_space<vmem>>
    %dma_start3A_23 = arith.constant 0 : i32
    %dma_start3A_24 = tpu.memref_slice %arg4[%add3A, %dma_start3A_23] : memref<6400x128xi32, #tpu.memory_space<hbm>> -> memref<16x128xi32, #tpu.memory_space<hbm>>
    %dma_start3A_25 = arith.constant 0 : i32
    %dma_start3A_26 = arith.constant 0 : i32
    %dma_start3A_27 = tpu.memref_slice %arg8[%dma_start3A_18, %dma_start3A_25, %dma_start3A_26] : memref<2x16x128xi32, #tpu.memory_space<vmem>> -> memref<1x16x128xi32, #tpu.memory_space<vmem>>
    %dma_start3A_28 = tpu.memref_squeeze %dma_start3A_27 : memref<1x16x128xi32, #tpu.memory_space<vmem>> -> memref<16x128xi32, #tpu.memory_space<vmem>>
    %dma_start3A_29 = arith.constant 0 : i32
    %dma_start3A_30 = tpu.memref_slice %arg4[%add3A, %dma_start3A_29] : memref<6400x128xi32, #tpu.memory_space<hbm>> -> memref<16x128xi32, #tpu.memory_space<hbm>>
    tpu.enqueue_dma source(%dma_start3A_30 : memref<16x128xi32, #tpu.memory_space<hbm>>) target(%dma_start3A_28 : memref<16x128xi32, #tpu.memory_space<vmem>>) target_semaphore(%arg13 : memref<!tpu.dma_semaphore, #tpu.memory_space<semaphore_mem>>)
    %mul3A_31 = arith.constant 3136 : i32
    %mul3A_32 = arith.muli %arg1, %mul3A_31 : i32
    %mul3A_33 = arith.constant 3136 : i32
    %mul3A_34 = arith.muli %arg1, %mul3A_33 : i32
    "tpu.region"() ({
      %run_scoped3A = tpu.sem_alloc : memref<!tpu.dma_semaphore, #tpu.memory_space<semaphore_mem>>
      %dma_start3A_398 = arith.constant 0 : i32
      %dma_start3A_399 = tpu.memref_slice %arg10[%mul3A_34, %dma_start3A_398] : memref<50176x32xf32, #tpu.memory_space<vmem_shared>> -> memref<3136x32xf32, #tpu.memory_space<vmem_shared>>
      %dma_start3A_400 = arith.constant 0 : i32
      %dma_start3A_401 = tpu.memref_slice %arg5[%mul3A_32, %dma_start3A_400] : memref<50176x32xf32, #tpu.memory_space<hbm>> -> memref<3136x32xf32, #tpu.memory_space<hbm>>
      tpu.enqueue_dma source(%dma_start3A_401 : memref<3136x32xf32, #tpu.memory_space<hbm>>) target(%dma_start3A_399 : memref<3136x32xf32, #tpu.memory_space<vmem_shared>>) target_semaphore(%run_scoped3A : memref<!tpu.dma_semaphore, #tpu.memory_space<semaphore_mem>>)
      %dma_wait3A_402 = arith.constant 0 : i32
      %dma_wait3A_403 = tpu.memref_slice %arg10[%mul3A_34, %dma_wait3A_402] : memref<50176x32xf32, #tpu.memory_space<vmem_shared>> -> memref<3136x32xf32, #tpu.memory_space<vmem_shared>>
      %dma_wait3A_404 = arith.constant 0 : i32
      %dma_wait3A_405 = tpu.memref_slice %arg5[%mul3A_32, %dma_wait3A_404] : memref<50176x32xf32, #tpu.memory_space<hbm>> -> memref<3136x32xf32, #tpu.memory_space<hbm>>
      tpu.wait_dma2 semaphore(%run_scoped3A : memref<!tpu.dma_semaphore, #tpu.memory_space<semaphore_mem>>) src(%dma_wait3A_405 : memref<3136x32xf32, #tpu.memory_space<hbm>>) dst(%dma_wait3A_403 : memref<3136x32xf32, #tpu.memory_space<vmem_shared>>)
      tpu.yield
    }) : () -> ()
    %barrier3A = arith.constant 0 : index
    tpu.barrier barrier_id(%barrier3A)
    %dma_wait3A = arith.constant 0 : i32
    %dma_wait3A_35 = arith.constant 0 : i32
    %dma_wait3A_36 = arith.constant 0 : i32
    %dma_wait3A_37 = tpu.memref_slice %arg7[%dma_wait3A, %dma_wait3A_35, %dma_wait3A_36] : memref<2x16x128xi32, #tpu.memory_space<vmem>> -> memref<1x16x128xi32, #tpu.memory_space<vmem>>
    %dma_wait3A_38 = tpu.memref_squeeze %dma_wait3A_37 : memref<1x16x128xi32, #tpu.memory_space<vmem>> -> memref<16x128xi32, #tpu.memory_space<vmem>>
    %dma_wait3A_39 = arith.constant 0 : i32
    %dma_wait3A_40 = tpu.memref_slice %arg3[%arg0, %mul3A_0, %dma_wait3A_39] : memref<2x6400x128xi32, #tpu.memory_space<hbm>> -> memref<1x16x128xi32, #tpu.memory_space<hbm>>
    %dma_wait3A_41 = tpu.memref_squeeze %dma_wait3A_40 : memref<1x16x128xi32, #tpu.memory_space<hbm>> -> memref<16x128xi32, #tpu.memory_space<hbm>>
    %dma_wait3A_42 = arith.constant 0 : i32
    %dma_wait3A_43 = arith.constant 0 : i32
    %dma_wait3A_44 = tpu.memref_slice %arg7[%dma_wait3A, %dma_wait3A_42, %dma_wait3A_43] : memref<2x16x128xi32, #tpu.memory_space<vmem>> -> memref<1x16x128xi32, #tpu.memory_space<vmem>>
    %dma_wait3A_45 = tpu.memref_squeeze %dma_wait3A_44 : memref<1x16x128xi32, #tpu.memory_space<vmem>> -> memref<16x128xi32, #tpu.memory_space<vmem>>
    %dma_wait3A_46 = arith.constant 0 : i32
    %dma_wait3A_47 = tpu.memref_slice %arg3[%arg0, %mul3A_0, %dma_wait3A_46] : memref<2x6400x128xi32, #tpu.memory_space<hbm>> -> memref<1x16x128xi32, #tpu.memory_space<hbm>>
    %dma_wait3A_48 = tpu.memref_squeeze %dma_wait3A_47 : memref<1x16x128xi32, #tpu.memory_space<hbm>> -> memref<16x128xi32, #tpu.memory_space<hbm>>
    tpu.wait_dma2 semaphore(%arg13 : memref<!tpu.dma_semaphore, #tpu.memory_space<semaphore_mem>>) src(%dma_wait3A_48 : memref<16x128xi32, #tpu.memory_space<hbm>>) dst(%dma_wait3A_45 : memref<16x128xi32, #tpu.memory_space<vmem>>)
    %dma_wait3A_49 = arith.constant 0 : i32
    %dma_wait3A_50 = arith.constant 0 : i32
    %dma_wait3A_51 = arith.constant 0 : i32
    %dma_wait3A_52 = tpu.memref_slice %arg8[%dma_wait3A_49, %dma_wait3A_50, %dma_wait3A_51] : memref<2x16x128xi32, #tpu.memory_space<vmem>> -> memref<1x16x128xi32, #tpu.memory_space<vmem>>
    %dma_wait3A_53 = tpu.memref_squeeze %dma_wait3A_52 : memref<1x16x128xi32, #tpu.memory_space<vmem>> -> memref<16x128xi32, #tpu.memory_space<vmem>>
    %dma_wait3A_54 = arith.constant 0 : i32
    %dma_wait3A_55 = tpu.memref_slice %arg4[%mul3A_0, %dma_wait3A_54] : memref<6400x128xi32, #tpu.memory_space<hbm>> -> memref<16x128xi32, #tpu.memory_space<hbm>>
    %dma_wait3A_56 = arith.constant 0 : i32
    %dma_wait3A_57 = arith.constant 0 : i32
    %dma_wait3A_58 = tpu.memref_slice %arg8[%dma_wait3A_49, %dma_wait3A_56, %dma_wait3A_57] : memref<2x16x128xi32, #tpu.memory_space<vmem>> -> memref<1x16x128xi32, #tpu.memory_space<vmem>>
    %dma_wait3A_59 = tpu.memref_squeeze %dma_wait3A_58 : memref<1x16x128xi32, #tpu.memory_space<vmem>> -> memref<16x128xi32, #tpu.memory_space<vmem>>
    %dma_wait3A_60 = arith.constant 0 : i32
    %dma_wait3A_61 = tpu.memref_slice %arg4[%mul3A_0, %dma_wait3A_60] : memref<6400x128xi32, #tpu.memory_space<hbm>> -> memref<16x128xi32, #tpu.memory_space<hbm>>
    tpu.wait_dma2 semaphore(%arg13 : memref<!tpu.dma_semaphore, #tpu.memory_space<semaphore_mem>>) src(%dma_wait3A_61 : memref<16x128xi32, #tpu.memory_space<hbm>>) dst(%dma_wait3A_59 : memref<16x128xi32, #tpu.memory_space<vmem>>)
    %mul3A_62 = arith.constant 1 : i32
    %mul3A_63 = arith.constant 16 : i32
    %mul3A_64 = arith.muli %mul3A_62, %mul3A_63 : i32
    %add3A_65 = arith.addi %mul3A_0, %mul3A_64 : i32
    %dma_start3A_66 = arith.constant 1 : i32
    %dma_start3A_67 = arith.constant 0 : i32
    %dma_start3A_68 = arith.constant 0 : i32
    %dma_start3A_69 = tpu.memref_slice %arg7[%dma_start3A_66, %dma_start3A_67, %dma_start3A_68] : memref<2x16x128xi32, #tpu.memory_space<vmem>> -> memref<1x16x128xi32, #tpu.memory_space<vmem>>
    %dma_start3A_70 = tpu.memref_squeeze %dma_start3A_69 : memref<1x16x128xi32, #tpu.memory_space<vmem>> -> memref<16x128xi32, #tpu.memory_space<vmem>>
    %dma_start3A_71 = arith.constant 0 : i32
    %dma_start3A_72 = tpu.memref_slice %arg3[%arg0, %add3A_65, %dma_start3A_71] : memref<2x6400x128xi32, #tpu.memory_space<hbm>> -> memref<1x16x128xi32, #tpu.memory_space<hbm>>
    %dma_start3A_73 = tpu.memref_squeeze %dma_start3A_72 : memref<1x16x128xi32, #tpu.memory_space<hbm>> -> memref<16x128xi32, #tpu.memory_space<hbm>>
    %dma_start3A_74 = arith.constant 0 : i32
    %dma_start3A_75 = arith.constant 0 : i32
    %dma_start3A_76 = tpu.memref_slice %arg7[%dma_start3A_66, %dma_start3A_74, %dma_start3A_75] : memref<2x16x128xi32, #tpu.memory_space<vmem>> -> memref<1x16x128xi32, #tpu.memory_space<vmem>>
    %dma_start3A_77 = tpu.memref_squeeze %dma_start3A_76 : memref<1x16x128xi32, #tpu.memory_space<vmem>> -> memref<16x128xi32, #tpu.memory_space<vmem>>
    %dma_start3A_78 = arith.constant 0 : i32
    %dma_start3A_79 = tpu.memref_slice %arg3[%arg0, %add3A_65, %dma_start3A_78] : memref<2x6400x128xi32, #tpu.memory_space<hbm>> -> memref<1x16x128xi32, #tpu.memory_space<hbm>>
    %dma_start3A_80 = tpu.memref_squeeze %dma_start3A_79 : memref<1x16x128xi32, #tpu.memory_space<hbm>> -> memref<16x128xi32, #tpu.memory_space<hbm>>
    tpu.enqueue_dma source(%dma_start3A_80 : memref<16x128xi32, #tpu.memory_space<hbm>>) target(%dma_start3A_77 : memref<16x128xi32, #tpu.memory_space<vmem>>) target_semaphore(%arg13 : memref<!tpu.dma_semaphore, #tpu.memory_space<semaphore_mem>>)
    %dma_start3A_81 = arith.constant 1 : i32
    %dma_start3A_82 = arith.constant 0 : i32
    %dma_start3A_83 = arith.constant 0 : i32
    %dma_start3A_84 = tpu.memref_slice %arg8[%dma_start3A_81, %dma_start3A_82, %dma_start3A_83] : memref<2x16x128xi32, #tpu.memory_space<vmem>> -> memref<1x16x128xi32, #tpu.memory_space<vmem>>
    %dma_start3A_85 = tpu.memref_squeeze %dma_start3A_84 : memref<1x16x128xi32, #tpu.memory_space<vmem>> -> memref<16x128xi32, #tpu.memory_space<vmem>>
    %dma_start3A_86 = arith.constant 0 : i32
    %dma_start3A_87 = tpu.memref_slice %arg4[%add3A_65, %dma_start3A_86] : memref<6400x128xi32, #tpu.memory_space<hbm>> -> memref<16x128xi32, #tpu.memory_space<hbm>>
    %dma_start3A_88 = arith.constant 0 : i32
    %dma_start3A_89 = arith.constant 0 : i32
    %dma_start3A_90 = tpu.memref_slice %arg8[%dma_start3A_81, %dma_start3A_88, %dma_start3A_89] : memref<2x16x128xi32, #tpu.memory_space<vmem>> -> memref<1x16x128xi32, #tpu.memory_space<vmem>>
    %dma_start3A_91 = tpu.memref_squeeze %dma_start3A_90 : memref<1x16x128xi32, #tpu.memory_space<vmem>> -> memref<16x128xi32, #tpu.memory_space<vmem>>
    %dma_start3A_92 = arith.constant 0 : i32
    %dma_start3A_93 = tpu.memref_slice %arg4[%add3A_65, %dma_start3A_92] : memref<6400x128xi32, #tpu.memory_space<hbm>> -> memref<16x128xi32, #tpu.memory_space<hbm>>
    tpu.enqueue_dma source(%dma_start3A_93 : memref<16x128xi32, #tpu.memory_space<hbm>>) target(%dma_start3A_91 : memref<16x128xi32, #tpu.memory_space<vmem>>) target_semaphore(%arg13 : memref<!tpu.dma_semaphore, #tpu.memory_space<semaphore_mem>>)
    %dma_start3A_94 = arith.constant 0 : i32
    %dma_start3A_95 = arith.constant 0 : i32
    %dma_start3A_96 = arith.constant 0 : i32
    %dma_start3A_97 = arith.constant 0 : i32
    %dma_start3A_98 = arith.constant 0 : i32
    %dma_start3A_99 = tpu.memref_slice %arg9[%dma_start3A_96, %dma_start3A_97, %dma_start3A_98] : memref<5x128x32xf32, #tpu.memory_space<vmem>> -> memref<1x128x32xf32, #tpu.memory_space<vmem>>
    %dma_start3A_100 = tpu.memref_squeeze %dma_start3A_99 : memref<1x128x32xf32, #tpu.memory_space<vmem>> -> memref<128x32xf32, #tpu.memory_space<vmem>>
    %dma_start3A_101 = arith.constant 0 : i32
    %dma_start3A_102 = tpu.memref_slice %arg7[%dma_start3A_94, %dma_start3A_95, %dma_start3A_101] : memref<2x16x128xi32, #tpu.memory_space<vmem>> -> memref<1x1x128xi32, #tpu.memory_space<vmem>>
    %dma_start3A_103 = tpu.memref_squeeze %dma_start3A_102 : memref<1x1x128xi32, #tpu.memory_space<vmem>> -> memref<128xi32, #tpu.memory_space<vmem>>
    %dma_start3A_104 = arith.constant 0 : i32
    %dma_start3A_105 = arith.constant 0 : i32
    %dma_start3A_106 = tpu.memref_slice %arg2[%dma_start3A_104, %dma_start3A_105] : memref<100000x32xf32, #tpu.memory_space<hbm>> -> memref<100000x32xf32, #tpu.memory_space<hbm>>
    tpu.enqueue_indirect_dma source(%dma_start3A_106 : memref<100000x32xf32, #tpu.memory_space<hbm>>) target(%dma_start3A_100 : memref<128x32xf32, #tpu.memory_space<vmem>>) offsets(%dma_start3A_103 : memref<128xi32, #tpu.memory_space<vmem>>) semaphore(%arg11 : memref<!tpu.dma_semaphore, #tpu.memory_space<semaphore_mem>>)
    %dma_start3A_107 = arith.constant 0 : i32
    %dma_start3A_108 = arith.constant 1 : i32
    %dma_start3A_109 = arith.constant 1 : i32
    %dma_start3A_110 = arith.constant 0 : i32
    %dma_start3A_111 = arith.constant 0 : i32
    %dma_start3A_112 = tpu.memref_slice %arg9[%dma_start3A_109, %dma_start3A_110, %dma_start3A_111] : memref<5x128x32xf32, #tpu.memory_space<vmem>> -> memref<1x128x32xf32, #tpu.memory_space<vmem>>
    %dma_start3A_113 = tpu.memref_squeeze %dma_start3A_112 : memref<1x128x32xf32, #tpu.memory_space<vmem>> -> memref<128x32xf32, #tpu.memory_space<vmem>>
    %dma_start3A_114 = arith.constant 0 : i32
    %dma_start3A_115 = tpu.memref_slice %arg7[%dma_start3A_107, %dma_start3A_108, %dma_start3A_114] : memref<2x16x128xi32, #tpu.memory_space<vmem>> -> memref<1x1x128xi32, #tpu.memory_space<vmem>>
    %dma_start3A_116 = tpu.memref_squeeze %dma_start3A_115 : memref<1x1x128xi32, #tpu.memory_space<vmem>> -> memref<128xi32, #tpu.memory_space<vmem>>
    %dma_start3A_117 = arith.constant 0 : i32
    %dma_start3A_118 = arith.constant 0 : i32
    %dma_start3A_119 = tpu.memref_slice %arg2[%dma_start3A_117, %dma_start3A_118] : memref<100000x32xf32, #tpu.memory_space<hbm>> -> memref<100000x32xf32, #tpu.memory_space<hbm>>
    tpu.enqueue_indirect_dma source(%dma_start3A_119 : memref<100000x32xf32, #tpu.memory_space<hbm>>) target(%dma_start3A_113 : memref<128x32xf32, #tpu.memory_space<vmem>>) offsets(%dma_start3A_116 : memref<128xi32, #tpu.memory_space<vmem>>) semaphore(%arg11 : memref<!tpu.dma_semaphore, #tpu.memory_space<semaphore_mem>>)
    %dma_start3A_120 = arith.constant 0 : i32
    %dma_start3A_121 = arith.constant 2 : i32
    %dma_start3A_122 = arith.constant 2 : i32
    %dma_start3A_123 = arith.constant 0 : i32
    %dma_start3A_124 = arith.constant 0 : i32
    %dma_start3A_125 = tpu.memref_slice %arg9[%dma_start3A_122, %dma_start3A_123, %dma_start3A_124] : memref<5x128x32xf32, #tpu.memory_space<vmem>> -> memref<1x128x32xf32, #tpu.memory_space<vmem>>
    %dma_start3A_126 = tpu.memref_squeeze %dma_start3A_125 : memref<1x128x32xf32, #tpu.memory_space<vmem>> -> memref<128x32xf32, #tpu.memory_space<vmem>>
    %dma_start3A_127 = arith.constant 0 : i32
    %dma_start3A_128 = tpu.memref_slice %arg7[%dma_start3A_120, %dma_start3A_121, %dma_start3A_127] : memref<2x16x128xi32, #tpu.memory_space<vmem>> -> memref<1x1x128xi32, #tpu.memory_space<vmem>>
    %dma_start3A_129 = tpu.memref_squeeze %dma_start3A_128 : memref<1x1x128xi32, #tpu.memory_space<vmem>> -> memref<128xi32, #tpu.memory_space<vmem>>
    %dma_start3A_130 = arith.constant 0 : i32
    %dma_start3A_131 = arith.constant 0 : i32
    %dma_start3A_132 = tpu.memref_slice %arg2[%dma_start3A_130, %dma_start3A_131] : memref<100000x32xf32, #tpu.memory_space<hbm>> -> memref<100000x32xf32, #tpu.memory_space<hbm>>
    tpu.enqueue_indirect_dma source(%dma_start3A_132 : memref<100000x32xf32, #tpu.memory_space<hbm>>) target(%dma_start3A_126 : memref<128x32xf32, #tpu.memory_space<vmem>>) offsets(%dma_start3A_129 : memref<128xi32, #tpu.memory_space<vmem>>) semaphore(%arg11 : memref<!tpu.dma_semaphore, #tpu.memory_space<semaphore_mem>>)
    %dma_start3A_133 = arith.constant 0 : i32
    %dma_start3A_134 = arith.constant 3 : i32
    %dma_start3A_135 = arith.constant 3 : i32
    %dma_start3A_136 = arith.constant 0 : i32
    %dma_start3A_137 = arith.constant 0 : i32
    %dma_start3A_138 = tpu.memref_slice %arg9[%dma_start3A_135, %dma_start3A_136, %dma_start3A_137] : memref<5x128x32xf32, #tpu.memory_space<vmem>> -> memref<1x128x32xf32, #tpu.memory_space<vmem>>
    %dma_start3A_139 = tpu.memref_squeeze %dma_start3A_138 : memref<1x128x32xf32, #tpu.memory_space<vmem>> -> memref<128x32xf32, #tpu.memory_space<vmem>>
    %dma_start3A_140 = arith.constant 0 : i32
    %dma_start3A_141 = tpu.memref_slice %arg7[%dma_start3A_133, %dma_start3A_134, %dma_start3A_140] : memref<2x16x128xi32, #tpu.memory_space<vmem>> -> memref<1x1x128xi32, #tpu.memory_space<vmem>>
    %dma_start3A_142 = tpu.memref_squeeze %dma_start3A_141 : memref<1x1x128xi32, #tpu.memory_space<vmem>> -> memref<128xi32, #tpu.memory_space<vmem>>
    %dma_start3A_143 = arith.constant 0 : i32
    %dma_start3A_144 = arith.constant 0 : i32
    %dma_start3A_145 = tpu.memref_slice %arg2[%dma_start3A_143, %dma_start3A_144] : memref<100000x32xf32, #tpu.memory_space<hbm>> -> memref<100000x32xf32, #tpu.memory_space<hbm>>
    tpu.enqueue_indirect_dma source(%dma_start3A_145 : memref<100000x32xf32, #tpu.memory_space<hbm>>) target(%dma_start3A_139 : memref<128x32xf32, #tpu.memory_space<vmem>>) offsets(%dma_start3A_142 : memref<128xi32, #tpu.memory_space<vmem>>) semaphore(%arg11 : memref<!tpu.dma_semaphore, #tpu.memory_space<semaphore_mem>>)
    %dma_wait3A_146 = arith.constant 0 : i32
    %dma_wait3A_147 = arith.constant 0 : i32
    %dma_wait3A_148 = arith.constant 0 : i32
    %dma_wait3A_149 = arith.constant 0 : i32
    %dma_wait3A_150 = arith.constant 0 : i32
    %dma_wait3A_151 = tpu.memref_slice %arg9[%dma_wait3A_148, %dma_wait3A_149, %dma_wait3A_150] : memref<5x128x32xf32, #tpu.memory_space<vmem>> -> memref<1x128x32xf32, #tpu.memory_space<vmem>>
    %dma_wait3A_152 = tpu.memref_squeeze %dma_wait3A_151 : memref<1x128x32xf32, #tpu.memory_space<vmem>> -> memref<128x32xf32, #tpu.memory_space<vmem>>
    %dma_wait3A_153 = arith.constant 0 : i32
    %dma_wait3A_154 = tpu.memref_slice %arg7[%dma_wait3A_146, %dma_wait3A_147, %dma_wait3A_153] : memref<2x16x128xi32, #tpu.memory_space<vmem>> -> memref<1x1x128xi32, #tpu.memory_space<vmem>>
    %dma_wait3A_155 = tpu.memref_squeeze %dma_wait3A_154 : memref<1x1x128xi32, #tpu.memory_space<vmem>> -> memref<128xi32, #tpu.memory_space<vmem>>
    %dma_wait3A_156 = arith.constant 0 : i32
    %dma_wait3A_157 = arith.constant 0 : i32
    %dma_wait3A_158 = tpu.memref_slice %arg2[%dma_wait3A_156, %dma_wait3A_157] : memref<100000x32xf32, #tpu.memory_space<hbm>> -> memref<100000x32xf32, #tpu.memory_space<hbm>>
    tpu.wait_indirect_dma semaphore(%arg11 : memref<!tpu.dma_semaphore, #tpu.memory_space<semaphore_mem>>) src(%dma_wait3A_158 : memref<100000x32xf32, #tpu.memory_space<hbm>>) dst(%dma_wait3A_152 : memref<128x32xf32, #tpu.memory_space<vmem>>)
    %dma_start3A_159 = arith.constant 0 : i32
    %dma_start3A_160 = arith.constant 0 : i32
    %dma_start3A_161 = arith.constant 0 : i32
    %dma_start3A_162 = arith.constant 0 : i32
    %dma_start3A_163 = arith.constant 0 : i32
    %dma_start3A_164 = tpu.memref_slice %arg9[%dma_start3A_159, %dma_start3A_162, %dma_start3A_163] : memref<5x128x32xf32, #tpu.memory_space<vmem>> -> memref<1x128x32xf32, #tpu.memory_space<vmem>>
    %dma_start3A_165 = tpu.memref_squeeze %dma_start3A_164 : memref<1x128x32xf32, #tpu.memory_space<vmem>> -> memref<128x32xf32, #tpu.memory_space<vmem>>
    %dma_start3A_166 = arith.constant 0 : i32
    %dma_start3A_167 = tpu.memref_slice %arg8[%dma_start3A_160, %dma_start3A_161, %dma_start3A_166] : memref<2x16x128xi32, #tpu.memory_space<vmem>> -> memref<1x1x128xi32, #tpu.memory_space<vmem>>
    %dma_start3A_168 = tpu.memref_squeeze %dma_start3A_167 : memref<1x1x128xi32, #tpu.memory_space<vmem>> -> memref<128xi32, #tpu.memory_space<vmem>>
    %dma_start3A_169 = arith.constant 0 : i32
    %dma_start3A_170 = arith.constant 0 : i32
    %dma_start3A_171 = tpu.memref_slice %arg10[%dma_start3A_169, %dma_start3A_170] : memref<50176x32xf32, #tpu.memory_space<vmem_shared>> -> memref<50176x32xf32, #tpu.memory_space<vmem_shared>>
    tpu.enqueue_indirect_dma source(%dma_start3A_165 : memref<128x32xf32, #tpu.memory_space<vmem>>) target(%dma_start3A_171 : memref<50176x32xf32, #tpu.memory_space<vmem_shared>>) offsets(%dma_start3A_168 : memref<128xi32, #tpu.memory_space<vmem>>) semaphore(%arg12 : memref<!tpu.dma_semaphore, #tpu.memory_space<semaphore_mem>>) {add = true}
    %dma_start3A_172 = arith.constant 0 : i32
    %dma_start3A_173 = arith.constant 4 : i32
    %dma_start3A_174 = arith.constant 4 : i32
    %dma_start3A_175 = arith.constant 0 : i32
    %dma_start3A_176 = arith.constant 0 : i32
    %dma_start3A_177 = tpu.memref_slice %arg9[%dma_start3A_174, %dma_start3A_175, %dma_start3A_176] : memref<5x128x32xf32, #tpu.memory_space<vmem>> -> memref<1x128x32xf32, #tpu.memory_space<vmem>>
    %dma_start3A_178 = tpu.memref_squeeze %dma_start3A_177 : memref<1x128x32xf32, #tpu.memory_space<vmem>> -> memref<128x32xf32, #tpu.memory_space<vmem>>
    %dma_start3A_179 = arith.constant 0 : i32
    %dma_start3A_180 = tpu.memref_slice %arg7[%dma_start3A_172, %dma_start3A_173, %dma_start3A_179] : memref<2x16x128xi32, #tpu.memory_space<vmem>> -> memref<1x1x128xi32, #tpu.memory_space<vmem>>
    %dma_start3A_181 = tpu.memref_squeeze %dma_start3A_180 : memref<1x1x128xi32, #tpu.memory_space<vmem>> -> memref<128xi32, #tpu.memory_space<vmem>>
    %dma_start3A_182 = arith.constant 0 : i32
    %dma_start3A_183 = arith.constant 0 : i32
    %dma_start3A_184 = tpu.memref_slice %arg2[%dma_start3A_182, %dma_start3A_183] : memref<100000x32xf32, #tpu.memory_space<hbm>> -> memref<100000x32xf32, #tpu.memory_space<hbm>>
    tpu.enqueue_indirect_dma source(%dma_start3A_184 : memref<100000x32xf32, #tpu.memory_space<hbm>>) target(%dma_start3A_178 : memref<128x32xf32, #tpu.memory_space<vmem>>) offsets(%dma_start3A_181 : memref<128xi32, #tpu.memory_space<vmem>>) semaphore(%arg11 : memref<!tpu.dma_semaphore, #tpu.memory_space<semaphore_mem>>)
    %scan3A = arith.constant 0 : i32
    %scan3A_185 = arith.constant 1 : i32
    %scan3A_186 = arith.constant 395 : i32
    %scan3A_187 = arith.addi %scan3A_185, %scan3A_186 : i32
    %scan3A_188 = arith.constant 1 : i32
    scf.for %scan3A_398 = %scan3A_185 to %scan3A_187 step %scan3A_188  : i32 {
      %div3A = arith.constant 16 : i32
      %div3A_399 = arith.divsi %scan3A_398, %div3A : i32
      %rem3A = arith.constant 16 : i32
      %rem3A_400 = arith.remsi %scan3A_398, %rem3A : i32
      %rem3A_401 = arith.constant 5 : i32
      %rem3A_402 = arith.remsi %scan3A_398, %rem3A_401 : i32
      %dma_wait3A_403 = arith.constant 0 : i32
      %dma_wait3A_404 = arith.constant 0 : i32
      %dma_wait3A_405 = arith.constant 0 : i32
      %dma_wait3A_406 = arith.constant 0 : i32
      %dma_wait3A_407 = tpu.memref_slice %arg9[%rem3A_402, %dma_wait3A_405, %dma_wait3A_406] : memref<5x128x32xf32, #tpu.memory_space<vmem>> -> memref<1x128x32xf32, #tpu.memory_space<vmem>>
      %dma_wait3A_408 = tpu.memref_squeeze %dma_wait3A_407 : memref<1x128x32xf32, #tpu.memory_space<vmem>> -> memref<128x32xf32, #tpu.memory_space<vmem>>
      %dma_wait3A_409 = arith.constant 0 : i32
      %dma_wait3A_410 = tpu.memref_slice %arg7[%dma_wait3A_403, %dma_wait3A_404, %dma_wait3A_409] : memref<2x16x128xi32, #tpu.memory_space<vmem>> -> memref<1x1x128xi32, #tpu.memory_space<vmem>>
      %dma_wait3A_411 = tpu.memref_squeeze %dma_wait3A_410 : memref<1x1x128xi32, #tpu.memory_space<vmem>> -> memref<128xi32, #tpu.memory_space<vmem>>
      %dma_wait3A_412 = arith.constant 0 : i32
      %dma_wait3A_413 = arith.constant 0 : i32
      %dma_wait3A_414 = tpu.memref_slice %arg2[%dma_wait3A_412, %dma_wait3A_413] : memref<100000x32xf32, #tpu.memory_space<hbm>> -> memref<100000x32xf32, #tpu.memory_space<hbm>>
      tpu.wait_indirect_dma semaphore(%arg11 : memref<!tpu.dma_semaphore, #tpu.memory_space<semaphore_mem>>) src(%dma_wait3A_414 : memref<100000x32xf32, #tpu.memory_space<hbm>>) dst(%dma_wait3A_408 : memref<128x32xf32, #tpu.memory_space<vmem>>)
      %rem3A_415 = arith.constant 2 : i32
      %rem3A_416 = arith.remsi %div3A_399, %rem3A_415 : i32
      %dma_start3A_417 = arith.constant 0 : i32
      %dma_start3A_418 = arith.constant 0 : i32
      %dma_start3A_419 = tpu.memref_slice %arg9[%rem3A_402, %dma_start3A_417, %dma_start3A_418] : memref<5x128x32xf32, #tpu.memory_space<vmem>> -> memref<1x128x32xf32, #tpu.memory_space<vmem>>
      %dma_start3A_420 = tpu.memref_squeeze %dma_start3A_419 : memref<1x128x32xf32, #tpu.memory_space<vmem>> -> memref<128x32xf32, #tpu.memory_space<vmem>>
      %dma_start3A_421 = arith.constant 0 : i32
      %dma_start3A_422 = tpu.memref_slice %arg8[%rem3A_416, %rem3A_400, %dma_start3A_421] : memref<2x16x128xi32, #tpu.memory_space<vmem>> -> memref<1x1x128xi32, #tpu.memory_space<vmem>>
      %dma_start3A_423 = tpu.memref_squeeze %dma_start3A_422 : memref<1x1x128xi32, #tpu.memory_space<vmem>> -> memref<128xi32, #tpu.memory_space<vmem>>
      %dma_start3A_424 = arith.constant 0 : i32
      %dma_start3A_425 = arith.constant 0 : i32
      %dma_start3A_426 = tpu.memref_slice %arg10[%dma_start3A_424, %dma_start3A_425] : memref<50176x32xf32, #tpu.memory_space<vmem_shared>> -> memref<50176x32xf32, #tpu.memory_space<vmem_shared>>
      tpu.enqueue_indirect_dma source(%dma_start3A_420 : memref<128x32xf32, #tpu.memory_space<vmem>>) target(%dma_start3A_426 : memref<50176x32xf32, #tpu.memory_space<vmem_shared>>) offsets(%dma_start3A_423 : memref<128xi32, #tpu.memory_space<vmem>>) semaphore(%arg12 : memref<!tpu.dma_semaphore, #tpu.memory_space<semaphore_mem>>) {add = true}
      %dma_wait3A_427 = arith.constant 0 : i32
      %dma_wait3A_428 = arith.constant 0 : i32
      %dma_wait3A_429 = arith.constant 0 : i32
      %dma_wait3A_430 = arith.constant 0 : i32
      %dma_wait3A_431 = tpu.memref_slice %arg9[%rem3A_402, %dma_wait3A_429, %dma_wait3A_430] : memref<5x128x32xf32, #tpu.memory_space<vmem>> -> memref<1x128x32xf32, #tpu.memory_space<vmem>>
      %dma_wait3A_432 = tpu.memref_squeeze %dma_wait3A_431 : memref<1x128x32xf32, #tpu.memory_space<vmem>> -> memref<128x32xf32, #tpu.memory_space<vmem>>
      %dma_wait3A_433 = arith.constant 0 : i32
      %dma_wait3A_434 = tpu.memref_slice %arg8[%dma_wait3A_427, %dma_wait3A_428, %dma_wait3A_433] : memref<2x16x128xi32, #tpu.memory_space<vmem>> -> memref<1x1x128xi32, #tpu.memory_space<vmem>>
      %dma_wait3A_435 = tpu.memref_squeeze %dma_wait3A_434 : memref<1x1x128xi32, #tpu.memory_space<vmem>> -> memref<128xi32, #tpu.memory_space<vmem>>
      %dma_wait3A_436 = arith.constant 0 : i32
      %dma_wait3A_437 = arith.constant 0 : i32
      %dma_wait3A_438 = tpu.memref_slice %arg10[%dma_wait3A_436, %dma_wait3A_437] : memref<50176x32xf32, #tpu.memory_space<vmem_shared>> -> memref<50176x32xf32, #tpu.memory_space<vmem_shared>>
      tpu.wait_indirect_dma semaphore(%arg12 : memref<!tpu.dma_semaphore, #tpu.memory_space<semaphore_mem>>) src(%dma_wait3A_432 : memref<128x32xf32, #tpu.memory_space<vmem>>) dst(%dma_wait3A_438 : memref<50176x32xf32, #tpu.memory_space<vmem_shared>>)
      %eq3A = arith.constant 0 : i32
      %eq3A_439 = arith.cmpi eq, %rem3A_400, %eq3A : i32
      %convert_element_type3A = arith.extui %eq3A_439 : i1 to i32
      %cond3A = arith.constant 0 : i32
      %cond3A_440 = arith.cmpi ne, %convert_element_type3A, %cond3A : i32
      scf.if %cond3A_440 {
        %add3A_466 = arith.constant 1 : i32
        %add3A_467 = arith.addi %div3A_399, %add3A_466 : i32
        %min3A = arith.constant 24 : i32
        %min3A_468 = arith.minsi %add3A_467, %min3A : i32
        %add3A_469 = arith.constant 1 : i32
        %add3A_470 = arith.addi %div3A_399, %add3A_469 : i32
        %rem3A_471 = arith.constant 2 : i32
        %rem3A_472 = arith.remsi %add3A_470, %rem3A_471 : i32
        %mul3A_473 = arith.constant 16 : i32
        %mul3A_474 = arith.muli %min3A_468, %mul3A_473 : i32
        %add3A_475 = arith.addi %mul3A_0, %mul3A_474 : i32
        %dma_start3A_476 = arith.constant 0 : i32
        %dma_start3A_477 = arith.constant 0 : i32
        %dma_start3A_478 = tpu.memref_slice %arg7[%rem3A_472, %dma_start3A_476, %dma_start3A_477] : memref<2x16x128xi32, #tpu.memory_space<vmem>> -> memref<1x16x128xi32, #tpu.memory_space<vmem>>
        %dma_start3A_479 = tpu.memref_squeeze %dma_start3A_478 : memref<1x16x128xi32, #tpu.memory_space<vmem>> -> memref<16x128xi32, #tpu.memory_space<vmem>>
        %dma_start3A_480 = arith.constant 0 : i32
        %dma_start3A_481 = tpu.memref_slice %arg3[%arg0, %add3A_475, %dma_start3A_480] : memref<2x6400x128xi32, #tpu.memory_space<hbm>> -> memref<1x16x128xi32, #tpu.memory_space<hbm>>
        %dma_start3A_482 = tpu.memref_squeeze %dma_start3A_481 : memref<1x16x128xi32, #tpu.memory_space<hbm>> -> memref<16x128xi32, #tpu.memory_space<hbm>>
        %dma_start3A_483 = arith.constant 0 : i32
        %dma_start3A_484 = arith.constant 0 : i32
        %dma_start3A_485 = tpu.memref_slice %arg7[%rem3A_472, %dma_start3A_483, %dma_start3A_484] : memref<2x16x128xi32, #tpu.memory_space<vmem>> -> memref<1x16x128xi32, #tpu.memory_space<vmem>>
        %dma_start3A_486 = tpu.memref_squeeze %dma_start3A_485 : memref<1x16x128xi32, #tpu.memory_space<vmem>> -> memref<16x128xi32, #tpu.memory_space<vmem>>
        %dma_start3A_487 = arith.constant 0 : i32
        %dma_start3A_488 = tpu.memref_slice %arg3[%arg0, %add3A_475, %dma_start3A_487] : memref<2x6400x128xi32, #tpu.memory_space<hbm>> -> memref<1x16x128xi32, #tpu.memory_space<hbm>>
        %dma_start3A_489 = tpu.memref_squeeze %dma_start3A_488 : memref<1x16x128xi32, #tpu.memory_space<hbm>> -> memref<16x128xi32, #tpu.memory_space<hbm>>
        tpu.enqueue_dma source(%dma_start3A_489 : memref<16x128xi32, #tpu.memory_space<hbm>>) target(%dma_start3A_486 : memref<16x128xi32, #tpu.memory_space<vmem>>) target_semaphore(%arg13 : memref<!tpu.dma_semaphore, #tpu.memory_space<semaphore_mem>>)
        %dma_start3A_490 = arith.constant 0 : i32
        %dma_start3A_491 = arith.constant 0 : i32
        %dma_start3A_492 = tpu.memref_slice %arg8[%rem3A_472, %dma_start3A_490, %dma_start3A_491] : memref<2x16x128xi32, #tpu.memory_space<vmem>> -> memref<1x16x128xi32, #tpu.memory_space<vmem>>
        %dma_start3A_493 = tpu.memref_squeeze %dma_start3A_492 : memref<1x16x128xi32, #tpu.memory_space<vmem>> -> memref<16x128xi32, #tpu.memory_space<vmem>>
        %dma_start3A_494 = arith.constant 0 : i32
        %dma_start3A_495 = tpu.memref_slice %arg4[%add3A_475, %dma_start3A_494] : memref<6400x128xi32, #tpu.memory_space<hbm>> -> memref<16x128xi32, #tpu.memory_space<hbm>>
        %dma_start3A_496 = arith.constant 0 : i32
        %dma_start3A_497 = arith.constant 0 : i32
        %dma_start3A_498 = tpu.memref_slice %arg8[%rem3A_472, %dma_start3A_496, %dma_start3A_497] : memref<2x16x128xi32, #tpu.memory_space<vmem>> -> memref<1x16x128xi32, #tpu.memory_space<vmem>>
        %dma_start3A_499 = tpu.memref_squeeze %dma_start3A_498 : memref<1x16x128xi32, #tpu.memory_space<vmem>> -> memref<16x128xi32, #tpu.memory_space<vmem>>
        %dma_start3A_500 = arith.constant 0 : i32
        %dma_start3A_501 = tpu.memref_slice %arg4[%add3A_475, %dma_start3A_500] : memref<6400x128xi32, #tpu.memory_space<hbm>> -> memref<16x128xi32, #tpu.memory_space<hbm>>
        tpu.enqueue_dma source(%dma_start3A_501 : memref<16x128xi32, #tpu.memory_space<hbm>>) target(%dma_start3A_499 : memref<16x128xi32, #tpu.memory_space<vmem>>) target_semaphore(%arg13 : memref<!tpu.dma_semaphore, #tpu.memory_space<semaphore_mem>>)
      } else {
      }
      %eq3A_441 = arith.constant 12 : i32
      %eq3A_442 = arith.cmpi eq, %rem3A_400, %eq3A_441 : i32
      %convert_element_type3A_443 = arith.extui %eq3A_442 : i1 to i32
      %cond3A_444 = arith.constant 0 : i32
      %cond3A_445 = arith.cmpi ne, %convert_element_type3A_443, %cond3A_444 : i32
      scf.if %cond3A_445 {
        %dma_wait3A_466 = arith.constant 0 : i32
        %dma_wait3A_467 = arith.constant 0 : i32
        %dma_wait3A_468 = arith.constant 0 : i32
        %dma_wait3A_469 = tpu.memref_slice %arg7[%dma_wait3A_466, %dma_wait3A_467, %dma_wait3A_468] : memref<2x16x128xi32, #tpu.memory_space<vmem>> -> memref<1x16x128xi32, #tpu.memory_space<vmem>>
        %dma_wait3A_470 = tpu.memref_squeeze %dma_wait3A_469 : memref<1x16x128xi32, #tpu.memory_space<vmem>> -> memref<16x128xi32, #tpu.memory_space<vmem>>
        %dma_wait3A_471 = arith.constant 0 : i32
        %dma_wait3A_472 = tpu.memref_slice %arg3[%arg0, %mul3A_0, %dma_wait3A_471] : memref<2x6400x128xi32, #tpu.memory_space<hbm>> -> memref<1x16x128xi32, #tpu.memory_space<hbm>>
        %dma_wait3A_473 = tpu.memref_squeeze %dma_wait3A_472 : memref<1x16x128xi32, #tpu.memory_space<hbm>> -> memref<16x128xi32, #tpu.memory_space<hbm>>
        %dma_wait3A_474 = arith.constant 0 : i32
        %dma_wait3A_475 = arith.constant 0 : i32
        %dma_wait3A_476 = tpu.memref_slice %arg7[%dma_wait3A_466, %dma_wait3A_474, %dma_wait3A_475] : memref<2x16x128xi32, #tpu.memory_space<vmem>> -> memref<1x16x128xi32, #tpu.memory_space<vmem>>
        %dma_wait3A_477 = tpu.memref_squeeze %dma_wait3A_476 : memref<1x16x128xi32, #tpu.memory_space<vmem>> -> memref<16x128xi32, #tpu.memory_space<vmem>>
        %dma_wait3A_478 = arith.constant 0 : i32
        %dma_wait3A_479 = tpu.memref_slice %arg3[%arg0, %mul3A_0, %dma_wait3A_478] : memref<2x6400x128xi32, #tpu.memory_space<hbm>> -> memref<1x16x128xi32, #tpu.memory_space<hbm>>
        %dma_wait3A_480 = tpu.memref_squeeze %dma_wait3A_479 : memref<1x16x128xi32, #tpu.memory_space<hbm>> -> memref<16x128xi32, #tpu.memory_space<hbm>>
        tpu.wait_dma2 semaphore(%arg13 : memref<!tpu.dma_semaphore, #tpu.memory_space<semaphore_mem>>) src(%dma_wait3A_480 : memref<16x128xi32, #tpu.memory_space<hbm>>) dst(%dma_wait3A_477 : memref<16x128xi32, #tpu.memory_space<vmem>>)
        %dma_wait3A_481 = arith.constant 0 : i32
        %dma_wait3A_482 = arith.constant 0 : i32
        %dma_wait3A_483 = arith.constant 0 : i32
        %dma_wait3A_484 = tpu.memref_slice %arg8[%dma_wait3A_481, %dma_wait3A_482, %dma_wait3A_483] : memref<2x16x128xi32, #tpu.memory_space<vmem>> -> memref<1x16x128xi32, #tpu.memory_space<vmem>>
        %dma_wait3A_485 = tpu.memref_squeeze %dma_wait3A_484 : memref<1x16x128xi32, #tpu.memory_space<vmem>> -> memref<16x128xi32, #tpu.memory_space<vmem>>
        %dma_wait3A_486 = arith.constant 0 : i32
        %dma_wait3A_487 = tpu.memref_slice %arg4[%mul3A_0, %dma_wait3A_486] : memref<6400x128xi32, #tpu.memory_space<hbm>> -> memref<16x128xi32, #tpu.memory_space<hbm>>
        %dma_wait3A_488 = arith.constant 0 : i32
        %dma_wait3A_489 = arith.constant 0 : i32
        %dma_wait3A_490 = tpu.memref_slice %arg8[%dma_wait3A_481, %dma_wait3A_488, %dma_wait3A_489] : memref<2x16x128xi32, #tpu.memory_space<vmem>> -> memref<1x16x128xi32, #tpu.memory_space<vmem>>
        %dma_wait3A_491 = tpu.memref_squeeze %dma_wait3A_490 : memref<1x16x128xi32, #tpu.memory_space<vmem>> -> memref<16x128xi32, #tpu.memory_space<vmem>>
        %dma_wait3A_492 = arith.constant 0 : i32
        %dma_wait3A_493 = tpu.memref_slice %arg4[%mul3A_0, %dma_wait3A_492] : memref<6400x128xi32, #tpu.memory_space<hbm>> -> memref<16x128xi32, #tpu.memory_space<hbm>>
        tpu.wait_dma2 semaphore(%arg13 : memref<!tpu.dma_semaphore, #tpu.memory_space<semaphore_mem>>) src(%dma_wait3A_493 : memref<16x128xi32, #tpu.memory_space<hbm>>) dst(%dma_wait3A_491 : memref<16x128xi32, #tpu.memory_space<vmem>>)
      } else {
      }
      %add3A_446 = arith.constant 4 : i32
      %add3A_447 = arith.addi %scan3A_398, %add3A_446 : i32
      %div3A_448 = arith.constant 16 : i32
      %div3A_449 = arith.divsi %add3A_447, %div3A_448 : i32
      %rem3A_450 = arith.constant 2 : i32
      %rem3A_451 = arith.remsi %div3A_449, %rem3A_450 : i32
      %rem3A_452 = arith.constant 16 : i32
      %rem3A_453 = arith.remsi %add3A_447, %rem3A_452 : i32
      %rem3A_454 = arith.constant 5 : i32
      %rem3A_455 = arith.remsi %add3A_447, %rem3A_454 : i32
      %dma_start3A_456 = arith.constant 0 : i32
      %dma_start3A_457 = arith.constant 0 : i32
      %dma_start3A_458 = tpu.memref_slice %arg9[%rem3A_455, %dma_start3A_456, %dma_start3A_457] : memref<5x128x32xf32, #tpu.memory_space<vmem>> -> memref<1x128x32xf32, #tpu.memory_space<vmem>>
      %dma_start3A_459 = tpu.memref_squeeze %dma_start3A_458 : memref<1x128x32xf32, #tpu.memory_space<vmem>> -> memref<128x32xf32, #tpu.memory_space<vmem>>
      %dma_start3A_460 = arith.constant 0 : i32
      %dma_start3A_461 = tpu.memref_slice %arg7[%rem3A_451, %rem3A_453, %dma_start3A_460] : memref<2x16x128xi32, #tpu.memory_space<vmem>> -> memref<1x1x128xi32, #tpu.memory_space<vmem>>
      %dma_start3A_462 = tpu.memref_squeeze %dma_start3A_461 : memref<1x1x128xi32, #tpu.memory_space<vmem>> -> memref<128xi32, #tpu.memory_space<vmem>>
      %dma_start3A_463 = arith.constant 0 : i32
      %dma_start3A_464 = arith.constant 0 : i32
      %dma_start3A_465 = tpu.memref_slice %arg2[%dma_start3A_463, %dma_start3A_464] : memref<100000x32xf32, #tpu.memory_space<hbm>> -> memref<100000x32xf32, #tpu.memory_space<hbm>>
      tpu.enqueue_indirect_dma source(%dma_start3A_465 : memref<100000x32xf32, #tpu.memory_space<hbm>>) target(%dma_start3A_459 : memref<128x32xf32, #tpu.memory_space<vmem>>) offsets(%dma_start3A_462 : memref<128xi32, #tpu.memory_space<vmem>>) semaphore(%arg11 : memref<!tpu.dma_semaphore, #tpu.memory_space<semaphore_mem>>)
    }
    %scan3A_189 = arith.constant 395 : i32
    %dma_wait3A_190 = arith.constant 0 : i32
    %dma_wait3A_191 = arith.constant 0 : i32
    %dma_wait3A_192 = arith.constant 1 : i32
    %dma_wait3A_193 = arith.constant 0 : i32
    %dma_wait3A_194 = arith.constant 0 : i32
    %dma_wait3A_195 = tpu.memref_slice %arg9[%dma_wait3A_192, %dma_wait3A_193, %dma_wait3A_194] : memref<5x128x32xf32, #tpu.memory_space<vmem>> -> memref<1x128x32xf32, #tpu.memory_space<vmem>>
    %dma_wait3A_196 = tpu.memref_squeeze %dma_wait3A_195 : memref<1x128x32xf32, #tpu.memory_space<vmem>> -> memref<128x32xf32, #tpu.memory_space<vmem>>
    %dma_wait3A_197 = arith.constant 0 : i32
    %dma_wait3A_198 = tpu.memref_slice %arg7[%dma_wait3A_190, %dma_wait3A_191, %dma_wait3A_197] : memref<2x16x128xi32, #tpu.memory_space<vmem>> -> memref<1x1x128xi32, #tpu.memory_space<vmem>>
    %dma_wait3A_199 = tpu.memref_squeeze %dma_wait3A_198 : memref<1x1x128xi32, #tpu.memory_space<vmem>> -> memref<128xi32, #tpu.memory_space<vmem>>
    %dma_wait3A_200 = arith.constant 0 : i32
    %dma_wait3A_201 = arith.constant 0 : i32
    %dma_wait3A_202 = tpu.memref_slice %arg2[%dma_wait3A_200, %dma_wait3A_201] : memref<100000x32xf32, #tpu.memory_space<hbm>> -> memref<100000x32xf32, #tpu.memory_space<hbm>>
    tpu.wait_indirect_dma semaphore(%arg11 : memref<!tpu.dma_semaphore, #tpu.memory_space<semaphore_mem>>) src(%dma_wait3A_202 : memref<100000x32xf32, #tpu.memory_space<hbm>>) dst(%dma_wait3A_196 : memref<128x32xf32, #tpu.memory_space<vmem>>)
    %dma_start3A_203 = arith.constant 1 : i32
    %dma_start3A_204 = arith.constant 0 : i32
    %dma_start3A_205 = arith.constant 12 : i32
    %dma_start3A_206 = arith.constant 0 : i32
    %dma_start3A_207 = arith.constant 0 : i32
    %dma_start3A_208 = tpu.memref_slice %arg9[%dma_start3A_203, %dma_start3A_206, %dma_start3A_207] : memref<5x128x32xf32, #tpu.memory_space<vmem>> -> memref<1x128x32xf32, #tpu.memory_space<vmem>>
    %dma_start3A_209 = tpu.memref_squeeze %dma_start3A_208 : memref<1x128x32xf32, #tpu.memory_space<vmem>> -> memref<128x32xf32, #tpu.memory_space<vmem>>
    %dma_start3A_210 = arith.constant 0 : i32
    %dma_start3A_211 = tpu.memref_slice %arg8[%dma_start3A_204, %dma_start3A_205, %dma_start3A_210] : memref<2x16x128xi32, #tpu.memory_space<vmem>> -> memref<1x1x128xi32, #tpu.memory_space<vmem>>
    %dma_start3A_212 = tpu.memref_squeeze %dma_start3A_211 : memref<1x1x128xi32, #tpu.memory_space<vmem>> -> memref<128xi32, #tpu.memory_space<vmem>>
    %dma_start3A_213 = arith.constant 0 : i32
    %dma_start3A_214 = arith.constant 0 : i32
    %dma_start3A_215 = tpu.memref_slice %arg10[%dma_start3A_213, %dma_start3A_214] : memref<50176x32xf32, #tpu.memory_space<vmem_shared>> -> memref<50176x32xf32, #tpu.memory_space<vmem_shared>>
    tpu.enqueue_indirect_dma source(%dma_start3A_209 : memref<128x32xf32, #tpu.memory_space<vmem>>) target(%dma_start3A_215 : memref<50176x32xf32, #tpu.memory_space<vmem_shared>>) offsets(%dma_start3A_212 : memref<128xi32, #tpu.memory_space<vmem>>) semaphore(%arg12 : memref<!tpu.dma_semaphore, #tpu.memory_space<semaphore_mem>>) {add = true}
    %dma_wait3A_216 = arith.constant 1 : i32
    %dma_wait3A_217 = arith.constant 0 : i32
    %dma_wait3A_218 = arith.constant 0 : i32
    %dma_wait3A_219 = arith.constant 0 : i32
    %dma_wait3A_220 = arith.constant 0 : i32
    %dma_wait3A_221 = tpu.memref_slice %arg9[%dma_wait3A_216, %dma_wait3A_219, %dma_wait3A_220] : memref<5x128x32xf32, #tpu.memory_space<vmem>> -> memref<1x128x32xf32, #tpu.memory_space<vmem>>
    %dma_wait3A_222 = tpu.memref_squeeze %dma_wait3A_221 : memref<1x128x32xf32, #tpu.memory_space<vmem>> -> memref<128x32xf32, #tpu.memory_space<vmem>>
    %dma_wait3A_223 = arith.constant 0 : i32
    %dma_wait3A_224 = tpu.memref_slice %arg8[%dma_wait3A_217, %dma_wait3A_218, %dma_wait3A_223] : memref<2x16x128xi32, #tpu.memory_space<vmem>> -> memref<1x1x128xi32, #tpu.memory_space<vmem>>
    %dma_wait3A_225 = tpu.memref_squeeze %dma_wait3A_224 : memref<1x1x128xi32, #tpu.memory_space<vmem>> -> memref<128xi32, #tpu.memory_space<vmem>>
    %dma_wait3A_226 = arith.constant 0 : i32
    %dma_wait3A_227 = arith.constant 0 : i32
    %dma_wait3A_228 = tpu.memref_slice %arg10[%dma_wait3A_226, %dma_wait3A_227] : memref<50176x32xf32, #tpu.memory_space<vmem_shared>> -> memref<50176x32xf32, #tpu.memory_space<vmem_shared>>
    tpu.wait_indirect_dma semaphore(%arg12 : memref<!tpu.dma_semaphore, #tpu.memory_space<semaphore_mem>>) src(%dma_wait3A_222 : memref<128x32xf32, #tpu.memory_space<vmem>>) dst(%dma_wait3A_228 : memref<50176x32xf32, #tpu.memory_space<vmem_shared>>)
    %dma_wait3A_229 = arith.constant 0 : i32
    %dma_wait3A_230 = arith.constant 0 : i32
    %dma_wait3A_231 = arith.constant 2 : i32
    %dma_wait3A_232 = arith.constant 0 : i32
    %dma_wait3A_233 = arith.constant 0 : i32
    %dma_wait3A_234 = tpu.memref_slice %arg9[%dma_wait3A_231, %dma_wait3A_232, %dma_wait3A_233] : memref<5x128x32xf32, #tpu.memory_space<vmem>> -> memref<1x128x32xf32, #tpu.memory_space<vmem>>
    %dma_wait3A_235 = tpu.memref_squeeze %dma_wait3A_234 : memref<1x128x32xf32, #tpu.memory_space<vmem>> -> memref<128x32xf32, #tpu.memory_space<vmem>>
    %dma_wait3A_236 = arith.constant 0 : i32
    %dma_wait3A_237 = tpu.memref_slice %arg7[%dma_wait3A_229, %dma_wait3A_230, %dma_wait3A_236] : memref<2x16x128xi32, #tpu.memory_space<vmem>> -> memref<1x1x128xi32, #tpu.memory_space<vmem>>
    %dma_wait3A_238 = tpu.memref_squeeze %dma_wait3A_237 : memref<1x1x128xi32, #tpu.memory_space<vmem>> -> memref<128xi32, #tpu.memory_space<vmem>>
    %dma_wait3A_239 = arith.constant 0 : i32
    %dma_wait3A_240 = arith.constant 0 : i32
    %dma_wait3A_241 = tpu.memref_slice %arg2[%dma_wait3A_239, %dma_wait3A_240] : memref<100000x32xf32, #tpu.memory_space<hbm>> -> memref<100000x32xf32, #tpu.memory_space<hbm>>
    tpu.wait_indirect_dma semaphore(%arg11 : memref<!tpu.dma_semaphore, #tpu.memory_space<semaphore_mem>>) src(%dma_wait3A_241 : memref<100000x32xf32, #tpu.memory_space<hbm>>) dst(%dma_wait3A_235 : memref<128x32xf32, #tpu.memory_space<vmem>>)
    %dma_start3A_242 = arith.constant 2 : i32
    %dma_start3A_243 = arith.constant 0 : i32
    %dma_start3A_244 = arith.constant 13 : i32
    %dma_start3A_245 = arith.constant 0 : i32
    %dma_start3A_246 = arith.constant 0 : i32
    %dma_start3A_247 = tpu.memref_slice %arg9[%dma_start3A_242, %dma_start3A_245, %dma_start3A_246] : memref<5x128x32xf32, #tpu.memory_space<vmem>> -> memref<1x128x32xf32, #tpu.memory_space<vmem>>
    %dma_start3A_248 = tpu.memref_squeeze %dma_start3A_247 : memref<1x128x32xf32, #tpu.memory_space<vmem>> -> memref<128x32xf32, #tpu.memory_space<vmem>>
    %dma_start3A_249 = arith.constant 0 : i32
    %dma_start3A_250 = tpu.memref_slice %arg8[%dma_start3A_243, %dma_start3A_244, %dma_start3A_249] : memref<2x16x128xi32, #tpu.memory_space<vmem>> -> memref<1x1x128xi32, #tpu.memory_space<vmem>>
    %dma_start3A_251 = tpu.memref_squeeze %dma_start3A_250 : memref<1x1x128xi32, #tpu.memory_space<vmem>> -> memref<128xi32, #tpu.memory_space<vmem>>
    %dma_start3A_252 = arith.constant 0 : i32
    %dma_start3A_253 = arith.constant 0 : i32
    %dma_start3A_254 = tpu.memref_slice %arg10[%dma_start3A_252, %dma_start3A_253] : memref<50176x32xf32, #tpu.memory_space<vmem_shared>> -> memref<50176x32xf32, #tpu.memory_space<vmem_shared>>
    tpu.enqueue_indirect_dma source(%dma_start3A_248 : memref<128x32xf32, #tpu.memory_space<vmem>>) target(%dma_start3A_254 : memref<50176x32xf32, #tpu.memory_space<vmem_shared>>) offsets(%dma_start3A_251 : memref<128xi32, #tpu.memory_space<vmem>>) semaphore(%arg12 : memref<!tpu.dma_semaphore, #tpu.memory_space<semaphore_mem>>) {add = true}
    %dma_wait3A_255 = arith.constant 2 : i32
    %dma_wait3A_256 = arith.constant 0 : i32
    %dma_wait3A_257 = arith.constant 0 : i32
    %dma_wait3A_258 = arith.constant 0 : i32
    %dma_wait3A_259 = arith.constant 0 : i32
    %dma_wait3A_260 = tpu.memref_slice %arg9[%dma_wait3A_255, %dma_wait3A_258, %dma_wait3A_259] : memref<5x128x32xf32, #tpu.memory_space<vmem>> -> memref<1x128x32xf32, #tpu.memory_space<vmem>>
    %dma_wait3A_261 = tpu.memref_squeeze %dma_wait3A_260 : memref<1x128x32xf32, #tpu.memory_space<vmem>> -> memref<128x32xf32, #tpu.memory_space<vmem>>
    %dma_wait3A_262 = arith.constant 0 : i32
    %dma_wait3A_263 = tpu.memref_slice %arg8[%dma_wait3A_256, %dma_wait3A_257, %dma_wait3A_262] : memref<2x16x128xi32, #tpu.memory_space<vmem>> -> memref<1x1x128xi32, #tpu.memory_space<vmem>>
    %dma_wait3A_264 = tpu.memref_squeeze %dma_wait3A_263 : memref<1x1x128xi32, #tpu.memory_space<vmem>> -> memref<128xi32, #tpu.memory_space<vmem>>
    %dma_wait3A_265 = arith.constant 0 : i32
    %dma_wait3A_266 = arith.constant 0 : i32
    %dma_wait3A_267 = tpu.memref_slice %arg10[%dma_wait3A_265, %dma_wait3A_266] : memref<50176x32xf32, #tpu.memory_space<vmem_shared>> -> memref<50176x32xf32, #tpu.memory_space<vmem_shared>>
    tpu.wait_indirect_dma semaphore(%arg12 : memref<!tpu.dma_semaphore, #tpu.memory_space<semaphore_mem>>) src(%dma_wait3A_261 : memref<128x32xf32, #tpu.memory_space<vmem>>) dst(%dma_wait3A_267 : memref<50176x32xf32, #tpu.memory_space<vmem_shared>>)
    %dma_wait3A_268 = arith.constant 0 : i32
    %dma_wait3A_269 = arith.constant 0 : i32
    %dma_wait3A_270 = arith.constant 3 : i32
    %dma_wait3A_271 = arith.constant 0 : i32
    %dma_wait3A_272 = arith.constant 0 : i32
    %dma_wait3A_273 = tpu.memref_slice %arg9[%dma_wait3A_270, %dma_wait3A_271, %dma_wait3A_272] : memref<5x128x32xf32, #tpu.memory_space<vmem>> -> memref<1x128x32xf32, #tpu.memory_space<vmem>>
    %dma_wait3A_274 = tpu.memref_squeeze %dma_wait3A_273 : memref<1x128x32xf32, #tpu.memory_space<vmem>> -> memref<128x32xf32, #tpu.memory_space<vmem>>
    %dma_wait3A_275 = arith.constant 0 : i32
    %dma_wait3A_276 = tpu.memref_slice %arg7[%dma_wait3A_268, %dma_wait3A_269, %dma_wait3A_275] : memref<2x16x128xi32, #tpu.memory_space<vmem>> -> memref<1x1x128xi32, #tpu.memory_space<vmem>>
    %dma_wait3A_277 = tpu.memref_squeeze %dma_wait3A_276 : memref<1x1x128xi32, #tpu.memory_space<vmem>> -> memref<128xi32, #tpu.memory_space<vmem>>
    %dma_wait3A_278 = arith.constant 0 : i32
    %dma_wait3A_279 = arith.constant 0 : i32
    %dma_wait3A_280 = tpu.memref_slice %arg2[%dma_wait3A_278, %dma_wait3A_279] : memref<100000x32xf32, #tpu.memory_space<hbm>> -> memref<100000x32xf32, #tpu.memory_space<hbm>>
    tpu.wait_indirect_dma semaphore(%arg11 : memref<!tpu.dma_semaphore, #tpu.memory_space<semaphore_mem>>) src(%dma_wait3A_280 : memref<100000x32xf32, #tpu.memory_space<hbm>>) dst(%dma_wait3A_274 : memref<128x32xf32, #tpu.memory_space<vmem>>)
    %dma_start3A_281 = arith.constant 3 : i32
    %dma_start3A_282 = arith.constant 0 : i32
    %dma_start3A_283 = arith.constant 14 : i32
    %dma_start3A_284 = arith.constant 0 : i32
    %dma_start3A_285 = arith.constant 0 : i32
    %dma_start3A_286 = tpu.memref_slice %arg9[%dma_start3A_281, %dma_start3A_284, %dma_start3A_285] : memref<5x128x32xf32, #tpu.memory_space<vmem>> -> memref<1x128x32xf32, #tpu.memory_space<vmem>>
    %dma_start3A_287 = tpu.memref_squeeze %dma_start3A_286 : memref<1x128x32xf32, #tpu.memory_space<vmem>> -> memref<128x32xf32, #tpu.memory_space<vmem>>
    %dma_start3A_288 = arith.constant 0 : i32
    %dma_start3A_289 = tpu.memref_slice %arg8[%dma_start3A_282, %dma_start3A_283, %dma_start3A_288] : memref<2x16x128xi32, #tpu.memory_space<vmem>> -> memref<1x1x128xi32, #tpu.memory_space<vmem>>
    %dma_start3A_290 = tpu.memref_squeeze %dma_start3A_289 : memref<1x1x128xi32, #tpu.memory_space<vmem>> -> memref<128xi32, #tpu.memory_space<vmem>>
    %dma_start3A_291 = arith.constant 0 : i32
    %dma_start3A_292 = arith.constant 0 : i32
    %dma_start3A_293 = tpu.memref_slice %arg10[%dma_start3A_291, %dma_start3A_292] : memref<50176x32xf32, #tpu.memory_space<vmem_shared>> -> memref<50176x32xf32, #tpu.memory_space<vmem_shared>>
    tpu.enqueue_indirect_dma source(%dma_start3A_287 : memref<128x32xf32, #tpu.memory_space<vmem>>) target(%dma_start3A_293 : memref<50176x32xf32, #tpu.memory_space<vmem_shared>>) offsets(%dma_start3A_290 : memref<128xi32, #tpu.memory_space<vmem>>) semaphore(%arg12 : memref<!tpu.dma_semaphore, #tpu.memory_space<semaphore_mem>>) {add = true}
    %dma_wait3A_294 = arith.constant 3 : i32
    %dma_wait3A_295 = arith.constant 0 : i32
    %dma_wait3A_296 = arith.constant 0 : i32
    %dma_wait3A_297 = arith.constant 0 : i32
    %dma_wait3A_298 = arith.constant 0 : i32
    %dma_wait3A_299 = tpu.memref_slice %arg9[%dma_wait3A_294, %dma_wait3A_297, %dma_wait3A_298] : memref<5x128x32xf32, #tpu.memory_space<vmem>> -> memref<1x128x32xf32, #tpu.memory_space<vmem>>
    %dma_wait3A_300 = tpu.memref_squeeze %dma_wait3A_299 : memref<1x128x32xf32, #tpu.memory_space<vmem>> -> memref<128x32xf32, #tpu.memory_space<vmem>>
    %dma_wait3A_301 = arith.constant 0 : i32
    %dma_wait3A_302 = tpu.memref_slice %arg8[%dma_wait3A_295, %dma_wait3A_296, %dma_wait3A_301] : memref<2x16x128xi32, #tpu.memory_space<vmem>> -> memref<1x1x128xi32, #tpu.memory_space<vmem>>
    %dma_wait3A_303 = tpu.memref_squeeze %dma_wait3A_302 : memref<1x1x128xi32, #tpu.memory_space<vmem>> -> memref<128xi32, #tpu.memory_space<vmem>>
    %dma_wait3A_304 = arith.constant 0 : i32
    %dma_wait3A_305 = arith.constant 0 : i32
    %dma_wait3A_306 = tpu.memref_slice %arg10[%dma_wait3A_304, %dma_wait3A_305] : memref<50176x32xf32, #tpu.memory_space<vmem_shared>> -> memref<50176x32xf32, #tpu.memory_space<vmem_shared>>
    tpu.wait_indirect_dma semaphore(%arg12 : memref<!tpu.dma_semaphore, #tpu.memory_space<semaphore_mem>>) src(%dma_wait3A_300 : memref<128x32xf32, #tpu.memory_space<vmem>>) dst(%dma_wait3A_306 : memref<50176x32xf32, #tpu.memory_space<vmem_shared>>)
    %dma_wait3A_307 = arith.constant 0 : i32
    %dma_wait3A_308 = arith.constant 0 : i32
    %dma_wait3A_309 = arith.constant 4 : i32
    %dma_wait3A_310 = arith.constant 0 : i32
    %dma_wait3A_311 = arith.constant 0 : i32
    %dma_wait3A_312 = tpu.memref_slice %arg9[%dma_wait3A_309, %dma_wait3A_310, %dma_wait3A_311] : memref<5x128x32xf32, #tpu.memory_space<vmem>> -> memref<1x128x32xf32, #tpu.memory_space<vmem>>
    %dma_wait3A_313 = tpu.memref_squeeze %dma_wait3A_312 : memref<1x128x32xf32, #tpu.memory_space<vmem>> -> memref<128x32xf32, #tpu.memory_space<vmem>>
    %dma_wait3A_314 = arith.constant 0 : i32
    %dma_wait3A_315 = tpu.memref_slice %arg7[%dma_wait3A_307, %dma_wait3A_308, %dma_wait3A_314] : memref<2x16x128xi32, #tpu.memory_space<vmem>> -> memref<1x1x128xi32, #tpu.memory_space<vmem>>
    %dma_wait3A_316 = tpu.memref_squeeze %dma_wait3A_315 : memref<1x1x128xi32, #tpu.memory_space<vmem>> -> memref<128xi32, #tpu.memory_space<vmem>>
    %dma_wait3A_317 = arith.constant 0 : i32
    %dma_wait3A_318 = arith.constant 0 : i32
    %dma_wait3A_319 = tpu.memref_slice %arg2[%dma_wait3A_317, %dma_wait3A_318] : memref<100000x32xf32, #tpu.memory_space<hbm>> -> memref<100000x32xf32, #tpu.memory_space<hbm>>
    tpu.wait_indirect_dma semaphore(%arg11 : memref<!tpu.dma_semaphore, #tpu.memory_space<semaphore_mem>>) src(%dma_wait3A_319 : memref<100000x32xf32, #tpu.memory_space<hbm>>) dst(%dma_wait3A_313 : memref<128x32xf32, #tpu.memory_space<vmem>>)
    %dma_start3A_320 = arith.constant 4 : i32
    %dma_start3A_321 = arith.constant 0 : i32
    %dma_start3A_322 = arith.constant 15 : i32
    %dma_start3A_323 = arith.constant 0 : i32
    %dma_start3A_324 = arith.constant 0 : i32
    %dma_start3A_325 = tpu.memref_slice %arg9[%dma_start3A_320, %dma_start3A_323, %dma_start3A_324] : memref<5x128x32xf32, #tpu.memory_space<vmem>> -> memref<1x128x32xf32, #tpu.memory_space<vmem>>
    %dma_start3A_326 = tpu.memref_squeeze %dma_start3A_325 : memref<1x128x32xf32, #tpu.memory_space<vmem>> -> memref<128x32xf32, #tpu.memory_space<vmem>>
    %dma_start3A_327 = arith.constant 0 : i32
    %dma_start3A_328 = tpu.memref_slice %arg8[%dma_start3A_321, %dma_start3A_322, %dma_start3A_327] : memref<2x16x128xi32, #tpu.memory_space<vmem>> -> memref<1x1x128xi32, #tpu.memory_space<vmem>>
    %dma_start3A_329 = tpu.memref_squeeze %dma_start3A_328 : memref<1x1x128xi32, #tpu.memory_space<vmem>> -> memref<128xi32, #tpu.memory_space<vmem>>
    %dma_start3A_330 = arith.constant 0 : i32
    %dma_start3A_331 = arith.constant 0 : i32
    %dma_start3A_332 = tpu.memref_slice %arg10[%dma_start3A_330, %dma_start3A_331] : memref<50176x32xf32, #tpu.memory_space<vmem_shared>> -> memref<50176x32xf32, #tpu.memory_space<vmem_shared>>
    tpu.enqueue_indirect_dma source(%dma_start3A_326 : memref<128x32xf32, #tpu.memory_space<vmem>>) target(%dma_start3A_332 : memref<50176x32xf32, #tpu.memory_space<vmem_shared>>) offsets(%dma_start3A_329 : memref<128xi32, #tpu.memory_space<vmem>>) semaphore(%arg12 : memref<!tpu.dma_semaphore, #tpu.memory_space<semaphore_mem>>) {add = true}
    %dma_wait3A_333 = arith.constant 4 : i32
    %dma_wait3A_334 = arith.constant 0 : i32
    %dma_wait3A_335 = arith.constant 0 : i32
    %dma_wait3A_336 = arith.constant 0 : i32
    %dma_wait3A_337 = arith.constant 0 : i32
    %dma_wait3A_338 = tpu.memref_slice %arg9[%dma_wait3A_333, %dma_wait3A_336, %dma_wait3A_337] : memref<5x128x32xf32, #tpu.memory_space<vmem>> -> memref<1x128x32xf32, #tpu.memory_space<vmem>>
    %dma_wait3A_339 = tpu.memref_squeeze %dma_wait3A_338 : memref<1x128x32xf32, #tpu.memory_space<vmem>> -> memref<128x32xf32, #tpu.memory_space<vmem>>
    %dma_wait3A_340 = arith.constant 0 : i32
    %dma_wait3A_341 = tpu.memref_slice %arg8[%dma_wait3A_334, %dma_wait3A_335, %dma_wait3A_340] : memref<2x16x128xi32, #tpu.memory_space<vmem>> -> memref<1x1x128xi32, #tpu.memory_space<vmem>>
    %dma_wait3A_342 = tpu.memref_squeeze %dma_wait3A_341 : memref<1x1x128xi32, #tpu.memory_space<vmem>> -> memref<128xi32, #tpu.memory_space<vmem>>
    %dma_wait3A_343 = arith.constant 0 : i32
    %dma_wait3A_344 = arith.constant 0 : i32
    %dma_wait3A_345 = tpu.memref_slice %arg10[%dma_wait3A_343, %dma_wait3A_344] : memref<50176x32xf32, #tpu.memory_space<vmem_shared>> -> memref<50176x32xf32, #tpu.memory_space<vmem_shared>>
    tpu.wait_indirect_dma semaphore(%arg12 : memref<!tpu.dma_semaphore, #tpu.memory_space<semaphore_mem>>) src(%dma_wait3A_339 : memref<128x32xf32, #tpu.memory_space<vmem>>) dst(%dma_wait3A_345 : memref<50176x32xf32, #tpu.memory_space<vmem_shared>>)
    %dma_wait3A_346 = arith.constant 0 : i32
    %dma_wait3A_347 = arith.constant 0 : i32
    %dma_wait3A_348 = arith.constant 0 : i32
    %dma_wait3A_349 = arith.constant 0 : i32
    %dma_wait3A_350 = arith.constant 0 : i32
    %dma_wait3A_351 = tpu.memref_slice %arg9[%dma_wait3A_346, %dma_wait3A_349, %dma_wait3A_350] : memref<5x128x32xf32, #tpu.memory_space<vmem>> -> memref<1x128x32xf32, #tpu.memory_space<vmem>>
    %dma_wait3A_352 = tpu.memref_squeeze %dma_wait3A_351 : memref<1x128x32xf32, #tpu.memory_space<vmem>> -> memref<128x32xf32, #tpu.memory_space<vmem>>
    %dma_wait3A_353 = arith.constant 0 : i32
    %dma_wait3A_354 = tpu.memref_slice %arg8[%dma_wait3A_347, %dma_wait3A_348, %dma_wait3A_353] : memref<2x16x128xi32, #tpu.memory_space<vmem>> -> memref<1x1x128xi32, #tpu.memory_space<vmem>>
    %dma_wait3A_355 = tpu.memref_squeeze %dma_wait3A_354 : memref<1x1x128xi32, #tpu.memory_space<vmem>> -> memref<128xi32, #tpu.memory_space<vmem>>
    %dma_wait3A_356 = arith.constant 0 : i32
    %dma_wait3A_357 = arith.constant 0 : i32
    %dma_wait3A_358 = tpu.memref_slice %arg10[%dma_wait3A_356, %dma_wait3A_357] : memref<50176x32xf32, #tpu.memory_space<vmem_shared>> -> memref<50176x32xf32, #tpu.memory_space<vmem_shared>>
    tpu.wait_indirect_dma semaphore(%arg12 : memref<!tpu.dma_semaphore, #tpu.memory_space<semaphore_mem>>) src(%dma_wait3A_352 : memref<128x32xf32, #tpu.memory_space<vmem>>) dst(%dma_wait3A_358 : memref<50176x32xf32, #tpu.memory_space<vmem_shared>>)
    %dma_wait3A_359 = arith.constant 0 : i32
    %dma_wait3A_360 = arith.constant 0 : i32
    %dma_wait3A_361 = arith.constant 0 : i32
    %dma_wait3A_362 = tpu.memref_slice %arg7[%dma_wait3A_359, %dma_wait3A_360, %dma_wait3A_361] : memref<2x16x128xi32, #tpu.memory_space<vmem>> -> memref<1x16x128xi32, #tpu.memory_space<vmem>>
    %dma_wait3A_363 = tpu.memref_squeeze %dma_wait3A_362 : memref<1x16x128xi32, #tpu.memory_space<vmem>> -> memref<16x128xi32, #tpu.memory_space<vmem>>
    %dma_wait3A_364 = arith.constant 0 : i32
    %dma_wait3A_365 = tpu.memref_slice %arg3[%arg0, %mul3A_0, %dma_wait3A_364] : memref<2x6400x128xi32, #tpu.memory_space<hbm>> -> memref<1x16x128xi32, #tpu.memory_space<hbm>>
    %dma_wait3A_366 = tpu.memref_squeeze %dma_wait3A_365 : memref<1x16x128xi32, #tpu.memory_space<hbm>> -> memref<16x128xi32, #tpu.memory_space<hbm>>
    %dma_wait3A_367 = arith.constant 0 : i32
    %dma_wait3A_368 = arith.constant 0 : i32
    %dma_wait3A_369 = tpu.memref_slice %arg7[%dma_wait3A_359, %dma_wait3A_367, %dma_wait3A_368] : memref<2x16x128xi32, #tpu.memory_space<vmem>> -> memref<1x16x128xi32, #tpu.memory_space<vmem>>
    %dma_wait3A_370 = tpu.memref_squeeze %dma_wait3A_369 : memref<1x16x128xi32, #tpu.memory_space<vmem>> -> memref<16x128xi32, #tpu.memory_space<vmem>>
    %dma_wait3A_371 = arith.constant 0 : i32
    %dma_wait3A_372 = tpu.memref_slice %arg3[%arg0, %mul3A_0, %dma_wait3A_371] : memref<2x6400x128xi32, #tpu.memory_space<hbm>> -> memref<1x16x128xi32, #tpu.memory_space<hbm>>
    %dma_wait3A_373 = tpu.memref_squeeze %dma_wait3A_372 : memref<1x16x128xi32, #tpu.memory_space<hbm>> -> memref<16x128xi32, #tpu.memory_space<hbm>>
    tpu.wait_dma2 semaphore(%arg13 : memref<!tpu.dma_semaphore, #tpu.memory_space<semaphore_mem>>) src(%dma_wait3A_373 : memref<16x128xi32, #tpu.memory_space<hbm>>) dst(%dma_wait3A_370 : memref<16x128xi32, #tpu.memory_space<vmem>>)
    %dma_wait3A_374 = arith.constant 0 : i32
    %dma_wait3A_375 = arith.constant 0 : i32
    %dma_wait3A_376 = arith.constant 0 : i32
    %dma_wait3A_377 = tpu.memref_slice %arg8[%dma_wait3A_374, %dma_wait3A_375, %dma_wait3A_376] : memref<2x16x128xi32, #tpu.memory_space<vmem>> -> memref<1x16x128xi32, #tpu.memory_space<vmem>>
    %dma_wait3A_378 = tpu.memref_squeeze %dma_wait3A_377 : memref<1x16x128xi32, #tpu.memory_space<vmem>> -> memref<16x128xi32, #tpu.memory_space<vmem>>
    %dma_wait3A_379 = arith.constant 0 : i32
    %dma_wait3A_380 = tpu.memref_slice %arg4[%mul3A_0, %dma_wait3A_379] : memref<6400x128xi32, #tpu.memory_space<hbm>> -> memref<16x128xi32, #tpu.memory_space<hbm>>
    %dma_wait3A_381 = arith.constant 0 : i32
    %dma_wait3A_382 = arith.constant 0 : i32
    %dma_wait3A_383 = tpu.memref_slice %arg8[%dma_wait3A_374, %dma_wait3A_381, %dma_wait3A_382] : memref<2x16x128xi32, #tpu.memory_space<vmem>> -> memref<1x16x128xi32, #tpu.memory_space<vmem>>
    %dma_wait3A_384 = tpu.memref_squeeze %dma_wait3A_383 : memref<1x16x128xi32, #tpu.memory_space<vmem>> -> memref<16x128xi32, #tpu.memory_space<vmem>>
    %dma_wait3A_385 = arith.constant 0 : i32
    %dma_wait3A_386 = tpu.memref_slice %arg4[%mul3A_0, %dma_wait3A_385] : memref<6400x128xi32, #tpu.memory_space<hbm>> -> memref<16x128xi32, #tpu.memory_space<hbm>>
    tpu.wait_dma2 semaphore(%arg13 : memref<!tpu.dma_semaphore, #tpu.memory_space<semaphore_mem>>) src(%dma_wait3A_386 : memref<16x128xi32, #tpu.memory_space<hbm>>) dst(%dma_wait3A_384 : memref<16x128xi32, #tpu.memory_space<vmem>>)
    %barrier3A_387 = arith.constant 0 : index
    tpu.barrier barrier_id(%barrier3A_387)
    %mul3A_388 = arith.constant 1564 : i32
    %mul3A_389 = arith.muli %arg1, %mul3A_388 : i32
    %mul3A_390 = arith.constant 32 : i32
    %mul3A_391 = arith.muli %arg0, %mul3A_390 : i32
    "tpu.region"() ({
      %run_scoped3A = tpu.sem_alloc : memref<!tpu.dma_semaphore, #tpu.memory_space<semaphore_mem>>
      %dma_start3A_398 = tpu.memref_slice %arg6[%mul3A_389, %mul3A_391] : memref<25024x128xf32, #tpu.memory_space<hbm>> -> memref<1564x32xf32, #tpu.memory_space<hbm>>
      %dma_start3A_399 = arith.constant 0 : i32
      %dma_start3A_400 = tpu.memref_slice %arg10[%mul3A_389, %dma_start3A_399] : memref<50176x32xf32, #tpu.memory_space<vmem_shared>> -> memref<1564x32xf32, #tpu.memory_space<vmem_shared>>
      tpu.enqueue_dma source(%dma_start3A_400 : memref<1564x32xf32, #tpu.memory_space<vmem_shared>>) target(%dma_start3A_398 : memref<1564x32xf32, #tpu.memory_space<hbm>>) target_semaphore(%run_scoped3A : memref<!tpu.dma_semaphore, #tpu.memory_space<semaphore_mem>>)
      %dma_wait3A_401 = tpu.memref_slice %arg6[%mul3A_389, %mul3A_391] : memref<25024x128xf32, #tpu.memory_space<hbm>> -> memref<1564x32xf32, #tpu.memory_space<hbm>>
      %dma_wait3A_402 = arith.constant 0 : i32
      %dma_wait3A_403 = tpu.memref_slice %arg10[%mul3A_389, %dma_wait3A_402] : memref<50176x32xf32, #tpu.memory_space<vmem_shared>> -> memref<1564x32xf32, #tpu.memory_space<vmem_shared>>
      tpu.wait_dma2 semaphore(%run_scoped3A : memref<!tpu.dma_semaphore, #tpu.memory_space<semaphore_mem>>) src(%dma_wait3A_403 : memref<1564x32xf32, #tpu.memory_space<vmem_shared>>) dst(%dma_wait3A_401 : memref<1564x32xf32, #tpu.memory_space<hbm>>)
      tpu.yield
    }) : () -> ()
    %add3A_392 = arith.constant 25088 : i32
    %add3A_393 = arith.addi %add3A_392, %mul3A_389 : i32
    %mul3A_394 = arith.constant 32 : i32
    %mul3A_395 = arith.muli %arg0, %mul3A_394 : i32
    %add3A_396 = arith.constant 64 : i32
    %add3A_397 = arith.addi %add3A_396, %mul3A_395 : i32
    "tpu.region"() ({
      %run_scoped3A = tpu.sem_alloc : memref<!tpu.dma_semaphore, #tpu.memory_space<semaphore_mem>>
      %dma_start3A_398 = tpu.memref_slice %arg6[%mul3A_389, %add3A_397] : memref<25024x128xf32, #tpu.memory_space<hbm>> -> memref<1564x32xf32, #tpu.memory_space<hbm>>
      %dma_start3A_399 = arith.constant 0 : i32
      %dma_start3A_400 = tpu.memref_slice %arg10[%add3A_393, %dma_start3A_399] : memref<50176x32xf32, #tpu.memory_space<vmem_shared>> -> memref<1564x32xf32, #tpu.memory_space<vmem_shared>>
      tpu.enqueue_dma source(%dma_start3A_400 : memref<1564x32xf32, #tpu.memory_space<vmem_shared>>) target(%dma_start3A_398 : memref<1564x32xf32, #tpu.memory_space<hbm>>) target_semaphore(%run_scoped3A : memref<!tpu.dma_semaphore, #tpu.memory_space<semaphore_mem>>)
      %dma_wait3A_401 = tpu.memref_slice %arg6[%mul3A_389, %add3A_397] : memref<25024x128xf32, #tpu.memory_space<hbm>> -> memref<1564x32xf32, #tpu.memory_space<hbm>>
      %dma_wait3A_402 = arith.constant 0 : i32
      %dma_wait3A_403 = tpu.memref_slice %arg10[%add3A_393, %dma_wait3A_402] : memref<50176x32xf32, #tpu.memory_space<vmem_shared>> -> memref<1564x32xf32, #tpu.memory_space<vmem_shared>>
      tpu.wait_dma2 semaphore(%run_scoped3A : memref<!tpu.dma_semaphore, #tpu.memory_space<semaphore_mem>>) src(%dma_wait3A_403 : memref<1564x32xf32, #tpu.memory_space<vmem_shared>>) dst(%dma_wait3A_401 : memref<1564x32xf32, #tpu.memory_space<hbm>>)
      tpu.yield
    }) : () -> ()
    return
  }
}

#map = affine_map<(d0, d1) -> (0, 0)>
#map1 = affine_map<(d0, d1) -> (0, 0, 0)>
module attributes {stable_mosaic.version = 14 : i64} {
  func.func @_seg_sum_body(%arg0: i32, %arg1: i32, %arg2: memref<100000x32xf32, #tpu.memory_space<hbm>>, %arg3: memref<2x6400x128xi32, #tpu.memory_space<hbm>>, %arg4: memref<6400x128xi32, #tpu.memory_space<hbm>>, %arg5: memref<50176x32xf32, #tpu.memory_space<hbm>>, %arg6: memref<25024x128xf32, #tpu.memory_space<hbm>>, %arg7: memref<2x16x128xi32, #tpu.memory_space<vmem>>, %arg8: memref<2x16x128xi32, #tpu.memory_space<vmem>>, %arg9: memref<5x128x32xf32, #tpu.memory_space<vmem>>, %arg10: memref<50176x32xf32, #tpu.memory_space<vmem_shared>>, %arg11: memref<!tpu.dma_semaphore, #tpu.memory_space<semaphore_mem>>, %arg12: memref<!tpu.dma_semaphore, #tpu.memory_space<semaphore_mem>>, %arg13: memref<!tpu.dma_semaphore, #tpu.memory_space<semaphore_mem>>) attributes {dimension_semantics = [#tpu.dimension_semantics<core_parallel>, #tpu.dimension_semantics<subcore_parallel>], iteration_bounds = array<i64: 2, 16>, scalar_prefetch = 0 : i64, scratch_operands = 7 : i64, tpu.core_type = #tpu.core_type<sc_vector_subcore>, window_params = [{transform_indices = #map}, {transform_indices = #map1}, {transform_indices = #map}, {transform_indices = #map}, {transform_indices = #map}]} {
    %mul3A = arith.constant 400 : i32
    %mul3A_0 = arith.muli %arg1, %mul3A : i32
    %mul3A_1 = arith.constant 0 : i32
    %mul3A_2 = arith.constant 16 : i32
    %mul3A_3 = arith.muli %mul3A_1, %mul3A_2 : i32
    %add3A = arith.addi %mul3A_0, %mul3A_3 : i32
    %dma_start3A = arith.constant 0 : i32
    %dma_start3A_4 = arith.constant 0 : i32
    %dma_start3A_5 = arith.constant 0 : i32
    %dma_start3A_6 = tpu.memref_slice %arg7[%dma_start3A, %dma_start3A_4, %dma_start3A_5] : memref<2x16x128xi32, #tpu.memory_space<vmem>> -> memref<1x16x128xi32, #tpu.memory_space<vmem>>
    %dma_start3A_7 = tpu.memref_squeeze %dma_start3A_6 : memref<1x16x128xi32, #tpu.memory_space<vmem>> -> memref<16x128xi32, #tpu.memory_space<vmem>>
    %dma_start3A_8 = arith.constant 0 : i32
    %dma_start3A_9 = tpu.memref_slice %arg3[%arg0, %add3A, %dma_start3A_8] : memref<2x6400x128xi32, #tpu.memory_space<hbm>> -> memref<1x16x128xi32, #tpu.memory_space<hbm>>
    %dma_start3A_10 = tpu.memref_squeeze %dma_start3A_9 : memref<1x16x128xi32, #tpu.memory_space<hbm>> -> memref<16x128xi32, #tpu.memory_space<hbm>>
    %dma_start3A_11 = arith.constant 0 : i32
    %dma_start3A_12 = arith.constant 0 : i32
    %dma_start3A_13 = tpu.memref_slice %arg7[%dma_start3A, %dma_start3A_11, %dma_start3A_12] : memref<2x16x128xi32, #tpu.memory_space<vmem>> -> memref<1x16x128xi32, #tpu.memory_space<vmem>>
    %dma_start3A_14 = tpu.memref_squeeze %dma_start3A_13 : memref<1x16x128xi32, #tpu.memory_space<vmem>> -> memref<16x128xi32, #tpu.memory_space<vmem>>
    %dma_start3A_15 = arith.constant 0 : i32
    %dma_start3A_16 = tpu.memref_slice %arg3[%arg0, %add3A, %dma_start3A_15] : memref<2x6400x128xi32, #tpu.memory_space<hbm>> -> memref<1x16x128xi32, #tpu.memory_space<hbm>>
    %dma_start3A_17 = tpu.memref_squeeze %dma_start3A_16 : memref<1x16x128xi32, #tpu.memory_space<hbm>> -> memref<16x128xi32, #tpu.memory_space<hbm>>
    tpu.enqueue_dma source(%dma_start3A_17 : memref<16x128xi32, #tpu.memory_space<hbm>>) target(%dma_start3A_14 : memref<16x128xi32, #tpu.memory_space<vmem>>) target_semaphore(%arg13 : memref<!tpu.dma_semaphore, #tpu.memory_space<semaphore_mem>>)
    %dma_start3A_18 = arith.constant 0 : i32
    %dma_start3A_19 = arith.constant 0 : i32
    %dma_start3A_20 = arith.constant 0 : i32
    %dma_start3A_21 = tpu.memref_slice %arg8[%dma_start3A_18, %dma_start3A_19, %dma_start3A_20] : memref<2x16x128xi32, #tpu.memory_space<vmem>> -> memref<1x16x128xi32, #tpu.memory_space<vmem>>
    %dma_start3A_22 = tpu.memref_squeeze %dma_start3A_21 : memref<1x16x128xi32, #tpu.memory_space<vmem>> -> memref<16x128xi32, #tpu.memory_space<vmem>>
    %dma_start3A_23 = arith.constant 0 : i32
    %dma_start3A_24 = tpu.memref_slice %arg4[%add3A, %dma_start3A_23] : memref<6400x128xi32, #tpu.memory_space<hbm>> -> memref<16x128xi32, #tpu.memory_space<hbm>>
    %dma_start3A_25 = arith.constant 0 : i32
    %dma_start3A_26 = arith.constant 0 : i32
    %dma_start3A_27 = tpu.memref_slice %arg8[%dma_start3A_18, %dma_start3A_25, %dma_start3A_26] : memref<2x16x128xi32, #tpu.memory_space<vmem>> -> memref<1x16x128xi32, #tpu.memory_space<vmem>>
    %dma_start3A_28 = tpu.memref_squeeze %dma_start3A_27 : memref<1x16x128xi32, #tpu.memory_space<vmem>> -> memref<16x128xi32, #tpu.memory_space<vmem>>
    %dma_start3A_29 = arith.constant 0 : i32
    %dma_start3A_30 = tpu.memref_slice %arg4[%add3A, %dma_start3A_29] : memref<6400x128xi32, #tpu.memory_space<hbm>> -> memref<16x128xi32, #tpu.memory_space<hbm>>
    tpu.enqueue_dma source(%dma_start3A_30 : memref<16x128xi32, #tpu.memory_space<hbm>>) target(%dma_start3A_28 : memref<16x128xi32, #tpu.memory_space<vmem>>) target_semaphore(%arg13 : memref<!tpu.dma_semaphore, #tpu.memory_space<semaphore_mem>>)
    %mul3A_31 = arith.constant 3136 : i32
    %mul3A_32 = arith.muli %arg1, %mul3A_31 : i32
    %mul3A_33 = arith.constant 3136 : i32
    %mul3A_34 = arith.muli %arg1, %mul3A_33 : i32
    "tpu.region"() ({
      %run_scoped3A = tpu.sem_alloc : memref<!tpu.dma_semaphore, #tpu.memory_space<semaphore_mem>>
      %dma_start3A_398 = arith.constant 0 : i32
      %dma_start3A_399 = tpu.memref_slice %arg10[%mul3A_34, %dma_start3A_398] : memref<50176x32xf32, #tpu.memory_space<vmem_shared>> -> memref<3136x32xf32, #tpu.memory_space<vmem_shared>>
      %dma_start3A_400 = arith.constant 0 : i32
      %dma_start3A_401 = tpu.memref_slice %arg5[%mul3A_32, %dma_start3A_400] : memref<50176x32xf32, #tpu.memory_space<hbm>> -> memref<3136x32xf32, #tpu.memory_space<hbm>>
      tpu.enqueue_dma source(%dma_start3A_401 : memref<3136x32xf32, #tpu.memory_space<hbm>>) target(%dma_start3A_399 : memref<3136x32xf32, #tpu.memory_space<vmem_shared>>) target_semaphore(%run_scoped3A : memref<!tpu.dma_semaphore, #tpu.memory_space<semaphore_mem>>)
      %dma_wait3A_402 = arith.constant 0 : i32
      %dma_wait3A_403 = tpu.memref_slice %arg10[%mul3A_34, %dma_wait3A_402] : memref<50176x32xf32, #tpu.memory_space<vmem_shared>> -> memref<3136x32xf32, #tpu.memory_space<vmem_shared>>
      %dma_wait3A_404 = arith.constant 0 : i32
      %dma_wait3A_405 = tpu.memref_slice %arg5[%mul3A_32, %dma_wait3A_404] : memref<50176x32xf32, #tpu.memory_space<hbm>> -> memref<3136x32xf32, #tpu.memory_space<hbm>>
      tpu.wait_dma2 semaphore(%run_scoped3A : memref<!tpu.dma_semaphore, #tpu.memory_space<semaphore_mem>>) src(%dma_wait3A_405 : memref<3136x32xf32, #tpu.memory_space<hbm>>) dst(%dma_wait3A_403 : memref<3136x32xf32, #tpu.memory_space<vmem_shared>>)
      tpu.yield
    }) : () -> ()
    %barrier3A = arith.constant 0 : index
    tpu.barrier barrier_id(%barrier3A)
    %dma_wait3A = arith.constant 0 : i32
    %dma_wait3A_35 = arith.constant 0 : i32
    %dma_wait3A_36 = arith.constant 0 : i32
    %dma_wait3A_37 = tpu.memref_slice %arg7[%dma_wait3A, %dma_wait3A_35, %dma_wait3A_36] : memref<2x16x128xi32, #tpu.memory_space<vmem>> -> memref<1x16x128xi32, #tpu.memory_space<vmem>>
    %dma_wait3A_38 = tpu.memref_squeeze %dma_wait3A_37 : memref<1x16x128xi32, #tpu.memory_space<vmem>> -> memref<16x128xi32, #tpu.memory_space<vmem>>
    %dma_wait3A_39 = arith.constant 0 : i32
    %dma_wait3A_40 = tpu.memref_slice %arg3[%arg0, %mul3A_0, %dma_wait3A_39] : memref<2x6400x128xi32, #tpu.memory_space<hbm>> -> memref<1x16x128xi32, #tpu.memory_space<hbm>>
    %dma_wait3A_41 = tpu.memref_squeeze %dma_wait3A_40 : memref<1x16x128xi32, #tpu.memory_space<hbm>> -> memref<16x128xi32, #tpu.memory_space<hbm>>
    %dma_wait3A_42 = arith.constant 0 : i32
    %dma_wait3A_43 = arith.constant 0 : i32
    %dma_wait3A_44 = tpu.memref_slice %arg7[%dma_wait3A, %dma_wait3A_42, %dma_wait3A_43] : memref<2x16x128xi32, #tpu.memory_space<vmem>> -> memref<1x16x128xi32, #tpu.memory_space<vmem>>
    %dma_wait3A_45 = tpu.memref_squeeze %dma_wait3A_44 : memref<1x16x128xi32, #tpu.memory_space<vmem>> -> memref<16x128xi32, #tpu.memory_space<vmem>>
    %dma_wait3A_46 = arith.constant 0 : i32
    %dma_wait3A_47 = tpu.memref_slice %arg3[%arg0, %mul3A_0, %dma_wait3A_46] : memref<2x6400x128xi32, #tpu.memory_space<hbm>> -> memref<1x16x128xi32, #tpu.memory_space<hbm>>
    %dma_wait3A_48 = tpu.memref_squeeze %dma_wait3A_47 : memref<1x16x128xi32, #tpu.memory_space<hbm>> -> memref<16x128xi32, #tpu.memory_space<hbm>>
    tpu.wait_dma2 semaphore(%arg13 : memref<!tpu.dma_semaphore, #tpu.memory_space<semaphore_mem>>) src(%dma_wait3A_48 : memref<16x128xi32, #tpu.memory_space<hbm>>) dst(%dma_wait3A_45 : memref<16x128xi32, #tpu.memory_space<vmem>>)
    %dma_wait3A_49 = arith.constant 0 : i32
    %dma_wait3A_50 = arith.constant 0 : i32
    %dma_wait3A_51 = arith.constant 0 : i32
    %dma_wait3A_52 = tpu.memref_slice %arg8[%dma_wait3A_49, %dma_wait3A_50, %dma_wait3A_51] : memref<2x16x128xi32, #tpu.memory_space<vmem>> -> memref<1x16x128xi32, #tpu.memory_space<vmem>>
    %dma_wait3A_53 = tpu.memref_squeeze %dma_wait3A_52 : memref<1x16x128xi32, #tpu.memory_space<vmem>> -> memref<16x128xi32, #tpu.memory_space<vmem>>
    %dma_wait3A_54 = arith.constant 0 : i32
    %dma_wait3A_55 = tpu.memref_slice %arg4[%mul3A_0, %dma_wait3A_54] : memref<6400x128xi32, #tpu.memory_space<hbm>> -> memref<16x128xi32, #tpu.memory_space<hbm>>
    %dma_wait3A_56 = arith.constant 0 : i32
    %dma_wait3A_57 = arith.constant 0 : i32
    %dma_wait3A_58 = tpu.memref_slice %arg8[%dma_wait3A_49, %dma_wait3A_56, %dma_wait3A_57] : memref<2x16x128xi32, #tpu.memory_space<vmem>> -> memref<1x16x128xi32, #tpu.memory_space<vmem>>
    %dma_wait3A_59 = tpu.memref_squeeze %dma_wait3A_58 : memref<1x16x128xi32, #tpu.memory_space<vmem>> -> memref<16x128xi32, #tpu.memory_space<vmem>>
    %dma_wait3A_60 = arith.constant 0 : i32
    %dma_wait3A_61 = tpu.memref_slice %arg4[%mul3A_0, %dma_wait3A_60] : memref<6400x128xi32, #tpu.memory_space<hbm>> -> memref<16x128xi32, #tpu.memory_space<hbm>>
    tpu.wait_dma2 semaphore(%arg13 : memref<!tpu.dma_semaphore, #tpu.memory_space<semaphore_mem>>) src(%dma_wait3A_61 : memref<16x128xi32, #tpu.memory_space<hbm>>) dst(%dma_wait3A_59 : memref<16x128xi32, #tpu.memory_space<vmem>>)
    %mul3A_62 = arith.constant 1 : i32
    %mul3A_63 = arith.constant 16 : i32
    %mul3A_64 = arith.muli %mul3A_62, %mul3A_63 : i32
    %add3A_65 = arith.addi %mul3A_0, %mul3A_64 : i32
    %dma_start3A_66 = arith.constant 1 : i32
    %dma_start3A_67 = arith.constant 0 : i32
    %dma_start3A_68 = arith.constant 0 : i32
    %dma_start3A_69 = tpu.memref_slice %arg7[%dma_start3A_66, %dma_start3A_67, %dma_start3A_68] : memref<2x16x128xi32, #tpu.memory_space<vmem>> -> memref<1x16x128xi32, #tpu.memory_space<vmem>>
    %dma_start3A_70 = tpu.memref_squeeze %dma_start3A_69 : memref<1x16x128xi32, #tpu.memory_space<vmem>> -> memref<16x128xi32, #tpu.memory_space<vmem>>
    %dma_start3A_71 = arith.constant 0 : i32
    %dma_start3A_72 = tpu.memref_slice %arg3[%arg0, %add3A_65, %dma_start3A_71] : memref<2x6400x128xi32, #tpu.memory_space<hbm>> -> memref<1x16x128xi32, #tpu.memory_space<hbm>>
    %dma_start3A_73 = tpu.memref_squeeze %dma_start3A_72 : memref<1x16x128xi32, #tpu.memory_space<hbm>> -> memref<16x128xi32, #tpu.memory_space<hbm>>
    %dma_start3A_74 = arith.constant 0 : i32
    %dma_start3A_75 = arith.constant 0 : i32
    %dma_start3A_76 = tpu.memref_slice %arg7[%dma_start3A_66, %dma_start3A_74, %dma_start3A_75] : memref<2x16x128xi32, #tpu.memory_space<vmem>> -> memref<1x16x128xi32, #tpu.memory_space<vmem>>
    %dma_start3A_77 = tpu.memref_squeeze %dma_start3A_76 : memref<1x16x128xi32, #tpu.memory_space<vmem>> -> memref<16x128xi32, #tpu.memory_space<vmem>>
    %dma_start3A_78 = arith.constant 0 : i32
    %dma_start3A_79 = tpu.memref_slice %arg3[%arg0, %add3A_65, %dma_start3A_78] : memref<2x6400x128xi32, #tpu.memory_space<hbm>> -> memref<1x16x128xi32, #tpu.memory_space<hbm>>
    %dma_start3A_80 = tpu.memref_squeeze %dma_start3A_79 : memref<1x16x128xi32, #tpu.memory_space<hbm>> -> memref<16x128xi32, #tpu.memory_space<hbm>>
    tpu.enqueue_dma source(%dma_start3A_80 : memref<16x128xi32, #tpu.memory_space<hbm>>) target(%dma_start3A_77 : memref<16x128xi32, #tpu.memory_space<vmem>>) target_semaphore(%arg13 : memref<!tpu.dma_semaphore, #tpu.memory_space<semaphore_mem>>)
    %dma_start3A_81 = arith.constant 1 : i32
    %dma_start3A_82 = arith.constant 0 : i32
    %dma_start3A_83 = arith.constant 0 : i32
    %dma_start3A_84 = tpu.memref_slice %arg8[%dma_start3A_81, %dma_start3A_82, %dma_start3A_83] : memref<2x16x128xi32, #tpu.memory_space<vmem>> -> memref<1x16x128xi32, #tpu.memory_space<vmem>>
    %dma_start3A_85 = tpu.memref_squeeze %dma_start3A_84 : memref<1x16x128xi32, #tpu.memory_space<vmem>> -> memref<16x128xi32, #tpu.memory_space<vmem>>
    %dma_start3A_86 = arith.constant 0 : i32
    %dma_start3A_87 = tpu.memref_slice %arg4[%add3A_65, %dma_start3A_86] : memref<6400x128xi32, #tpu.memory_space<hbm>> -> memref<16x128xi32, #tpu.memory_space<hbm>>
    %dma_start3A_88 = arith.constant 0 : i32
    %dma_start3A_89 = arith.constant 0 : i32
    %dma_start3A_90 = tpu.memref_slice %arg8[%dma_start3A_81, %dma_start3A_88, %dma_start3A_89] : memref<2x16x128xi32, #tpu.memory_space<vmem>> -> memref<1x16x128xi32, #tpu.memory_space<vmem>>
    %dma_start3A_91 = tpu.memref_squeeze %dma_start3A_90 : memref<1x16x128xi32, #tpu.memory_space<vmem>> -> memref<16x128xi32, #tpu.memory_space<vmem>>
    %dma_start3A_92 = arith.constant 0 : i32
    %dma_start3A_93 = tpu.memref_slice %arg4[%add3A_65, %dma_start3A_92] : memref<6400x128xi32, #tpu.memory_space<hbm>> -> memref<16x128xi32, #tpu.memory_space<hbm>>
    tpu.enqueue_dma source(%dma_start3A_93 : memref<16x128xi32, #tpu.memory_space<hbm>>) target(%dma_start3A_91 : memref<16x128xi32, #tpu.memory_space<vmem>>) target_semaphore(%arg13 : memref<!tpu.dma_semaphore, #tpu.memory_space<semaphore_mem>>)
    %dma_start3A_94 = arith.constant 0 : i32
    %dma_start3A_95 = arith.constant 0 : i32
    %dma_start3A_96 = arith.constant 0 : i32
    %dma_start3A_97 = arith.constant 0 : i32
    %dma_start3A_98 = arith.constant 0 : i32
    %dma_start3A_99 = tpu.memref_slice %arg9[%dma_start3A_96, %dma_start3A_97, %dma_start3A_98] : memref<5x128x32xf32, #tpu.memory_space<vmem>> -> memref<1x128x32xf32, #tpu.memory_space<vmem>>
    %dma_start3A_100 = tpu.memref_squeeze %dma_start3A_99 : memref<1x128x32xf32, #tpu.memory_space<vmem>> -> memref<128x32xf32, #tpu.memory_space<vmem>>
    %dma_start3A_101 = arith.constant 0 : i32
    %dma_start3A_102 = tpu.memref_slice %arg7[%dma_start3A_94, %dma_start3A_95, %dma_start3A_101] : memref<2x16x128xi32, #tpu.memory_space<vmem>> -> memref<1x1x128xi32, #tpu.memory_space<vmem>>
    %dma_start3A_103 = tpu.memref_squeeze %dma_start3A_102 : memref<1x1x128xi32, #tpu.memory_space<vmem>> -> memref<128xi32, #tpu.memory_space<vmem>>
    %dma_start3A_104 = arith.constant 0 : i32
    %dma_start3A_105 = arith.constant 0 : i32
    %dma_start3A_106 = tpu.memref_slice %arg2[%dma_start3A_104, %dma_start3A_105] : memref<100000x32xf32, #tpu.memory_space<hbm>> -> memref<100000x32xf32, #tpu.memory_space<hbm>>
    tpu.enqueue_indirect_dma source(%dma_start3A_106 : memref<100000x32xf32, #tpu.memory_space<hbm>>) target(%dma_start3A_100 : memref<128x32xf32, #tpu.memory_space<vmem>>) offsets(%dma_start3A_103 : memref<128xi32, #tpu.memory_space<vmem>>) semaphore(%arg11 : memref<!tpu.dma_semaphore, #tpu.memory_space<semaphore_mem>>)
    %dma_start3A_107 = arith.constant 0 : i32
    %dma_start3A_108 = arith.constant 1 : i32
    %dma_start3A_109 = arith.constant 1 : i32
    %dma_start3A_110 = arith.constant 0 : i32
    %dma_start3A_111 = arith.constant 0 : i32
    %dma_start3A_112 = tpu.memref_slice %arg9[%dma_start3A_109, %dma_start3A_110, %dma_start3A_111] : memref<5x128x32xf32, #tpu.memory_space<vmem>> -> memref<1x128x32xf32, #tpu.memory_space<vmem>>
    %dma_start3A_113 = tpu.memref_squeeze %dma_start3A_112 : memref<1x128x32xf32, #tpu.memory_space<vmem>> -> memref<128x32xf32, #tpu.memory_space<vmem>>
    %dma_start3A_114 = arith.constant 0 : i32
    %dma_start3A_115 = tpu.memref_slice %arg7[%dma_start3A_107, %dma_start3A_108, %dma_start3A_114] : memref<2x16x128xi32, #tpu.memory_space<vmem>> -> memref<1x1x128xi32, #tpu.memory_space<vmem>>
    %dma_start3A_116 = tpu.memref_squeeze %dma_start3A_115 : memref<1x1x128xi32, #tpu.memory_space<vmem>> -> memref<128xi32, #tpu.memory_space<vmem>>
    %dma_start3A_117 = arith.constant 0 : i32
    %dma_start3A_118 = arith.constant 0 : i32
    %dma_start3A_119 = tpu.memref_slice %arg2[%dma_start3A_117, %dma_start3A_118] : memref<100000x32xf32, #tpu.memory_space<hbm>> -> memref<100000x32xf32, #tpu.memory_space<hbm>>
    tpu.enqueue_indirect_dma source(%dma_start3A_119 : memref<100000x32xf32, #tpu.memory_space<hbm>>) target(%dma_start3A_113 : memref<128x32xf32, #tpu.memory_space<vmem>>) offsets(%dma_start3A_116 : memref<128xi32, #tpu.memory_space<vmem>>) semaphore(%arg11 : memref<!tpu.dma_semaphore, #tpu.memory_space<semaphore_mem>>)
    %dma_start3A_120 = arith.constant 0 : i32
    %dma_start3A_121 = arith.constant 2 : i32
    %dma_start3A_122 = arith.constant 2 : i32
    %dma_start3A_123 = arith.constant 0 : i32
    %dma_start3A_124 = arith.constant 0 : i32
    %dma_start3A_125 = tpu.memref_slice %arg9[%dma_start3A_122, %dma_start3A_123, %dma_start3A_124] : memref<5x128x32xf32, #tpu.memory_space<vmem>> -> memref<1x128x32xf32, #tpu.memory_space<vmem>>
    %dma_start3A_126 = tpu.memref_squeeze %dma_start3A_125 : memref<1x128x32xf32, #tpu.memory_space<vmem>> -> memref<128x32xf32, #tpu.memory_space<vmem>>
    %dma_start3A_127 = arith.constant 0 : i32
    %dma_start3A_128 = tpu.memref_slice %arg7[%dma_start3A_120, %dma_start3A_121, %dma_start3A_127] : memref<2x16x128xi32, #tpu.memory_space<vmem>> -> memref<1x1x128xi32, #tpu.memory_space<vmem>>
    %dma_start3A_129 = tpu.memref_squeeze %dma_start3A_128 : memref<1x1x128xi32, #tpu.memory_space<vmem>> -> memref<128xi32, #tpu.memory_space<vmem>>
    %dma_start3A_130 = arith.constant 0 : i32
    %dma_start3A_131 = arith.constant 0 : i32
    %dma_start3A_132 = tpu.memref_slice %arg2[%dma_start3A_130, %dma_start3A_131] : memref<100000x32xf32, #tpu.memory_space<hbm>> -> memref<100000x32xf32, #tpu.memory_space<hbm>>
    tpu.enqueue_indirect_dma source(%dma_start3A_132 : memref<100000x32xf32, #tpu.memory_space<hbm>>) target(%dma_start3A_126 : memref<128x32xf32, #tpu.memory_space<vmem>>) offsets(%dma_start3A_129 : memref<128xi32, #tpu.memory_space<vmem>>) semaphore(%arg11 : memref<!tpu.dma_semaphore, #tpu.memory_space<semaphore_mem>>)
    %dma_start3A_133 = arith.constant 0 : i32
    %dma_start3A_134 = arith.constant 3 : i32
    %dma_start3A_135 = arith.constant 3 : i32
    %dma_start3A_136 = arith.constant 0 : i32
    %dma_start3A_137 = arith.constant 0 : i32
    %dma_start3A_138 = tpu.memref_slice %arg9[%dma_start3A_135, %dma_start3A_136, %dma_start3A_137] : memref<5x128x32xf32, #tpu.memory_space<vmem>> -> memref<1x128x32xf32, #tpu.memory_space<vmem>>
    %dma_start3A_139 = tpu.memref_squeeze %dma_start3A_138 : memref<1x128x32xf32, #tpu.memory_space<vmem>> -> memref<128x32xf32, #tpu.memory_space<vmem>>
    %dma_start3A_140 = arith.constant 0 : i32
    %dma_start3A_141 = tpu.memref_slice %arg7[%dma_start3A_133, %dma_start3A_134, %dma_start3A_140] : memref<2x16x128xi32, #tpu.memory_space<vmem>> -> memref<1x1x128xi32, #tpu.memory_space<vmem>>
    %dma_start3A_142 = tpu.memref_squeeze %dma_start3A_141 : memref<1x1x128xi32, #tpu.memory_space<vmem>> -> memref<128xi32, #tpu.memory_space<vmem>>
    %dma_start3A_143 = arith.constant 0 : i32
    %dma_start3A_144 = arith.constant 0 : i32
    %dma_start3A_145 = tpu.memref_slice %arg2[%dma_start3A_143, %dma_start3A_144] : memref<100000x32xf32, #tpu.memory_space<hbm>> -> memref<100000x32xf32, #tpu.memory_space<hbm>>
    tpu.enqueue_indirect_dma source(%dma_start3A_145 : memref<100000x32xf32, #tpu.memory_space<hbm>>) target(%dma_start3A_139 : memref<128x32xf32, #tpu.memory_space<vmem>>) offsets(%dma_start3A_142 : memref<128xi32, #tpu.memory_space<vmem>>) semaphore(%arg11 : memref<!tpu.dma_semaphore, #tpu.memory_space<semaphore_mem>>)
    %dma_wait3A_146 = arith.constant 0 : i32
    %dma_wait3A_147 = arith.constant 0 : i32
    %dma_wait3A_148 = arith.constant 0 : i32
    %dma_wait3A_149 = arith.constant 0 : i32
    %dma_wait3A_150 = arith.constant 0 : i32
    %dma_wait3A_151 = tpu.memref_slice %arg9[%dma_wait3A_148, %dma_wait3A_149, %dma_wait3A_150] : memref<5x128x32xf32, #tpu.memory_space<vmem>> -> memref<1x128x32xf32, #tpu.memory_space<vmem>>
    %dma_wait3A_152 = tpu.memref_squeeze %dma_wait3A_151 : memref<1x128x32xf32, #tpu.memory_space<vmem>> -> memref<128x32xf32, #tpu.memory_space<vmem>>
    %dma_wait3A_153 = arith.constant 0 : i32
    %dma_wait3A_154 = tpu.memref_slice %arg7[%dma_wait3A_146, %dma_wait3A_147, %dma_wait3A_153] : memref<2x16x128xi32, #tpu.memory_space<vmem>> -> memref<1x1x128xi32, #tpu.memory_space<vmem>>
    %dma_wait3A_155 = tpu.memref_squeeze %dma_wait3A_154 : memref<1x1x128xi32, #tpu.memory_space<vmem>> -> memref<128xi32, #tpu.memory_space<vmem>>
    %dma_wait3A_156 = arith.constant 0 : i32
    %dma_wait3A_157 = arith.constant 0 : i32
    %dma_wait3A_158 = tpu.memref_slice %arg2[%dma_wait3A_156, %dma_wait3A_157] : memref<100000x32xf32, #tpu.memory_space<hbm>> -> memref<100000x32xf32, #tpu.memory_space<hbm>>
    tpu.wait_indirect_dma semaphore(%arg11 : memref<!tpu.dma_semaphore, #tpu.memory_space<semaphore_mem>>) src(%dma_wait3A_158 : memref<100000x32xf32, #tpu.memory_space<hbm>>) dst(%dma_wait3A_152 : memref<128x32xf32, #tpu.memory_space<vmem>>)
    %dma_start3A_159 = arith.constant 0 : i32
    %dma_start3A_160 = arith.constant 0 : i32
    %dma_start3A_161 = arith.constant 0 : i32
    %dma_start3A_162 = arith.constant 0 : i32
    %dma_start3A_163 = arith.constant 0 : i32
    %dma_start3A_164 = tpu.memref_slice %arg9[%dma_start3A_159, %dma_start3A_162, %dma_start3A_163] : memref<5x128x32xf32, #tpu.memory_space<vmem>> -> memref<1x128x32xf32, #tpu.memory_space<vmem>>
    %dma_start3A_165 = tpu.memref_squeeze %dma_start3A_164 : memref<1x128x32xf32, #tpu.memory_space<vmem>> -> memref<128x32xf32, #tpu.memory_space<vmem>>
    %dma_start3A_166 = arith.constant 0 : i32
    %dma_start3A_167 = tpu.memref_slice %arg8[%dma_start3A_160, %dma_start3A_161, %dma_start3A_166] : memref<2x16x128xi32, #tpu.memory_space<vmem>> -> memref<1x1x128xi32, #tpu.memory_space<vmem>>
    %dma_start3A_168 = tpu.memref_squeeze %dma_start3A_167 : memref<1x1x128xi32, #tpu.memory_space<vmem>> -> memref<128xi32, #tpu.memory_space<vmem>>
    %dma_start3A_169 = arith.constant 0 : i32
    %dma_start3A_170 = arith.constant 0 : i32
    %dma_start3A_171 = tpu.memref_slice %arg10[%dma_start3A_169, %dma_start3A_170] : memref<50176x32xf32, #tpu.memory_space<vmem_shared>> -> memref<50176x32xf32, #tpu.memory_space<vmem_shared>>
    tpu.enqueue_indirect_dma source(%dma_start3A_165 : memref<128x32xf32, #tpu.memory_space<vmem>>) target(%dma_start3A_171 : memref<50176x32xf32, #tpu.memory_space<vmem_shared>>) offsets(%dma_start3A_168 : memref<128xi32, #tpu.memory_space<vmem>>) semaphore(%arg12 : memref<!tpu.dma_semaphore, #tpu.memory_space<semaphore_mem>>) {add = true}
    %dma_start3A_172 = arith.constant 0 : i32
    %dma_start3A_173 = arith.constant 4 : i32
    %dma_start3A_174 = arith.constant 4 : i32
    %dma_start3A_175 = arith.constant 0 : i32
    %dma_start3A_176 = arith.constant 0 : i32
    %dma_start3A_177 = tpu.memref_slice %arg9[%dma_start3A_174, %dma_start3A_175, %dma_start3A_176] : memref<5x128x32xf32, #tpu.memory_space<vmem>> -> memref<1x128x32xf32, #tpu.memory_space<vmem>>
    %dma_start3A_178 = tpu.memref_squeeze %dma_start3A_177 : memref<1x128x32xf32, #tpu.memory_space<vmem>> -> memref<128x32xf32, #tpu.memory_space<vmem>>
    %dma_start3A_179 = arith.constant 0 : i32
    %dma_start3A_180 = tpu.memref_slice %arg7[%dma_start3A_172, %dma_start3A_173, %dma_start3A_179] : memref<2x16x128xi32, #tpu.memory_space<vmem>> -> memref<1x1x128xi32, #tpu.memory_space<vmem>>
    %dma_start3A_181 = tpu.memref_squeeze %dma_start3A_180 : memref<1x1x128xi32, #tpu.memory_space<vmem>> -> memref<128xi32, #tpu.memory_space<vmem>>
    %dma_start3A_182 = arith.constant 0 : i32
    %dma_start3A_183 = arith.constant 0 : i32
    %dma_start3A_184 = tpu.memref_slice %arg2[%dma_start3A_182, %dma_start3A_183] : memref<100000x32xf32, #tpu.memory_space<hbm>> -> memref<100000x32xf32, #tpu.memory_space<hbm>>
    tpu.enqueue_indirect_dma source(%dma_start3A_184 : memref<100000x32xf32, #tpu.memory_space<hbm>>) target(%dma_start3A_178 : memref<128x32xf32, #tpu.memory_space<vmem>>) offsets(%dma_start3A_181 : memref<128xi32, #tpu.memory_space<vmem>>) semaphore(%arg11 : memref<!tpu.dma_semaphore, #tpu.memory_space<semaphore_mem>>)
    %scan3A = arith.constant 0 : i32
    %scan3A_185 = arith.constant 1 : i32
    %scan3A_186 = arith.constant 395 : i32
    %scan3A_187 = arith.addi %scan3A_185, %scan3A_186 : i32
    %scan3A_188 = arith.constant 1 : i32
    scf.for %scan3A_398 = %scan3A_185 to %scan3A_187 step %scan3A_188  : i32 {
      %div3A = arith.constant 16 : i32
      %div3A_399 = arith.divsi %scan3A_398, %div3A : i32
      %rem3A = arith.constant 16 : i32
      %rem3A_400 = arith.remsi %scan3A_398, %rem3A : i32
      %rem3A_401 = arith.constant 5 : i32
      %rem3A_402 = arith.remsi %scan3A_398, %rem3A_401 : i32
      %dma_wait3A_403 = arith.constant 0 : i32
      %dma_wait3A_404 = arith.constant 0 : i32
      %dma_wait3A_405 = arith.constant 0 : i32
      %dma_wait3A_406 = arith.constant 0 : i32
      %dma_wait3A_407 = tpu.memref_slice %arg9[%rem3A_402, %dma_wait3A_405, %dma_wait3A_406] : memref<5x128x32xf32, #tpu.memory_space<vmem>> -> memref<1x128x32xf32, #tpu.memory_space<vmem>>
      %dma_wait3A_408 = tpu.memref_squeeze %dma_wait3A_407 : memref<1x128x32xf32, #tpu.memory_space<vmem>> -> memref<128x32xf32, #tpu.memory_space<vmem>>
      %dma_wait3A_409 = arith.constant 0 : i32
      %dma_wait3A_410 = tpu.memref_slice %arg7[%dma_wait3A_403, %dma_wait3A_404, %dma_wait3A_409] : memref<2x16x128xi32, #tpu.memory_space<vmem>> -> memref<1x1x128xi32, #tpu.memory_space<vmem>>
      %dma_wait3A_411 = tpu.memref_squeeze %dma_wait3A_410 : memref<1x1x128xi32, #tpu.memory_space<vmem>> -> memref<128xi32, #tpu.memory_space<vmem>>
      %dma_wait3A_412 = arith.constant 0 : i32
      %dma_wait3A_413 = arith.constant 0 : i32
      %dma_wait3A_414 = tpu.memref_slice %arg2[%dma_wait3A_412, %dma_wait3A_413] : memref<100000x32xf32, #tpu.memory_space<hbm>> -> memref<100000x32xf32, #tpu.memory_space<hbm>>
      tpu.wait_indirect_dma semaphore(%arg11 : memref<!tpu.dma_semaphore, #tpu.memory_space<semaphore_mem>>) src(%dma_wait3A_414 : memref<100000x32xf32, #tpu.memory_space<hbm>>) dst(%dma_wait3A_408 : memref<128x32xf32, #tpu.memory_space<vmem>>)
      %rem3A_415 = arith.constant 2 : i32
      %rem3A_416 = arith.remsi %div3A_399, %rem3A_415 : i32
      %dma_start3A_417 = arith.constant 0 : i32
      %dma_start3A_418 = arith.constant 0 : i32
      %dma_start3A_419 = tpu.memref_slice %arg9[%rem3A_402, %dma_start3A_417, %dma_start3A_418] : memref<5x128x32xf32, #tpu.memory_space<vmem>> -> memref<1x128x32xf32, #tpu.memory_space<vmem>>
      %dma_start3A_420 = tpu.memref_squeeze %dma_start3A_419 : memref<1x128x32xf32, #tpu.memory_space<vmem>> -> memref<128x32xf32, #tpu.memory_space<vmem>>
      %dma_start3A_421 = arith.constant 0 : i32
      %dma_start3A_422 = tpu.memref_slice %arg8[%rem3A_416, %rem3A_400, %dma_start3A_421] : memref<2x16x128xi32, #tpu.memory_space<vmem>> -> memref<1x1x128xi32, #tpu.memory_space<vmem>>
      %dma_start3A_423 = tpu.memref_squeeze %dma_start3A_422 : memref<1x1x128xi32, #tpu.memory_space<vmem>> -> memref<128xi32, #tpu.memory_space<vmem>>
      %dma_start3A_424 = arith.constant 0 : i32
      %dma_start3A_425 = arith.constant 0 : i32
      %dma_start3A_426 = tpu.memref_slice %arg10[%dma_start3A_424, %dma_start3A_425] : memref<50176x32xf32, #tpu.memory_space<vmem_shared>> -> memref<50176x32xf32, #tpu.memory_space<vmem_shared>>
      tpu.enqueue_indirect_dma source(%dma_start3A_420 : memref<128x32xf32, #tpu.memory_space<vmem>>) target(%dma_start3A_426 : memref<50176x32xf32, #tpu.memory_space<vmem_shared>>) offsets(%dma_start3A_423 : memref<128xi32, #tpu.memory_space<vmem>>) semaphore(%arg12 : memref<!tpu.dma_semaphore, #tpu.memory_space<semaphore_mem>>) {add = true}
      %dma_wait3A_427 = arith.constant 0 : i32
      %dma_wait3A_428 = arith.constant 0 : i32
      %dma_wait3A_429 = arith.constant 0 : i32
      %dma_wait3A_430 = arith.constant 0 : i32
      %dma_wait3A_431 = tpu.memref_slice %arg9[%rem3A_402, %dma_wait3A_429, %dma_wait3A_430] : memref<5x128x32xf32, #tpu.memory_space<vmem>> -> memref<1x128x32xf32, #tpu.memory_space<vmem>>
      %dma_wait3A_432 = tpu.memref_squeeze %dma_wait3A_431 : memref<1x128x32xf32, #tpu.memory_space<vmem>> -> memref<128x32xf32, #tpu.memory_space<vmem>>
      %dma_wait3A_433 = arith.constant 0 : i32
      %dma_wait3A_434 = tpu.memref_slice %arg8[%dma_wait3A_427, %dma_wait3A_428, %dma_wait3A_433] : memref<2x16x128xi32, #tpu.memory_space<vmem>> -> memref<1x1x128xi32, #tpu.memory_space<vmem>>
      %dma_wait3A_435 = tpu.memref_squeeze %dma_wait3A_434 : memref<1x1x128xi32, #tpu.memory_space<vmem>> -> memref<128xi32, #tpu.memory_space<vmem>>
      %dma_wait3A_436 = arith.constant 0 : i32
      %dma_wait3A_437 = arith.constant 0 : i32
      %dma_wait3A_438 = tpu.memref_slice %arg10[%dma_wait3A_436, %dma_wait3A_437] : memref<50176x32xf32, #tpu.memory_space<vmem_shared>> -> memref<50176x32xf32, #tpu.memory_space<vmem_shared>>
      tpu.wait_indirect_dma semaphore(%arg12 : memref<!tpu.dma_semaphore, #tpu.memory_space<semaphore_mem>>) src(%dma_wait3A_432 : memref<128x32xf32, #tpu.memory_space<vmem>>) dst(%dma_wait3A_438 : memref<50176x32xf32, #tpu.memory_space<vmem_shared>>)
      %eq3A = arith.constant 0 : i32
      %eq3A_439 = arith.cmpi eq, %rem3A_400, %eq3A : i32
      %convert_element_type3A = arith.extui %eq3A_439 : i1 to i32
      %cond3A = arith.constant 0 : i32
      %cond3A_440 = arith.cmpi ne, %convert_element_type3A, %cond3A : i32
      scf.if %cond3A_440 {
        %add3A_466 = arith.constant 1 : i32
        %add3A_467 = arith.addi %div3A_399, %add3A_466 : i32
        %min3A = arith.constant 24 : i32
        %min3A_468 = arith.minsi %add3A_467, %min3A : i32
        %add3A_469 = arith.constant 1 : i32
        %add3A_470 = arith.addi %div3A_399, %add3A_469 : i32
        %rem3A_471 = arith.constant 2 : i32
        %rem3A_472 = arith.remsi %add3A_470, %rem3A_471 : i32
        %mul3A_473 = arith.constant 16 : i32
        %mul3A_474 = arith.muli %min3A_468, %mul3A_473 : i32
        %add3A_475 = arith.addi %mul3A_0, %mul3A_474 : i32
        %dma_start3A_476 = arith.constant 0 : i32
        %dma_start3A_477 = arith.constant 0 : i32
        %dma_start3A_478 = tpu.memref_slice %arg7[%rem3A_472, %dma_start3A_476, %dma_start3A_477] : memref<2x16x128xi32, #tpu.memory_space<vmem>> -> memref<1x16x128xi32, #tpu.memory_space<vmem>>
        %dma_start3A_479 = tpu.memref_squeeze %dma_start3A_478 : memref<1x16x128xi32, #tpu.memory_space<vmem>> -> memref<16x128xi32, #tpu.memory_space<vmem>>
        %dma_start3A_480 = arith.constant 0 : i32
        %dma_start3A_481 = tpu.memref_slice %arg3[%arg0, %add3A_475, %dma_start3A_480] : memref<2x6400x128xi32, #tpu.memory_space<hbm>> -> memref<1x16x128xi32, #tpu.memory_space<hbm>>
        %dma_start3A_482 = tpu.memref_squeeze %dma_start3A_481 : memref<1x16x128xi32, #tpu.memory_space<hbm>> -> memref<16x128xi32, #tpu.memory_space<hbm>>
        %dma_start3A_483 = arith.constant 0 : i32
        %dma_start3A_484 = arith.constant 0 : i32
        %dma_start3A_485 = tpu.memref_slice %arg7[%rem3A_472, %dma_start3A_483, %dma_start3A_484] : memref<2x16x128xi32, #tpu.memory_space<vmem>> -> memref<1x16x128xi32, #tpu.memory_space<vmem>>
        %dma_start3A_486 = tpu.memref_squeeze %dma_start3A_485 : memref<1x16x128xi32, #tpu.memory_space<vmem>> -> memref<16x128xi32, #tpu.memory_space<vmem>>
        %dma_start3A_487 = arith.constant 0 : i32
        %dma_start3A_488 = tpu.memref_slice %arg3[%arg0, %add3A_475, %dma_start3A_487] : memref<2x6400x128xi32, #tpu.memory_space<hbm>> -> memref<1x16x128xi32, #tpu.memory_space<hbm>>
        %dma_start3A_489 = tpu.memref_squeeze %dma_start3A_488 : memref<1x16x128xi32, #tpu.memory_space<hbm>> -> memref<16x128xi32, #tpu.memory_space<hbm>>
        tpu.enqueue_dma source(%dma_start3A_489 : memref<16x128xi32, #tpu.memory_space<hbm>>) target(%dma_start3A_486 : memref<16x128xi32, #tpu.memory_space<vmem>>) target_semaphore(%arg13 : memref<!tpu.dma_semaphore, #tpu.memory_space<semaphore_mem>>)
        %dma_start3A_490 = arith.constant 0 : i32
        %dma_start3A_491 = arith.constant 0 : i32
        %dma_start3A_492 = tpu.memref_slice %arg8[%rem3A_472, %dma_start3A_490, %dma_start3A_491] : memref<2x16x128xi32, #tpu.memory_space<vmem>> -> memref<1x16x128xi32, #tpu.memory_space<vmem>>
        %dma_start3A_493 = tpu.memref_squeeze %dma_start3A_492 : memref<1x16x128xi32, #tpu.memory_space<vmem>> -> memref<16x128xi32, #tpu.memory_space<vmem>>
        %dma_start3A_494 = arith.constant 0 : i32
        %dma_start3A_495 = tpu.memref_slice %arg4[%add3A_475, %dma_start3A_494] : memref<6400x128xi32, #tpu.memory_space<hbm>> -> memref<16x128xi32, #tpu.memory_space<hbm>>
        %dma_start3A_496 = arith.constant 0 : i32
        %dma_start3A_497 = arith.constant 0 : i32
        %dma_start3A_498 = tpu.memref_slice %arg8[%rem3A_472, %dma_start3A_496, %dma_start3A_497] : memref<2x16x128xi32, #tpu.memory_space<vmem>> -> memref<1x16x128xi32, #tpu.memory_space<vmem>>
        %dma_start3A_499 = tpu.memref_squeeze %dma_start3A_498 : memref<1x16x128xi32, #tpu.memory_space<vmem>> -> memref<16x128xi32, #tpu.memory_space<vmem>>
        %dma_start3A_500 = arith.constant 0 : i32
        %dma_start3A_501 = tpu.memref_slice %arg4[%add3A_475, %dma_start3A_500] : memref<6400x128xi32, #tpu.memory_space<hbm>> -> memref<16x128xi32, #tpu.memory_space<hbm>>
        tpu.enqueue_dma source(%dma_start3A_501 : memref<16x128xi32, #tpu.memory_space<hbm>>) target(%dma_start3A_499 : memref<16x128xi32, #tpu.memory_space<vmem>>) target_semaphore(%arg13 : memref<!tpu.dma_semaphore, #tpu.memory_space<semaphore_mem>>)
      } else {
      }
      %eq3A_441 = arith.constant 12 : i32
      %eq3A_442 = arith.cmpi eq, %rem3A_400, %eq3A_441 : i32
      %convert_element_type3A_443 = arith.extui %eq3A_442 : i1 to i32
      %cond3A_444 = arith.constant 0 : i32
      %cond3A_445 = arith.cmpi ne, %convert_element_type3A_443, %cond3A_444 : i32
      scf.if %cond3A_445 {
        %dma_wait3A_466 = arith.constant 0 : i32
        %dma_wait3A_467 = arith.constant 0 : i32
        %dma_wait3A_468 = arith.constant 0 : i32
        %dma_wait3A_469 = tpu.memref_slice %arg7[%dma_wait3A_466, %dma_wait3A_467, %dma_wait3A_468] : memref<2x16x128xi32, #tpu.memory_space<vmem>> -> memref<1x16x128xi32, #tpu.memory_space<vmem>>
        %dma_wait3A_470 = tpu.memref_squeeze %dma_wait3A_469 : memref<1x16x128xi32, #tpu.memory_space<vmem>> -> memref<16x128xi32, #tpu.memory_space<vmem>>
        %dma_wait3A_471 = arith.constant 0 : i32
        %dma_wait3A_472 = tpu.memref_slice %arg3[%arg0, %mul3A_0, %dma_wait3A_471] : memref<2x6400x128xi32, #tpu.memory_space<hbm>> -> memref<1x16x128xi32, #tpu.memory_space<hbm>>
        %dma_wait3A_473 = tpu.memref_squeeze %dma_wait3A_472 : memref<1x16x128xi32, #tpu.memory_space<hbm>> -> memref<16x128xi32, #tpu.memory_space<hbm>>
        %dma_wait3A_474 = arith.constant 0 : i32
        %dma_wait3A_475 = arith.constant 0 : i32
        %dma_wait3A_476 = tpu.memref_slice %arg7[%dma_wait3A_466, %dma_wait3A_474, %dma_wait3A_475] : memref<2x16x128xi32, #tpu.memory_space<vmem>> -> memref<1x16x128xi32, #tpu.memory_space<vmem>>
        %dma_wait3A_477 = tpu.memref_squeeze %dma_wait3A_476 : memref<1x16x128xi32, #tpu.memory_space<vmem>> -> memref<16x128xi32, #tpu.memory_space<vmem>>
        %dma_wait3A_478 = arith.constant 0 : i32
        %dma_wait3A_479 = tpu.memref_slice %arg3[%arg0, %mul3A_0, %dma_wait3A_478] : memref<2x6400x128xi32, #tpu.memory_space<hbm>> -> memref<1x16x128xi32, #tpu.memory_space<hbm>>
        %dma_wait3A_480 = tpu.memref_squeeze %dma_wait3A_479 : memref<1x16x128xi32, #tpu.memory_space<hbm>> -> memref<16x128xi32, #tpu.memory_space<hbm>>
        tpu.wait_dma2 semaphore(%arg13 : memref<!tpu.dma_semaphore, #tpu.memory_space<semaphore_mem>>) src(%dma_wait3A_480 : memref<16x128xi32, #tpu.memory_space<hbm>>) dst(%dma_wait3A_477 : memref<16x128xi32, #tpu.memory_space<vmem>>)
        %dma_wait3A_481 = arith.constant 0 : i32
        %dma_wait3A_482 = arith.constant 0 : i32
        %dma_wait3A_483 = arith.constant 0 : i32
        %dma_wait3A_484 = tpu.memref_slice %arg8[%dma_wait3A_481, %dma_wait3A_482, %dma_wait3A_483] : memref<2x16x128xi32, #tpu.memory_space<vmem>> -> memref<1x16x128xi32, #tpu.memory_space<vmem>>
        %dma_wait3A_485 = tpu.memref_squeeze %dma_wait3A_484 : memref<1x16x128xi32, #tpu.memory_space<vmem>> -> memref<16x128xi32, #tpu.memory_space<vmem>>
        %dma_wait3A_486 = arith.constant 0 : i32
        %dma_wait3A_487 = tpu.memref_slice %arg4[%mul3A_0, %dma_wait3A_486] : memref<6400x128xi32, #tpu.memory_space<hbm>> -> memref<16x128xi32, #tpu.memory_space<hbm>>
        %dma_wait3A_488 = arith.constant 0 : i32
        %dma_wait3A_489 = arith.constant 0 : i32
        %dma_wait3A_490 = tpu.memref_slice %arg8[%dma_wait3A_481, %dma_wait3A_488, %dma_wait3A_489] : memref<2x16x128xi32, #tpu.memory_space<vmem>> -> memref<1x16x128xi32, #tpu.memory_space<vmem>>
        %dma_wait3A_491 = tpu.memref_squeeze %dma_wait3A_490 : memref<1x16x128xi32, #tpu.memory_space<vmem>> -> memref<16x128xi32, #tpu.memory_space<vmem>>
        %dma_wait3A_492 = arith.constant 0 : i32
        %dma_wait3A_493 = tpu.memref_slice %arg4[%mul3A_0, %dma_wait3A_492] : memref<6400x128xi32, #tpu.memory_space<hbm>> -> memref<16x128xi32, #tpu.memory_space<hbm>>
        tpu.wait_dma2 semaphore(%arg13 : memref<!tpu.dma_semaphore, #tpu.memory_space<semaphore_mem>>) src(%dma_wait3A_493 : memref<16x128xi32, #tpu.memory_space<hbm>>) dst(%dma_wait3A_491 : memref<16x128xi32, #tpu.memory_space<vmem>>)
      } else {
      }
      %add3A_446 = arith.constant 4 : i32
      %add3A_447 = arith.addi %scan3A_398, %add3A_446 : i32
      %div3A_448 = arith.constant 16 : i32
      %div3A_449 = arith.divsi %add3A_447, %div3A_448 : i32
      %rem3A_450 = arith.constant 2 : i32
      %rem3A_451 = arith.remsi %div3A_449, %rem3A_450 : i32
      %rem3A_452 = arith.constant 16 : i32
      %rem3A_453 = arith.remsi %add3A_447, %rem3A_452 : i32
      %rem3A_454 = arith.constant 5 : i32
      %rem3A_455 = arith.remsi %add3A_447, %rem3A_454 : i32
      %dma_start3A_456 = arith.constant 0 : i32
      %dma_start3A_457 = arith.constant 0 : i32
      %dma_start3A_458 = tpu.memref_slice %arg9[%rem3A_455, %dma_start3A_456, %dma_start3A_457] : memref<5x128x32xf32, #tpu.memory_space<vmem>> -> memref<1x128x32xf32, #tpu.memory_space<vmem>>
      %dma_start3A_459 = tpu.memref_squeeze %dma_start3A_458 : memref<1x128x32xf32, #tpu.memory_space<vmem>> -> memref<128x32xf32, #tpu.memory_space<vmem>>
      %dma_start3A_460 = arith.constant 0 : i32
      %dma_start3A_461 = tpu.memref_slice %arg7[%rem3A_451, %rem3A_453, %dma_start3A_460] : memref<2x16x128xi32, #tpu.memory_space<vmem>> -> memref<1x1x128xi32, #tpu.memory_space<vmem>>
      %dma_start3A_462 = tpu.memref_squeeze %dma_start3A_461 : memref<1x1x128xi32, #tpu.memory_space<vmem>> -> memref<128xi32, #tpu.memory_space<vmem>>
      %dma_start3A_463 = arith.constant 0 : i32
      %dma_start3A_464 = arith.constant 0 : i32
      %dma_start3A_465 = tpu.memref_slice %arg2[%dma_start3A_463, %dma_start3A_464] : memref<100000x32xf32, #tpu.memory_space<hbm>> -> memref<100000x32xf32, #tpu.memory_space<hbm>>
      tpu.enqueue_indirect_dma source(%dma_start3A_465 : memref<100000x32xf32, #tpu.memory_space<hbm>>) target(%dma_start3A_459 : memref<128x32xf32, #tpu.memory_space<vmem>>) offsets(%dma_start3A_462 : memref<128xi32, #tpu.memory_space<vmem>>) semaphore(%arg11 : memref<!tpu.dma_semaphore, #tpu.memory_space<semaphore_mem>>)
    }
    %scan3A_189 = arith.constant 395 : i32
    %dma_wait3A_190 = arith.constant 0 : i32
    %dma_wait3A_191 = arith.constant 0 : i32
    %dma_wait3A_192 = arith.constant 1 : i32
    %dma_wait3A_193 = arith.constant 0 : i32
    %dma_wait3A_194 = arith.constant 0 : i32
    %dma_wait3A_195 = tpu.memref_slice %arg9[%dma_wait3A_192, %dma_wait3A_193, %dma_wait3A_194] : memref<5x128x32xf32, #tpu.memory_space<vmem>> -> memref<1x128x32xf32, #tpu.memory_space<vmem>>
    %dma_wait3A_196 = tpu.memref_squeeze %dma_wait3A_195 : memref<1x128x32xf32, #tpu.memory_space<vmem>> -> memref<128x32xf32, #tpu.memory_space<vmem>>
    %dma_wait3A_197 = arith.constant 0 : i32
    %dma_wait3A_198 = tpu.memref_slice %arg7[%dma_wait3A_190, %dma_wait3A_191, %dma_wait3A_197] : memref<2x16x128xi32, #tpu.memory_space<vmem>> -> memref<1x1x128xi32, #tpu.memory_space<vmem>>
    %dma_wait3A_199 = tpu.memref_squeeze %dma_wait3A_198 : memref<1x1x128xi32, #tpu.memory_space<vmem>> -> memref<128xi32, #tpu.memory_space<vmem>>
    %dma_wait3A_200 = arith.constant 0 : i32
    %dma_wait3A_201 = arith.constant 0 : i32
    %dma_wait3A_202 = tpu.memref_slice %arg2[%dma_wait3A_200, %dma_wait3A_201] : memref<100000x32xf32, #tpu.memory_space<hbm>> -> memref<100000x32xf32, #tpu.memory_space<hbm>>
    tpu.wait_indirect_dma semaphore(%arg11 : memref<!tpu.dma_semaphore, #tpu.memory_space<semaphore_mem>>) src(%dma_wait3A_202 : memref<100000x32xf32, #tpu.memory_space<hbm>>) dst(%dma_wait3A_196 : memref<128x32xf32, #tpu.memory_space<vmem>>)
    %dma_start3A_203 = arith.constant 1 : i32
    %dma_start3A_204 = arith.constant 0 : i32
    %dma_start3A_205 = arith.constant 12 : i32
    %dma_start3A_206 = arith.constant 0 : i32
    %dma_start3A_207 = arith.constant 0 : i32
    %dma_start3A_208 = tpu.memref_slice %arg9[%dma_start3A_203, %dma_start3A_206, %dma_start3A_207] : memref<5x128x32xf32, #tpu.memory_space<vmem>> -> memref<1x128x32xf32, #tpu.memory_space<vmem>>
    %dma_start3A_209 = tpu.memref_squeeze %dma_start3A_208 : memref<1x128x32xf32, #tpu.memory_space<vmem>> -> memref<128x32xf32, #tpu.memory_space<vmem>>
    %dma_start3A_210 = arith.constant 0 : i32
    %dma_start3A_211 = tpu.memref_slice %arg8[%dma_start3A_204, %dma_start3A_205, %dma_start3A_210] : memref<2x16x128xi32, #tpu.memory_space<vmem>> -> memref<1x1x128xi32, #tpu.memory_space<vmem>>
    %dma_start3A_212 = tpu.memref_squeeze %dma_start3A_211 : memref<1x1x128xi32, #tpu.memory_space<vmem>> -> memref<128xi32, #tpu.memory_space<vmem>>
    %dma_start3A_213 = arith.constant 0 : i32
    %dma_start3A_214 = arith.constant 0 : i32
    %dma_start3A_215 = tpu.memref_slice %arg10[%dma_start3A_213, %dma_start3A_214] : memref<50176x32xf32, #tpu.memory_space<vmem_shared>> -> memref<50176x32xf32, #tpu.memory_space<vmem_shared>>
    tpu.enqueue_indirect_dma source(%dma_start3A_209 : memref<128x32xf32, #tpu.memory_space<vmem>>) target(%dma_start3A_215 : memref<50176x32xf32, #tpu.memory_space<vmem_shared>>) offsets(%dma_start3A_212 : memref<128xi32, #tpu.memory_space<vmem>>) semaphore(%arg12 : memref<!tpu.dma_semaphore, #tpu.memory_space<semaphore_mem>>) {add = true}
    %dma_wait3A_216 = arith.constant 1 : i32
    %dma_wait3A_217 = arith.constant 0 : i32
    %dma_wait3A_218 = arith.constant 0 : i32
    %dma_wait3A_219 = arith.constant 0 : i32
    %dma_wait3A_220 = arith.constant 0 : i32
    %dma_wait3A_221 = tpu.memref_slice %arg9[%dma_wait3A_216, %dma_wait3A_219, %dma_wait3A_220] : memref<5x128x32xf32, #tpu.memory_space<vmem>> -> memref<1x128x32xf32, #tpu.memory_space<vmem>>
    %dma_wait3A_222 = tpu.memref_squeeze %dma_wait3A_221 : memref<1x128x32xf32, #tpu.memory_space<vmem>> -> memref<128x32xf32, #tpu.memory_space<vmem>>
    %dma_wait3A_223 = arith.constant 0 : i32
    %dma_wait3A_224 = tpu.memref_slice %arg8[%dma_wait3A_217, %dma_wait3A_218, %dma_wait3A_223] : memref<2x16x128xi32, #tpu.memory_space<vmem>> -> memref<1x1x128xi32, #tpu.memory_space<vmem>>
    %dma_wait3A_225 = tpu.memref_squeeze %dma_wait3A_224 : memref<1x1x128xi32, #tpu.memory_space<vmem>> -> memref<128xi32, #tpu.memory_space<vmem>>
    %dma_wait3A_226 = arith.constant 0 : i32
    %dma_wait3A_227 = arith.constant 0 : i32
    %dma_wait3A_228 = tpu.memref_slice %arg10[%dma_wait3A_226, %dma_wait3A_227] : memref<50176x32xf32, #tpu.memory_space<vmem_shared>> -> memref<50176x32xf32, #tpu.memory_space<vmem_shared>>
    tpu.wait_indirect_dma semaphore(%arg12 : memref<!tpu.dma_semaphore, #tpu.memory_space<semaphore_mem>>) src(%dma_wait3A_222 : memref<128x32xf32, #tpu.memory_space<vmem>>) dst(%dma_wait3A_228 : memref<50176x32xf32, #tpu.memory_space<vmem_shared>>)
    %dma_wait3A_229 = arith.constant 0 : i32
    %dma_wait3A_230 = arith.constant 0 : i32
    %dma_wait3A_231 = arith.constant 2 : i32
    %dma_wait3A_232 = arith.constant 0 : i32
    %dma_wait3A_233 = arith.constant 0 : i32
    %dma_wait3A_234 = tpu.memref_slice %arg9[%dma_wait3A_231, %dma_wait3A_232, %dma_wait3A_233] : memref<5x128x32xf32, #tpu.memory_space<vmem>> -> memref<1x128x32xf32, #tpu.memory_space<vmem>>
    %dma_wait3A_235 = tpu.memref_squeeze %dma_wait3A_234 : memref<1x128x32xf32, #tpu.memory_space<vmem>> -> memref<128x32xf32, #tpu.memory_space<vmem>>
    %dma_wait3A_236 = arith.constant 0 : i32
    %dma_wait3A_237 = tpu.memref_slice %arg7[%dma_wait3A_229, %dma_wait3A_230, %dma_wait3A_236] : memref<2x16x128xi32, #tpu.memory_space<vmem>> -> memref<1x1x128xi32, #tpu.memory_space<vmem>>
    %dma_wait3A_238 = tpu.memref_squeeze %dma_wait3A_237 : memref<1x1x128xi32, #tpu.memory_space<vmem>> -> memref<128xi32, #tpu.memory_space<vmem>>
    %dma_wait3A_239 = arith.constant 0 : i32
    %dma_wait3A_240 = arith.constant 0 : i32
    %dma_wait3A_241 = tpu.memref_slice %arg2[%dma_wait3A_239, %dma_wait3A_240] : memref<100000x32xf32, #tpu.memory_space<hbm>> -> memref<100000x32xf32, #tpu.memory_space<hbm>>
    tpu.wait_indirect_dma semaphore(%arg11 : memref<!tpu.dma_semaphore, #tpu.memory_space<semaphore_mem>>) src(%dma_wait3A_241 : memref<100000x32xf32, #tpu.memory_space<hbm>>) dst(%dma_wait3A_235 : memref<128x32xf32, #tpu.memory_space<vmem>>)
    %dma_start3A_242 = arith.constant 2 : i32
    %dma_start3A_243 = arith.constant 0 : i32
    %dma_start3A_244 = arith.constant 13 : i32
    %dma_start3A_245 = arith.constant 0 : i32
    %dma_start3A_246 = arith.constant 0 : i32
    %dma_start3A_247 = tpu.memref_slice %arg9[%dma_start3A_242, %dma_start3A_245, %dma_start3A_246] : memref<5x128x32xf32, #tpu.memory_space<vmem>> -> memref<1x128x32xf32, #tpu.memory_space<vmem>>
    %dma_start3A_248 = tpu.memref_squeeze %dma_start3A_247 : memref<1x128x32xf32, #tpu.memory_space<vmem>> -> memref<128x32xf32, #tpu.memory_space<vmem>>
    %dma_start3A_249 = arith.constant 0 : i32
    %dma_start3A_250 = tpu.memref_slice %arg8[%dma_start3A_243, %dma_start3A_244, %dma_start3A_249] : memref<2x16x128xi32, #tpu.memory_space<vmem>> -> memref<1x1x128xi32, #tpu.memory_space<vmem>>
    %dma_start3A_251 = tpu.memref_squeeze %dma_start3A_250 : memref<1x1x128xi32, #tpu.memory_space<vmem>> -> memref<128xi32, #tpu.memory_space<vmem>>
    %dma_start3A_252 = arith.constant 0 : i32
    %dma_start3A_253 = arith.constant 0 : i32
    %dma_start3A_254 = tpu.memref_slice %arg10[%dma_start3A_252, %dma_start3A_253] : memref<50176x32xf32, #tpu.memory_space<vmem_shared>> -> memref<50176x32xf32, #tpu.memory_space<vmem_shared>>
    tpu.enqueue_indirect_dma source(%dma_start3A_248 : memref<128x32xf32, #tpu.memory_space<vmem>>) target(%dma_start3A_254 : memref<50176x32xf32, #tpu.memory_space<vmem_shared>>) offsets(%dma_start3A_251 : memref<128xi32, #tpu.memory_space<vmem>>) semaphore(%arg12 : memref<!tpu.dma_semaphore, #tpu.memory_space<semaphore_mem>>) {add = true}
    %dma_wait3A_255 = arith.constant 2 : i32
    %dma_wait3A_256 = arith.constant 0 : i32
    %dma_wait3A_257 = arith.constant 0 : i32
    %dma_wait3A_258 = arith.constant 0 : i32
    %dma_wait3A_259 = arith.constant 0 : i32
    %dma_wait3A_260 = tpu.memref_slice %arg9[%dma_wait3A_255, %dma_wait3A_258, %dma_wait3A_259] : memref<5x128x32xf32, #tpu.memory_space<vmem>> -> memref<1x128x32xf32, #tpu.memory_space<vmem>>
    %dma_wait3A_261 = tpu.memref_squeeze %dma_wait3A_260 : memref<1x128x32xf32, #tpu.memory_space<vmem>> -> memref<128x32xf32, #tpu.memory_space<vmem>>
    %dma_wait3A_262 = arith.constant 0 : i32
    %dma_wait3A_263 = tpu.memref_slice %arg8[%dma_wait3A_256, %dma_wait3A_257, %dma_wait3A_262] : memref<2x16x128xi32, #tpu.memory_space<vmem>> -> memref<1x1x128xi32, #tpu.memory_space<vmem>>
    %dma_wait3A_264 = tpu.memref_squeeze %dma_wait3A_263 : memref<1x1x128xi32, #tpu.memory_space<vmem>> -> memref<128xi32, #tpu.memory_space<vmem>>
    %dma_wait3A_265 = arith.constant 0 : i32
    %dma_wait3A_266 = arith.constant 0 : i32
    %dma_wait3A_267 = tpu.memref_slice %arg10[%dma_wait3A_265, %dma_wait3A_266] : memref<50176x32xf32, #tpu.memory_space<vmem_shared>> -> memref<50176x32xf32, #tpu.memory_space<vmem_shared>>
    tpu.wait_indirect_dma semaphore(%arg12 : memref<!tpu.dma_semaphore, #tpu.memory_space<semaphore_mem>>) src(%dma_wait3A_261 : memref<128x32xf32, #tpu.memory_space<vmem>>) dst(%dma_wait3A_267 : memref<50176x32xf32, #tpu.memory_space<vmem_shared>>)
    %dma_wait3A_268 = arith.constant 0 : i32
    %dma_wait3A_269 = arith.constant 0 : i32
    %dma_wait3A_270 = arith.constant 3 : i32
    %dma_wait3A_271 = arith.constant 0 : i32
    %dma_wait3A_272 = arith.constant 0 : i32
    %dma_wait3A_273 = tpu.memref_slice %arg9[%dma_wait3A_270, %dma_wait3A_271, %dma_wait3A_272] : memref<5x128x32xf32, #tpu.memory_space<vmem>> -> memref<1x128x32xf32, #tpu.memory_space<vmem>>
    %dma_wait3A_274 = tpu.memref_squeeze %dma_wait3A_273 : memref<1x128x32xf32, #tpu.memory_space<vmem>> -> memref<128x32xf32, #tpu.memory_space<vmem>>
    %dma_wait3A_275 = arith.constant 0 : i32
    %dma_wait3A_276 = tpu.memref_slice %arg7[%dma_wait3A_268, %dma_wait3A_269, %dma_wait3A_275] : memref<2x16x128xi32, #tpu.memory_space<vmem>> -> memref<1x1x128xi32, #tpu.memory_space<vmem>>
    %dma_wait3A_277 = tpu.memref_squeeze %dma_wait3A_276 : memref<1x1x128xi32, #tpu.memory_space<vmem>> -> memref<128xi32, #tpu.memory_space<vmem>>
    %dma_wait3A_278 = arith.constant 0 : i32
    %dma_wait3A_279 = arith.constant 0 : i32
    %dma_wait3A_280 = tpu.memref_slice %arg2[%dma_wait3A_278, %dma_wait3A_279] : memref<100000x32xf32, #tpu.memory_space<hbm>> -> memref<100000x32xf32, #tpu.memory_space<hbm>>
    tpu.wait_indirect_dma semaphore(%arg11 : memref<!tpu.dma_semaphore, #tpu.memory_space<semaphore_mem>>) src(%dma_wait3A_280 : memref<100000x32xf32, #tpu.memory_space<hbm>>) dst(%dma_wait3A_274 : memref<128x32xf32, #tpu.memory_space<vmem>>)
    %dma_start3A_281 = arith.constant 3 : i32
    %dma_start3A_282 = arith.constant 0 : i32
    %dma_start3A_283 = arith.constant 14 : i32
    %dma_start3A_284 = arith.constant 0 : i32
    %dma_start3A_285 = arith.constant 0 : i32
    %dma_start3A_286 = tpu.memref_slice %arg9[%dma_start3A_281, %dma_start3A_284, %dma_start3A_285] : memref<5x128x32xf32, #tpu.memory_space<vmem>> -> memref<1x128x32xf32, #tpu.memory_space<vmem>>
    %dma_start3A_287 = tpu.memref_squeeze %dma_start3A_286 : memref<1x128x32xf32, #tpu.memory_space<vmem>> -> memref<128x32xf32, #tpu.memory_space<vmem>>
    %dma_start3A_288 = arith.constant 0 : i32
    %dma_start3A_289 = tpu.memref_slice %arg8[%dma_start3A_282, %dma_start3A_283, %dma_start3A_288] : memref<2x16x128xi32, #tpu.memory_space<vmem>> -> memref<1x1x128xi32, #tpu.memory_space<vmem>>
    %dma_start3A_290 = tpu.memref_squeeze %dma_start3A_289 : memref<1x1x128xi32, #tpu.memory_space<vmem>> -> memref<128xi32, #tpu.memory_space<vmem>>
    %dma_start3A_291 = arith.constant 0 : i32
    %dma_start3A_292 = arith.constant 0 : i32
    %dma_start3A_293 = tpu.memref_slice %arg10[%dma_start3A_291, %dma_start3A_292] : memref<50176x32xf32, #tpu.memory_space<vmem_shared>> -> memref<50176x32xf32, #tpu.memory_space<vmem_shared>>
    tpu.enqueue_indirect_dma source(%dma_start3A_287 : memref<128x32xf32, #tpu.memory_space<vmem>>) target(%dma_start3A_293 : memref<50176x32xf32, #tpu.memory_space<vmem_shared>>) offsets(%dma_start3A_290 : memref<128xi32, #tpu.memory_space<vmem>>) semaphore(%arg12 : memref<!tpu.dma_semaphore, #tpu.memory_space<semaphore_mem>>) {add = true}
    %dma_wait3A_294 = arith.constant 3 : i32
    %dma_wait3A_295 = arith.constant 0 : i32
    %dma_wait3A_296 = arith.constant 0 : i32
    %dma_wait3A_297 = arith.constant 0 : i32
    %dma_wait3A_298 = arith.constant 0 : i32
    %dma_wait3A_299 = tpu.memref_slice %arg9[%dma_wait3A_294, %dma_wait3A_297, %dma_wait3A_298] : memref<5x128x32xf32, #tpu.memory_space<vmem>> -> memref<1x128x32xf32, #tpu.memory_space<vmem>>
    %dma_wait3A_300 = tpu.memref_squeeze %dma_wait3A_299 : memref<1x128x32xf32, #tpu.memory_space<vmem>> -> memref<128x32xf32, #tpu.memory_space<vmem>>
    %dma_wait3A_301 = arith.constant 0 : i32
    %dma_wait3A_302 = tpu.memref_slice %arg8[%dma_wait3A_295, %dma_wait3A_296, %dma_wait3A_301] : memref<2x16x128xi32, #tpu.memory_space<vmem>> -> memref<1x1x128xi32, #tpu.memory_space<vmem>>
    %dma_wait3A_303 = tpu.memref_squeeze %dma_wait3A_302 : memref<1x1x128xi32, #tpu.memory_space<vmem>> -> memref<128xi32, #tpu.memory_space<vmem>>
    %dma_wait3A_304 = arith.constant 0 : i32
    %dma_wait3A_305 = arith.constant 0 : i32
    %dma_wait3A_306 = tpu.memref_slice %arg10[%dma_wait3A_304, %dma_wait3A_305] : memref<50176x32xf32, #tpu.memory_space<vmem_shared>> -> memref<50176x32xf32, #tpu.memory_space<vmem_shared>>
    tpu.wait_indirect_dma semaphore(%arg12 : memref<!tpu.dma_semaphore, #tpu.memory_space<semaphore_mem>>) src(%dma_wait3A_300 : memref<128x32xf32, #tpu.memory_space<vmem>>) dst(%dma_wait3A_306 : memref<50176x32xf32, #tpu.memory_space<vmem_shared>>)
    %dma_wait3A_307 = arith.constant 0 : i32
    %dma_wait3A_308 = arith.constant 0 : i32
    %dma_wait3A_309 = arith.constant 4 : i32
    %dma_wait3A_310 = arith.constant 0 : i32
    %dma_wait3A_311 = arith.constant 0 : i32
    %dma_wait3A_312 = tpu.memref_slice %arg9[%dma_wait3A_309, %dma_wait3A_310, %dma_wait3A_311] : memref<5x128x32xf32, #tpu.memory_space<vmem>> -> memref<1x128x32xf32, #tpu.memory_space<vmem>>
    %dma_wait3A_313 = tpu.memref_squeeze %dma_wait3A_312 : memref<1x128x32xf32, #tpu.memory_space<vmem>> -> memref<128x32xf32, #tpu.memory_space<vmem>>
    %dma_wait3A_314 = arith.constant 0 : i32
    %dma_wait3A_315 = tpu.memref_slice %arg7[%dma_wait3A_307, %dma_wait3A_308, %dma_wait3A_314] : memref<2x16x128xi32, #tpu.memory_space<vmem>> -> memref<1x1x128xi32, #tpu.memory_space<vmem>>
    %dma_wait3A_316 = tpu.memref_squeeze %dma_wait3A_315 : memref<1x1x128xi32, #tpu.memory_space<vmem>> -> memref<128xi32, #tpu.memory_space<vmem>>
    %dma_wait3A_317 = arith.constant 0 : i32
    %dma_wait3A_318 = arith.constant 0 : i32
    %dma_wait3A_319 = tpu.memref_slice %arg2[%dma_wait3A_317, %dma_wait3A_318] : memref<100000x32xf32, #tpu.memory_space<hbm>> -> memref<100000x32xf32, #tpu.memory_space<hbm>>
    tpu.wait_indirect_dma semaphore(%arg11 : memref<!tpu.dma_semaphore, #tpu.memory_space<semaphore_mem>>) src(%dma_wait3A_319 : memref<100000x32xf32, #tpu.memory_space<hbm>>) dst(%dma_wait3A_313 : memref<128x32xf32, #tpu.memory_space<vmem>>)
    %dma_start3A_320 = arith.constant 4 : i32
    %dma_start3A_321 = arith.constant 0 : i32
    %dma_start3A_322 = arith.constant 15 : i32
    %dma_start3A_323 = arith.constant 0 : i32
    %dma_start3A_324 = arith.constant 0 : i32
    %dma_start3A_325 = tpu.memref_slice %arg9[%dma_start3A_320, %dma_start3A_323, %dma_start3A_324] : memref<5x128x32xf32, #tpu.memory_space<vmem>> -> memref<1x128x32xf32, #tpu.memory_space<vmem>>
    %dma_start3A_326 = tpu.memref_squeeze %dma_start3A_325 : memref<1x128x32xf32, #tpu.memory_space<vmem>> -> memref<128x32xf32, #tpu.memory_space<vmem>>
    %dma_start3A_327 = arith.constant 0 : i32
    %dma_start3A_328 = tpu.memref_slice %arg8[%dma_start3A_321, %dma_start3A_322, %dma_start3A_327] : memref<2x16x128xi32, #tpu.memory_space<vmem>> -> memref<1x1x128xi32, #tpu.memory_space<vmem>>
    %dma_start3A_329 = tpu.memref_squeeze %dma_start3A_328 : memref<1x1x128xi32, #tpu.memory_space<vmem>> -> memref<128xi32, #tpu.memory_space<vmem>>
    %dma_start3A_330 = arith.constant 0 : i32
    %dma_start3A_331 = arith.constant 0 : i32
    %dma_start3A_332 = tpu.memref_slice %arg10[%dma_start3A_330, %dma_start3A_331] : memref<50176x32xf32, #tpu.memory_space<vmem_shared>> -> memref<50176x32xf32, #tpu.memory_space<vmem_shared>>
    tpu.enqueue_indirect_dma source(%dma_start3A_326 : memref<128x32xf32, #tpu.memory_space<vmem>>) target(%dma_start3A_332 : memref<50176x32xf32, #tpu.memory_space<vmem_shared>>) offsets(%dma_start3A_329 : memref<128xi32, #tpu.memory_space<vmem>>) semaphore(%arg12 : memref<!tpu.dma_semaphore, #tpu.memory_space<semaphore_mem>>) {add = true}
    %dma_wait3A_333 = arith.constant 4 : i32
    %dma_wait3A_334 = arith.constant 0 : i32
    %dma_wait3A_335 = arith.constant 0 : i32
    %dma_wait3A_336 = arith.constant 0 : i32
    %dma_wait3A_337 = arith.constant 0 : i32
    %dma_wait3A_338 = tpu.memref_slice %arg9[%dma_wait3A_333, %dma_wait3A_336, %dma_wait3A_337] : memref<5x128x32xf32, #tpu.memory_space<vmem>> -> memref<1x128x32xf32, #tpu.memory_space<vmem>>
    %dma_wait3A_339 = tpu.memref_squeeze %dma_wait3A_338 : memref<1x128x32xf32, #tpu.memory_space<vmem>> -> memref<128x32xf32, #tpu.memory_space<vmem>>
    %dma_wait3A_340 = arith.constant 0 : i32
    %dma_wait3A_341 = tpu.memref_slice %arg8[%dma_wait3A_334, %dma_wait3A_335, %dma_wait3A_340] : memref<2x16x128xi32, #tpu.memory_space<vmem>> -> memref<1x1x128xi32, #tpu.memory_space<vmem>>
    %dma_wait3A_342 = tpu.memref_squeeze %dma_wait3A_341 : memref<1x1x128xi32, #tpu.memory_space<vmem>> -> memref<128xi32, #tpu.memory_space<vmem>>
    %dma_wait3A_343 = arith.constant 0 : i32
    %dma_wait3A_344 = arith.constant 0 : i32
    %dma_wait3A_345 = tpu.memref_slice %arg10[%dma_wait3A_343, %dma_wait3A_344] : memref<50176x32xf32, #tpu.memory_space<vmem_shared>> -> memref<50176x32xf32, #tpu.memory_space<vmem_shared>>
    tpu.wait_indirect_dma semaphore(%arg12 : memref<!tpu.dma_semaphore, #tpu.memory_space<semaphore_mem>>) src(%dma_wait3A_339 : memref<128x32xf32, #tpu.memory_space<vmem>>) dst(%dma_wait3A_345 : memref<50176x32xf32, #tpu.memory_space<vmem_shared>>)
    %dma_wait3A_346 = arith.constant 0 : i32
    %dma_wait3A_347 = arith.constant 0 : i32
    %dma_wait3A_348 = arith.constant 0 : i32
    %dma_wait3A_349 = arith.constant 0 : i32
    %dma_wait3A_350 = arith.constant 0 : i32
    %dma_wait3A_351 = tpu.memref_slice %arg9[%dma_wait3A_346, %dma_wait3A_349, %dma_wait3A_350] : memref<5x128x32xf32, #tpu.memory_space<vmem>> -> memref<1x128x32xf32, #tpu.memory_space<vmem>>
    %dma_wait3A_352 = tpu.memref_squeeze %dma_wait3A_351 : memref<1x128x32xf32, #tpu.memory_space<vmem>> -> memref<128x32xf32, #tpu.memory_space<vmem>>
    %dma_wait3A_353 = arith.constant 0 : i32
    %dma_wait3A_354 = tpu.memref_slice %arg8[%dma_wait3A_347, %dma_wait3A_348, %dma_wait3A_353] : memref<2x16x128xi32, #tpu.memory_space<vmem>> -> memref<1x1x128xi32, #tpu.memory_space<vmem>>
    %dma_wait3A_355 = tpu.memref_squeeze %dma_wait3A_354 : memref<1x1x128xi32, #tpu.memory_space<vmem>> -> memref<128xi32, #tpu.memory_space<vmem>>
    %dma_wait3A_356 = arith.constant 0 : i32
    %dma_wait3A_357 = arith.constant 0 : i32
    %dma_wait3A_358 = tpu.memref_slice %arg10[%dma_wait3A_356, %dma_wait3A_357] : memref<50176x32xf32, #tpu.memory_space<vmem_shared>> -> memref<50176x32xf32, #tpu.memory_space<vmem_shared>>
    tpu.wait_indirect_dma semaphore(%arg12 : memref<!tpu.dma_semaphore, #tpu.memory_space<semaphore_mem>>) src(%dma_wait3A_352 : memref<128x32xf32, #tpu.memory_space<vmem>>) dst(%dma_wait3A_358 : memref<50176x32xf32, #tpu.memory_space<vmem_shared>>)
    %dma_wait3A_359 = arith.constant 0 : i32
    %dma_wait3A_360 = arith.constant 0 : i32
    %dma_wait3A_361 = arith.constant 0 : i32
    %dma_wait3A_362 = tpu.memref_slice %arg7[%dma_wait3A_359, %dma_wait3A_360, %dma_wait3A_361] : memref<2x16x128xi32, #tpu.memory_space<vmem>> -> memref<1x16x128xi32, #tpu.memory_space<vmem>>
    %dma_wait3A_363 = tpu.memref_squeeze %dma_wait3A_362 : memref<1x16x128xi32, #tpu.memory_space<vmem>> -> memref<16x128xi32, #tpu.memory_space<vmem>>
    %dma_wait3A_364 = arith.constant 0 : i32
    %dma_wait3A_365 = tpu.memref_slice %arg3[%arg0, %mul3A_0, %dma_wait3A_364] : memref<2x6400x128xi32, #tpu.memory_space<hbm>> -> memref<1x16x128xi32, #tpu.memory_space<hbm>>
    %dma_wait3A_366 = tpu.memref_squeeze %dma_wait3A_365 : memref<1x16x128xi32, #tpu.memory_space<hbm>> -> memref<16x128xi32, #tpu.memory_space<hbm>>
    %dma_wait3A_367 = arith.constant 0 : i32
    %dma_wait3A_368 = arith.constant 0 : i32
    %dma_wait3A_369 = tpu.memref_slice %arg7[%dma_wait3A_359, %dma_wait3A_367, %dma_wait3A_368] : memref<2x16x128xi32, #tpu.memory_space<vmem>> -> memref<1x16x128xi32, #tpu.memory_space<vmem>>
    %dma_wait3A_370 = tpu.memref_squeeze %dma_wait3A_369 : memref<1x16x128xi32, #tpu.memory_space<vmem>> -> memref<16x128xi32, #tpu.memory_space<vmem>>
    %dma_wait3A_371 = arith.constant 0 : i32
    %dma_wait3A_372 = tpu.memref_slice %arg3[%arg0, %mul3A_0, %dma_wait3A_371] : memref<2x6400x128xi32, #tpu.memory_space<hbm>> -> memref<1x16x128xi32, #tpu.memory_space<hbm>>
    %dma_wait3A_373 = tpu.memref_squeeze %dma_wait3A_372 : memref<1x16x128xi32, #tpu.memory_space<hbm>> -> memref<16x128xi32, #tpu.memory_space<hbm>>
    tpu.wait_dma2 semaphore(%arg13 : memref<!tpu.dma_semaphore, #tpu.memory_space<semaphore_mem>>) src(%dma_wait3A_373 : memref<16x128xi32, #tpu.memory_space<hbm>>) dst(%dma_wait3A_370 : memref<16x128xi32, #tpu.memory_space<vmem>>)
    %dma_wait3A_374 = arith.constant 0 : i32
    %dma_wait3A_375 = arith.constant 0 : i32
    %dma_wait3A_376 = arith.constant 0 : i32
    %dma_wait3A_377 = tpu.memref_slice %arg8[%dma_wait3A_374, %dma_wait3A_375, %dma_wait3A_376] : memref<2x16x128xi32, #tpu.memory_space<vmem>> -> memref<1x16x128xi32, #tpu.memory_space<vmem>>
    %dma_wait3A_378 = tpu.memref_squeeze %dma_wait3A_377 : memref<1x16x128xi32, #tpu.memory_space<vmem>> -> memref<16x128xi32, #tpu.memory_space<vmem>>
    %dma_wait3A_379 = arith.constant 0 : i32
    %dma_wait3A_380 = tpu.memref_slice %arg4[%mul3A_0, %dma_wait3A_379] : memref<6400x128xi32, #tpu.memory_space<hbm>> -> memref<16x128xi32, #tpu.memory_space<hbm>>
    %dma_wait3A_381 = arith.constant 0 : i32
    %dma_wait3A_382 = arith.constant 0 : i32
    %dma_wait3A_383 = tpu.memref_slice %arg8[%dma_wait3A_374, %dma_wait3A_381, %dma_wait3A_382] : memref<2x16x128xi32, #tpu.memory_space<vmem>> -> memref<1x16x128xi32, #tpu.memory_space<vmem>>
    %dma_wait3A_384 = tpu.memref_squeeze %dma_wait3A_383 : memref<1x16x128xi32, #tpu.memory_space<vmem>> -> memref<16x128xi32, #tpu.memory_space<vmem>>
    %dma_wait3A_385 = arith.constant 0 : i32
    %dma_wait3A_386 = tpu.memref_slice %arg4[%mul3A_0, %dma_wait3A_385] : memref<6400x128xi32, #tpu.memory_space<hbm>> -> memref<16x128xi32, #tpu.memory_space<hbm>>
    tpu.wait_dma2 semaphore(%arg13 : memref<!tpu.dma_semaphore, #tpu.memory_space<semaphore_mem>>) src(%dma_wait3A_386 : memref<16x128xi32, #tpu.memory_space<hbm>>) dst(%dma_wait3A_384 : memref<16x128xi32, #tpu.memory_space<vmem>>)
    %barrier3A_387 = arith.constant 0 : index
    tpu.barrier barrier_id(%barrier3A_387)
    %mul3A_388 = arith.constant 1564 : i32
    %mul3A_389 = arith.muli %arg1, %mul3A_388 : i32
    %mul3A_390 = arith.constant 32 : i32
    %mul3A_391 = arith.muli %arg0, %mul3A_390 : i32
    "tpu.region"() ({
      %run_scoped3A = tpu.sem_alloc : memref<!tpu.dma_semaphore, #tpu.memory_space<semaphore_mem>>
      %dma_start3A_398 = tpu.memref_slice %arg6[%mul3A_389, %mul3A_391] : memref<25024x128xf32, #tpu.memory_space<hbm>> -> memref<1564x32xf32, #tpu.memory_space<hbm>>
      %dma_start3A_399 = arith.constant 0 : i32
      %dma_start3A_400 = tpu.memref_slice %arg10[%mul3A_389, %dma_start3A_399] : memref<50176x32xf32, #tpu.memory_space<vmem_shared>> -> memref<1564x32xf32, #tpu.memory_space<vmem_shared>>
      tpu.enqueue_dma source(%dma_start3A_400 : memref<1564x32xf32, #tpu.memory_space<vmem_shared>>) target(%dma_start3A_398 : memref<1564x32xf32, #tpu.memory_space<hbm>>) target_semaphore(%run_scoped3A : memref<!tpu.dma_semaphore, #tpu.memory_space<semaphore_mem>>)
      %dma_wait3A_401 = tpu.memref_slice %arg6[%mul3A_389, %mul3A_391] : memref<25024x128xf32, #tpu.memory_space<hbm>> -> memref<1564x32xf32, #tpu.memory_space<hbm>>
      %dma_wait3A_402 = arith.constant 0 : i32
      %dma_wait3A_403 = tpu.memref_slice %arg10[%mul3A_389, %dma_wait3A_402] : memref<50176x32xf32, #tpu.memory_space<vmem_shared>> -> memref<1564x32xf32, #tpu.memory_space<vmem_shared>>
      tpu.wait_dma2 semaphore(%run_scoped3A : memref<!tpu.dma_semaphore, #tpu.memory_space<semaphore_mem>>) src(%dma_wait3A_403 : memref<1564x32xf32, #tpu.memory_space<vmem_shared>>) dst(%dma_wait3A_401 : memref<1564x32xf32, #tpu.memory_space<hbm>>)
      tpu.yield
    }) : () -> ()
    %add3A_392 = arith.constant 25088 : i32
    %add3A_393 = arith.addi %add3A_392, %mul3A_389 : i32
    %mul3A_394 = arith.constant 32 : i32
    %mul3A_395 = arith.muli %arg0, %mul3A_394 : i32
    %add3A_396 = arith.constant 64 : i32
    %add3A_397 = arith.addi %add3A_396, %mul3A_395 : i32
    "tpu.region"() ({
      %run_scoped3A = tpu.sem_alloc : memref<!tpu.dma_semaphore, #tpu.memory_space<semaphore_mem>>
      %dma_start3A_398 = tpu.memref_slice %arg6[%mul3A_389, %add3A_397] : memref<25024x128xf32, #tpu.memory_space<hbm>> -> memref<1564x32xf32, #tpu.memory_space<hbm>>
      %dma_start3A_399 = arith.constant 0 : i32
      %dma_start3A_400 = tpu.memref_slice %arg10[%add3A_393, %dma_start3A_399] : memref<50176x32xf32, #tpu.memory_space<vmem_shared>> -> memref<1564x32xf32, #tpu.memory_space<vmem_shared>>
      tpu.enqueue_dma source(%dma_start3A_400 : memref<1564x32xf32, #tpu.memory_space<vmem_shared>>) target(%dma_start3A_398 : memref<1564x32xf32, #tpu.memory_space<hbm>>) target_semaphore(%run_scoped3A : memref<!tpu.dma_semaphore, #tpu.memory_space<semaphore_mem>>)
      %dma_wait3A_401 = tpu.memref_slice %arg6[%mul3A_389, %add3A_397] : memref<25024x128xf32, #tpu.memory_space<hbm>> -> memref<1564x32xf32, #tpu.memory_space<hbm>>
      %dma_wait3A_402 = arith.constant 0 : i32
      %dma_wait3A_403 = tpu.memref_slice %arg10[%add3A_393, %dma_wait3A_402] : memref<50176x32xf32, #tpu.memory_space<vmem_shared>> -> memref<1564x32xf32, #tpu.memory_space<vmem_shared>>
      tpu.wait_dma2 semaphore(%run_scoped3A : memref<!tpu.dma_semaphore, #tpu.memory_space<semaphore_mem>>) src(%dma_wait3A_403 : memref<1564x32xf32, #tpu.memory_space<vmem_shared>>) dst(%dma_wait3A_401 : memref<1564x32xf32, #tpu.memory_space<hbm>>)
      tpu.yield
    }) : () -> ()
    return
  }
}

module attributes {stable_mosaic.version = 14 : i64} {
  func.func @_mlp_body(%arg0: i32, %arg1: memref<2x5000x128xf32, #tpu.memory_space<vmem>>, %arg2: memref<128x64xf32, #tpu.memory_space<vmem>>, %arg3: memref<1x64xf32, #tpu.memory_space<vmem>>, %arg4: memref<64x64xf32, #tpu.memory_space<vmem>>, %arg5: memref<1x64xf32, #tpu.memory_space<vmem>>, %arg6: memref<64x64xf32, #tpu.memory_space<vmem>>, %arg7: memref<1x64xf32, #tpu.memory_space<vmem>>, %arg8: memref<64x64xf32, #tpu.memory_space<vmem>>, %arg9: memref<1x64xf32, #tpu.memory_space<vmem>>, %arg10: memref<5000x128xf32, #tpu.memory_space<vmem>>) attributes {dimension_semantics = [#tpu.dimension_semantics<arbitrary>], iteration_bounds = array<i64: 5>, scalar_prefetch = 0 : i64, scratch_operands = 0 : i64, tpu.core_type = #tpu.core_type<tc>, window_params = [{transform_indices = @transform_0, window_bounds = array<i64: 2, 5000, 128>}, {pipeline_mode = #tpu.pipeline_mode<synchronous>, transform_indices = @transform_1, window_bounds = array<i64: 128, 64>}, {pipeline_mode = #tpu.pipeline_mode<synchronous>, transform_indices = @transform_2, window_bounds = array<i64: 1, 64>}, {pipeline_mode = #tpu.pipeline_mode<synchronous>, transform_indices = @transform_3, window_bounds = array<i64: 64, 64>}, {pipeline_mode = #tpu.pipeline_mode<synchronous>, transform_indices = @transform_4, window_bounds = array<i64: 1, 64>}, {pipeline_mode = #tpu.pipeline_mode<synchronous>, transform_indices = @transform_5, window_bounds = array<i64: 64, 64>}, {pipeline_mode = #tpu.pipeline_mode<synchronous>, transform_indices = @transform_6, window_bounds = array<i64: 1, 64>}, {pipeline_mode = #tpu.pipeline_mode<synchronous>, transform_indices = @transform_7, window_bounds = array<i64: 64, 64>}, {pipeline_mode = #tpu.pipeline_mode<synchronous>, transform_indices = @transform_8, window_bounds = array<i64: 1, 64>}, {transform_indices = @transform_9, window_bounds = array<i64: 5000, 128>}]} {
    %get3A = arith.constant 0 : index
    %get3A_0 = arith.constant 0 : index
    %get3A_1 = arith.constant 0 : index
    %get3A_2 = vector.load %arg1[%get3A, %get3A_0, %get3A_1] : memref<2x5000x128xf32, #tpu.memory_space<vmem>>, vector<1x5000x128xf32>
    %get3A_3 = vector.shape_cast %get3A_2 : vector<1x5000x128xf32> to vector<5000x128xf32>
    %get3A_4 = arith.constant 1 : index
    %get3A_5 = arith.constant 0 : index
    %get3A_6 = arith.constant 0 : index
    %get3A_7 = vector.load %arg1[%get3A_4, %get3A_5, %get3A_6] : memref<2x5000x128xf32, #tpu.memory_space<vmem>>, vector<1x5000x128xf32>
    %get3A_8 = vector.shape_cast %get3A_7 : vector<1x5000x128xf32> to vector<5000x128xf32>
    %concatenate3A = tpu.concatenate %get3A_3, %get3A_8 in 0 : vector<5000x128xf32>, vector<5000x128xf32> -> vector<10000x128xf32>
    %get3A_9 = arith.constant 0 : index
    %get3A_10 = arith.constant 0 : index
    %get3A_11 = vector.load %arg2[%get3A_9, %get3A_10] : memref<128x64xf32, #tpu.memory_space<vmem>>, vector<128x64xf32>
    %dot_general3A = arith.constant dense<0.000000e+00> : vector<10000x64xf32>
    %dot_general3A_12 = tpu.matmul %concatenate3A, %get3A_11, %dot_general3A {dimension_numbers = #tpu.dot_dimension_numbers<[1], [0], [0], [1], [0, 0, 1, 1], [], []>, transpose_lhs_hint = false} : vector<10000x128xf32>, vector<128x64xf32>, vector<10000x64xf32> -> vector<10000x64xf32>
    %get3A_13 = arith.constant 0 : index
    %get3A_14 = arith.constant 0 : index
    %get3A_15 = vector.load %arg3[%get3A_13, %get3A_14] : memref<1x64xf32, #tpu.memory_space<vmem>>, vector<1x64xf32>
    %add3A = vector.broadcast %get3A_15 : vector<1x64xf32> to vector<10000x64xf32>
    %add3A_16 = arith.addf %dot_general3A_12, %add3A : vector<10000x64xf32>
    %max3A = arith.constant 0.000000e+00 : f32
    %max3A_17 = vector.broadcast %max3A : f32 to vector<10000x64xf32>
    %max3A_18 = arith.maximumf %add3A_16, %max3A_17 : vector<10000x64xf32>
    %get3A_19 = arith.constant 0 : index
    %get3A_20 = arith.constant 0 : index
    %get3A_21 = vector.load %arg4[%get3A_19, %get3A_20] : memref<64x64xf32, #tpu.memory_space<vmem>>, vector<64x64xf32>
    %dot_general3A_22 = arith.constant dense<0.000000e+00> : vector<10000x64xf32>
    %dot_general3A_23 = tpu.matmul %max3A_18, %get3A_21, %dot_general3A_22 {dimension_numbers = #tpu.dot_dimension_numbers<[1], [0], [0], [1], [0, 0, 1, 1], [], []>, transpose_lhs_hint = false} : vector<10000x64xf32>, vector<64x64xf32>, vector<10000x64xf32> -> vector<10000x64xf32>
    %get3A_24 = arith.constant 0 : index
    %get3A_25 = arith.constant 0 : index
    %get3A_26 = vector.load %arg5[%get3A_24, %get3A_25] : memref<1x64xf32, #tpu.memory_space<vmem>>, vector<1x64xf32>
    %add3A_27 = vector.broadcast %get3A_26 : vector<1x64xf32> to vector<10000x64xf32>
    %add3A_28 = arith.addf %dot_general3A_23, %add3A_27 : vector<10000x64xf32>
    %max3A_29 = arith.constant 0.000000e+00 : f32
    %max3A_30 = vector.broadcast %max3A_29 : f32 to vector<10000x64xf32>
    %max3A_31 = arith.maximumf %add3A_28, %max3A_30 : vector<10000x64xf32>
    %get3A_32 = arith.constant 0 : index
    %get3A_33 = arith.constant 0 : index
    %get3A_34 = vector.load %arg6[%get3A_32, %get3A_33] : memref<64x64xf32, #tpu.memory_space<vmem>>, vector<64x64xf32>
    %dot_general3A_35 = arith.constant dense<0.000000e+00> : vector<10000x64xf32>
    %dot_general3A_36 = tpu.matmul %max3A_31, %get3A_34, %dot_general3A_35 {dimension_numbers = #tpu.dot_dimension_numbers<[1], [0], [0], [1], [0, 0, 1, 1], [], []>, transpose_lhs_hint = false} : vector<10000x64xf32>, vector<64x64xf32>, vector<10000x64xf32> -> vector<10000x64xf32>
    %get3A_37 = arith.constant 0 : index
    %get3A_38 = arith.constant 0 : index
    %get3A_39 = vector.load %arg7[%get3A_37, %get3A_38] : memref<1x64xf32, #tpu.memory_space<vmem>>, vector<1x64xf32>
    %add3A_40 = vector.broadcast %get3A_39 : vector<1x64xf32> to vector<10000x64xf32>
    %add3A_41 = arith.addf %dot_general3A_36, %add3A_40 : vector<10000x64xf32>
    %max3A_42 = arith.constant 0.000000e+00 : f32
    %max3A_43 = vector.broadcast %max3A_42 : f32 to vector<10000x64xf32>
    %max3A_44 = arith.maximumf %add3A_41, %max3A_43 : vector<10000x64xf32>
    %add3A_45 = arith.addf %max3A_44, %max3A_31 : vector<10000x64xf32>
    %get3A_46 = arith.constant 0 : index
    %get3A_47 = arith.constant 0 : index
    %get3A_48 = vector.load %arg8[%get3A_46, %get3A_47] : memref<64x64xf32, #tpu.memory_space<vmem>>, vector<64x64xf32>
    %dot_general3A_49 = arith.constant dense<0.000000e+00> : vector<10000x64xf32>
    %dot_general3A_50 = tpu.matmul %add3A_45, %get3A_48, %dot_general3A_49 {dimension_numbers = #tpu.dot_dimension_numbers<[1], [0], [0], [1], [0, 0, 1, 1], [], []>, transpose_lhs_hint = false} : vector<10000x64xf32>, vector<64x64xf32>, vector<10000x64xf32> -> vector<10000x64xf32>
    %get3A_51 = arith.constant 0 : index
    %get3A_52 = arith.constant 0 : index
    %get3A_53 = vector.load %arg9[%get3A_51, %get3A_52] : memref<1x64xf32, #tpu.memory_space<vmem>>, vector<1x64xf32>
    %add3A_54 = vector.broadcast %get3A_53 : vector<1x64xf32> to vector<10000x64xf32>
    %add3A_55 = arith.addf %dot_general3A_50, %add3A_54 : vector<10000x64xf32>
    %max3A_56 = arith.constant 0.000000e+00 : f32
    %max3A_57 = vector.broadcast %max3A_56 : f32 to vector<10000x64xf32>
    %max3A_58 = arith.maximumf %add3A_55, %max3A_57 : vector<10000x64xf32>
    %add3A_59 = arith.addf %max3A_58, %add3A_45 : vector<10000x64xf32>
    %slice3A = vector.extract_strided_slice %add3A_59 {offsets = [0, 0], sizes = [5000, 64], strides = [1, 1]} : vector<10000x64xf32> to vector<5000x64xf32>
    %slice3A_60 = vector.extract_strided_slice %add3A_59 {offsets = [5000, 0], sizes = [5000, 64], strides = [1, 1]} : vector<10000x64xf32> to vector<5000x64xf32>
    %concatenate3A_61 = tpu.concatenate %slice3A, %slice3A_60 in 1 : vector<5000x64xf32>, vector<5000x64xf32> -> vector<5000x128xf32>
    %swap3A = arith.constant 0 : index
    %swap3A_62 = arith.constant 0 : index
    %swap3A_63 = vector.load %arg10[%swap3A, %swap3A_62] : memref<5000x128xf32, #tpu.memory_space<vmem>>, vector<5000x128xf32>
    tpu.vector_store %arg10[%swap3A, %swap3A_62], %concatenate3A_61 {strides = array<i32>} : memref<5000x128xf32, #tpu.memory_space<vmem>>, vector<5000x128xf32>,
    return
  }
  func.func @transform_0(%arg0: i32) -> (i32, i32, i32) {
    %c0_i32 = arith.constant 0 : i32
    %c0_i32_0 = arith.constant 0 : i32
    %c0_i32_1 = arith.constant 0 : i32
    return %c0_i32, %arg0, %c0_i32_0 : i32, i32, i32
  }
  func.func @transform_1(%arg0: i32) -> (i32, i32) {
    %c0_i32 = arith.constant 0 : i32
    %c0_i32_0 = arith.constant 0 : i32
    %c0_i32_1 = arith.constant 0 : i32
    return %c0_i32, %c0_i32_0 : i32, i32
  }
  func.func @transform_2(%arg0: i32) -> (i32, i32) {
    %c0_i32 = arith.constant 0 : i32
    %c0_i32_0 = arith.constant 0 : i32
    %c0_i32_1 = arith.constant 0 : i32
    return %c0_i32, %c0_i32_0 : i32, i32
  }
  func.func @transform_3(%arg0: i32) -> (i32, i32) {
    %c0_i32 = arith.constant 0 : i32
    %c0_i32_0 = arith.constant 0 : i32
    %c0_i32_1 = arith.constant 0 : i32
    return %c0_i32, %c0_i32_0 : i32, i32
  }
  func.func @transform_4(%arg0: i32) -> (i32, i32) {
    %c0_i32 = arith.constant 0 : i32
    %c0_i32_0 = arith.constant 0 : i32
    %c0_i32_1 = arith.constant 0 : i32
    return %c0_i32, %c0_i32_0 : i32, i32
  }
  func.func @transform_5(%arg0: i32) -> (i32, i32) {
    %c0_i32 = arith.constant 0 : i32
    %c0_i32_0 = arith.constant 0 : i32
    %c0_i32_1 = arith.constant 0 : i32
    return %c0_i32, %c0_i32_0 : i32, i32
  }
  func.func @transform_6(%arg0: i32) -> (i32, i32) {
    %c0_i32 = arith.constant 0 : i32
    %c0_i32_0 = arith.constant 0 : i32
    %c0_i32_1 = arith.constant 0 : i32
    return %c0_i32, %c0_i32_0 : i32, i32
  }
  func.func @transform_7(%arg0: i32) -> (i32, i32) {
    %c0_i32 = arith.constant 0 : i32
    %c0_i32_0 = arith.constant 0 : i32
    %c0_i32_1 = arith.constant 0 : i32
    return %c0_i32, %c0_i32_0 : i32, i32
  }
  func.func @transform_8(%arg0: i32) -> (i32, i32) {
    %c0_i32 = arith.constant 0 : i32
    %c0_i32_0 = arith.constant 0 : i32
    %c0_i32_1 = arith.constant 0 : i32
    return %c0_i32, %c0_i32_0 : i32, i32
  }
  func.func @transform_9(%arg0: i32) -> (i32, i32) {
    %c0_i32 = arith.constant 0 : i32
    %c0_i32_0 = arith.constant 0 : i32
    return %arg0, %c0_i32 : i32, i32
  }
}

module attributes {stable_mosaic.version = 14 : i64} {
  func.func @_conv_combine_body(%arg0: i32, %arg1: memref<5000x128xf32, #tpu.memory_space<vmem>>, %arg2: memref<5000x128xf32, #tpu.memory_space<vmem>>, %arg3: memref<128x128xf32, #tpu.memory_space<vmem>>, %arg4: memref<1x128xf32, #tpu.memory_space<vmem>>, %arg5: memref<128x128xf32, #tpu.memory_space<vmem>>, %arg6: memref<5000x128xf32, #tpu.memory_space<vmem>>) attributes {dimension_semantics = [#tpu.dimension_semantics<arbitrary>], iteration_bounds = array<i64: 5>, scalar_prefetch = 0 : i64, scratch_operands = 0 : i64, tpu.core_type = #tpu.core_type<tc>, window_params = [{transform_indices = @transform_0, window_bounds = array<i64: 5000, 128>}, {transform_indices = @transform_1, window_bounds = array<i64: 5000, 128>}, {pipeline_mode = #tpu.pipeline_mode<synchronous>, transform_indices = @transform_2, window_bounds = array<i64: 128, 128>}, {pipeline_mode = #tpu.pipeline_mode<synchronous>, transform_indices = @transform_3, window_bounds = array<i64: 1, 128>}, {pipeline_mode = #tpu.pipeline_mode<synchronous>, transform_indices = @transform_4, window_bounds = array<i64: 128, 128>}, {transform_indices = @transform_5, window_bounds = array<i64: 5000, 128>}]} {
    %get3A = arith.constant 0 : index
    %get3A_0 = arith.constant 0 : index
    %get3A_1 = vector.load %arg1[%get3A, %get3A_0] : memref<5000x128xf32, #tpu.memory_space<vmem>>, vector<5000x128xf32>
    %get3A_2 = arith.constant 0 : index
    %get3A_3 = arith.constant 0 : index
    %get3A_4 = vector.load %arg3[%get3A_2, %get3A_3] : memref<128x128xf32, #tpu.memory_space<vmem>>, vector<128x128xf32>
    %dot_general3A = arith.constant dense<0.000000e+00> : vector<5000x128xf32>
    %dot_general3A_5 = tpu.matmul %get3A_1, %get3A_4, %dot_general3A {dimension_numbers = #tpu.dot_dimension_numbers<[1], [0], [0], [1], [0, 0, 1, 1], [], []>, transpose_lhs_hint = false} : vector<5000x128xf32>, vector<128x128xf32>, vector<5000x128xf32> -> vector<5000x128xf32>
    %get3A_6 = arith.constant 0 : index
    %get3A_7 = arith.constant 0 : index
    %get3A_8 = vector.load %arg2[%get3A_6, %get3A_7] : memref<5000x128xf32, #tpu.memory_space<vmem>>, vector<5000x128xf32>
    %get3A_9 = arith.constant 0 : index
    %get3A_10 = arith.constant 0 : index
    %get3A_11 = vector.load %arg5[%get3A_9, %get3A_10] : memref<128x128xf32, #tpu.memory_space<vmem>>, vector<128x128xf32>
    %dot_general3A_12 = arith.constant dense<0.000000e+00> : vector<5000x128xf32>
    %dot_general3A_13 = tpu.matmul %get3A_8, %get3A_11, %dot_general3A_12 {dimension_numbers = #tpu.dot_dimension_numbers<[1], [0], [0], [1], [0, 0, 1, 1], [], []>, transpose_lhs_hint = false} : vector<5000x128xf32>, vector<128x128xf32>, vector<5000x128xf32> -> vector<5000x128xf32>
    %add3A = arith.addf %dot_general3A_5, %dot_general3A_13 : vector<5000x128xf32>
    %get3A_14 = arith.constant 0 : index
    %get3A_15 = arith.constant 0 : index
    %get3A_16 = vector.load %arg4[%get3A_14, %get3A_15] : memref<1x128xf32, #tpu.memory_space<vmem>>, vector<1x128xf32>
    %add3A_17 = vector.broadcast %get3A_16 : vector<1x128xf32> to vector<5000x128xf32>
    %add3A_18 = arith.addf %add3A, %add3A_17 : vector<5000x128xf32>
    %max3A = arith.constant 0.000000e+00 : f32
    %max3A_19 = vector.broadcast %max3A : f32 to vector<5000x128xf32>
    %max3A_20 = arith.maximumf %add3A_18, %max3A_19 : vector<5000x128xf32>
    %swap3A = arith.constant 0 : index
    %swap3A_21 = arith.constant 0 : index
    %swap3A_22 = vector.load %arg6[%swap3A, %swap3A_21] : memref<5000x128xf32, #tpu.memory_space<vmem>>, vector<5000x128xf32>
    tpu.vector_store %arg6[%swap3A, %swap3A_21], %max3A_20 {strides = array<i32>} : memref<5000x128xf32, #tpu.memory_space<vmem>>, vector<5000x128xf32>,
    return
  }
  func.func @transform_0(%arg0: i32) -> (i32, i32) {
    %c0_i32 = arith.constant 0 : i32
    %c0_i32_0 = arith.constant 0 : i32
    return %arg0, %c0_i32 : i32, i32
  }
  func.func @transform_1(%arg0: i32) -> (i32, i32) {
    %c0_i32 = arith.constant 0 : i32
    %c0_i32_0 = arith.constant 0 : i32
    return %arg0, %c0_i32 : i32, i32
  }
  func.func @transform_2(%arg0: i32) -> (i32, i32) {
    %c0_i32 = arith.constant 0 : i32
    %c0_i32_0 = arith.constant 0 : i32
    %c0_i32_1 = arith.constant 0 : i32
    return %c0_i32, %c0_i32_0 : i32, i32
  }
  func.func @transform_3(%arg0: i32) -> (i32, i32) {
    %c0_i32 = arith.constant 0 : i32
    %c0_i32_0 = arith.constant 0 : i32
    %c0_i32_1 = arith.constant 0 : i32
    return %c0_i32, %c0_i32_0 : i32, i32
  }
  func.func @transform_4(%arg0: i32) -> (i32, i32) {
    %c0_i32 = arith.constant 0 : i32
    %c0_i32_0 = arith.constant 0 : i32
    %c0_i32_1 = arith.constant 0 : i32
    return %c0_i32, %c0_i32_0 : i32, i32
  }
  func.func @transform_5(%arg0: i32) -> (i32, i32) {
    %c0_i32 = arith.constant 0 : i32
    %c0_i32_0 = arith.constant 0 : i32
    return %arg0, %c0_i32 : i32, i32
  }
}

module attributes {stable_mosaic.version = 14 : i64} {
  func.func @_final_body(%arg0: i32, %arg1: memref<5000x128xf32, #tpu.memory_space<vmem>>, %arg2: memref<5000x128xf32, #tpu.memory_space<vmem>>, %arg3: memref<128x128xf32, #tpu.memory_space<vmem>>, %arg4: memref<1x128xf32, #tpu.memory_space<vmem>>, %arg5: memref<128x128xf32, #tpu.memory_space<vmem>>, %arg6: memref<128x120xf32, #tpu.memory_space<vmem>>, %arg7: memref<1x120xf32, #tpu.memory_space<vmem>>, %arg8: memref<5000x120xf32, #tpu.memory_space<vmem>>) attributes {dimension_semantics = [#tpu.dimension_semantics<arbitrary>], iteration_bounds = array<i64: 5>, scalar_prefetch = 0 : i64, scratch_operands = 0 : i64, tpu.core_type = #tpu.core_type<tc>, window_params = [{transform_indices = @transform_0, window_bounds = array<i64: 5000, 128>}, {transform_indices = @transform_1, window_bounds = array<i64: 5000, 128>}, {pipeline_mode = #tpu.pipeline_mode<synchronous>, transform_indices = @transform_2, window_bounds = array<i64: 128, 128>}, {pipeline_mode = #tpu.pipeline_mode<synchronous>, transform_indices = @transform_3, window_bounds = array<i64: 1, 128>}, {pipeline_mode = #tpu.pipeline_mode<synchronous>, transform_indices = @transform_4, window_bounds = array<i64: 128, 128>}, {pipeline_mode = #tpu.pipeline_mode<synchronous>, transform_indices = @transform_5, window_bounds = array<i64: 128, 120>}, {pipeline_mode = #tpu.pipeline_mode<synchronous>, transform_indices = @transform_6, window_bounds = array<i64: 1, 120>}, {transform_indices = @transform_7, window_bounds = array<i64: 5000, 120>}]} {
    %get3A = arith.constant 0 : index
    %get3A_0 = arith.constant 0 : index
    %get3A_1 = vector.load %arg1[%get3A, %get3A_0] : memref<5000x128xf32, #tpu.memory_space<vmem>>, vector<5000x128xf32>
    %get3A_2 = arith.constant 0 : index
    %get3A_3 = arith.constant 0 : index
    %get3A_4 = vector.load %arg3[%get3A_2, %get3A_3] : memref<128x128xf32, #tpu.memory_space<vmem>>, vector<128x128xf32>
    %dot_general3A = arith.constant dense<0.000000e+00> : vector<5000x128xf32>
    %dot_general3A_5 = tpu.matmul %get3A_1, %get3A_4, %dot_general3A {dimension_numbers = #tpu.dot_dimension_numbers<[1], [0], [0], [1], [0, 0, 1, 1], [], []>, transpose_lhs_hint = false} : vector<5000x128xf32>, vector<128x128xf32>, vector<5000x128xf32> -> vector<5000x128xf32>
    %get3A_6 = arith.constant 0 : index
    %get3A_7 = arith.constant 0 : index
    %get3A_8 = vector.load %arg2[%get3A_6, %get3A_7] : memref<5000x128xf32, #tpu.memory_space<vmem>>, vector<5000x128xf32>
    %get3A_9 = arith.constant 0 : index
    %get3A_10 = arith.constant 0 : index
    %get3A_11 = vector.load %arg5[%get3A_9, %get3A_10] : memref<128x128xf32, #tpu.memory_space<vmem>>, vector<128x128xf32>
    %dot_general3A_12 = arith.constant dense<0.000000e+00> : vector<5000x128xf32>
    %dot_general3A_13 = tpu.matmul %get3A_8, %get3A_11, %dot_general3A_12 {dimension_numbers = #tpu.dot_dimension_numbers<[1], [0], [0], [1], [0, 0, 1, 1], [], []>, transpose_lhs_hint = false} : vector<5000x128xf32>, vector<128x128xf32>, vector<5000x128xf32> -> vector<5000x128xf32>
    %add3A = arith.addf %dot_general3A_5, %dot_general3A_13 : vector<5000x128xf32>
    %get3A_14 = arith.constant 0 : index
    %get3A_15 = arith.constant 0 : index
    %get3A_16 = vector.load %arg4[%get3A_14, %get3A_15] : memref<1x128xf32, #tpu.memory_space<vmem>>, vector<1x128xf32>
    %add3A_17 = vector.broadcast %get3A_16 : vector<1x128xf32> to vector<5000x128xf32>
    %add3A_18 = arith.addf %add3A, %add3A_17 : vector<5000x128xf32>
    %max3A = arith.constant 0.000000e+00 : f32
    %max3A_19 = vector.broadcast %max3A : f32 to vector<5000x128xf32>
    %max3A_20 = arith.maximumf %add3A_18, %max3A_19 : vector<5000x128xf32>
    %get3A_21 = arith.constant 0 : index
    %get3A_22 = arith.constant 0 : index
    %get3A_23 = vector.load %arg6[%get3A_21, %get3A_22] : memref<128x120xf32, #tpu.memory_space<vmem>>, vector<128x120xf32>
    %dot_general3A_24 = arith.constant dense<0.000000e+00> : vector<5000x120xf32>
    %dot_general3A_25 = tpu.matmul %max3A_20, %get3A_23, %dot_general3A_24 {dimension_numbers = #tpu.dot_dimension_numbers<[1], [0], [0], [1], [0, 0, 1, 1], [], []>, transpose_lhs_hint = false} : vector<5000x128xf32>, vector<128x120xf32>, vector<5000x120xf32> -> vector<5000x120xf32>
    %get3A_26 = arith.constant 0 : index
    %get3A_27 = arith.constant 0 : index
    %get3A_28 = vector.load %arg7[%get3A_26, %get3A_27] : memref<1x120xf32, #tpu.memory_space<vmem>>, vector<1x120xf32>
    %add3A_29 = vector.broadcast %get3A_28 : vector<1x120xf32> to vector<5000x120xf32>
    %add3A_30 = arith.addf %dot_general3A_25, %add3A_29 : vector<5000x120xf32>
    %swap3A = arith.constant 0 : index
    %swap3A_31 = arith.constant 0 : index
    %swap3A_32 = vector.load %arg8[%swap3A, %swap3A_31] : memref<5000x120xf32, #tpu.memory_space<vmem>>, vector<5000x120xf32>
    tpu.vector_store %arg8[%swap3A, %swap3A_31], %add3A_30 {strides = array<i32>} : memref<5000x120xf32, #tpu.memory_space<vmem>>, vector<5000x120xf32>,
    return
  }
  func.func @transform_0(%arg0: i32) -> (i32, i32) {
    %c0_i32 = arith.constant 0 : i32
    %c0_i32_0 = arith.constant 0 : i32
    return %arg0, %c0_i32 : i32, i32
  }
  func.func @transform_1(%arg0: i32) -> (i32, i32) {
    %c0_i32 = arith.constant 0 : i32
    %c0_i32_0 = arith.constant 0 : i32
    return %arg0, %c0_i32 : i32, i32
  }
  func.func @transform_2(%arg0: i32) -> (i32, i32) {
    %c0_i32 = arith.constant 0 : i32
    %c0_i32_0 = arith.constant 0 : i32
    %c0_i32_1 = arith.constant 0 : i32
    return %c0_i32, %c0_i32_0 : i32, i32
  }
  func.func @transform_3(%arg0: i32) -> (i32, i32) {
    %c0_i32 = arith.constant 0 : i32
    %c0_i32_0 = arith.constant 0 : i32
    %c0_i32_1 = arith.constant 0 : i32
    return %c0_i32, %c0_i32_0 : i32, i32
  }
  func.func @transform_4(%arg0: i32) -> (i32, i32) {
    %c0_i32 = arith.constant 0 : i32
    %c0_i32_0 = arith.constant 0 : i32
    %c0_i32_1 = arith.constant 0 : i32
    return %c0_i32, %c0_i32_0 : i32, i32
  }
  func.func @transform_5(%arg0: i32) -> (i32, i32) {
    %c0_i32 = arith.constant 0 : i32
    %c0_i32_0 = arith.constant 0 : i32
    %c0_i32_1 = arith.constant 0 : i32
    return %c0_i32, %c0_i32_0 : i32, i32
  }
  func.func @transform_6(%arg0: i32) -> (i32, i32) {
    %c0_i32 = arith.constant 0 : i32
    %c0_i32_0 = arith.constant 0 : i32
    %c0_i32_1 = arith.constant 0 : i32
    return %c0_i32, %c0_i32_0 : i32, i32
  }
  func.func @transform_7(%arg0: i32) -> (i32, i32) {
    %c0_i32 = arith.constant 0 : i32
    %c0_i32_0 = arith.constant 0 : i32
    return %arg0, %c0_i32 : i32, i32
  }
}

</mosaic_0001>

<sc_bundles>
// kernel: kernel.10.cloned.1.call-start
scs
__scs_entry_jumppad:
0x0: {  	(pc) =	sbr.rel $0x88, $3  }
0x1: {  	(tag) =	ssettag $0x0;
	lr =	simm.s32 $0x1  }
0x2: {  	[smem:$0x3F8F] =	sst lr;
	_ =	strace $0xD0000000  }
0x3: {  	_ = 	snop  }
0x4: {  	_ = 	snop  }
0x5: {  	_ = 	snop  }
0x6: {  	_ = 	snop  }
0x7: {  	_ = 	snop  }
__scs_overlays_trampoline_lowered:
0x8: {  	[smem:$0x3F9E] =	sst s0  }
0x9: {  	[smem:$0x3F9F] =	sst s1  }
0xa: {  	[smem:$0x3FA0] =	sst s2  }
0xb: {  	[smem:$0x3FA1] =	sst s3  }
0xc: {  	[smem:$0x3FA2] =	sst s4  }
0xd: {  	[smem:$0x3FA3] =	sst s5  }
0xe: {  	[smem:$0x3FA4] =	sst s6  }
0xf: {  	[smem:$0x3FA5] =	sst s7  }
0x10: {  	[smem:$0x3FA6] =	sst s8  }
0x11: {  	[smem:$0x3FA7] =	sst s9;
	s0 =	simm.s32 @!p0 $0x0  }
0x12: {  	s1 =	sld [smem:$0x3F8D];
	s0 =	simm.s32 @p0 $0x1  }
0x13: {  	[smem:$0x3FA8] =	sst s0;
	s0 =	simm.s32 @!p1 $0x0  }
0x14: {  	s2 =	sld [smem:$0x3F8C];
	s0 =	simm.s32 @p1 $0x1  }
0x15: {  	[smem:$0x3FA9] =	sst s0;
	s0 =	simm.s32 @!p2 $0x0  }
0x16: {  	s3 =	sld [smem:$0x3FDB];
	s0 =	simm.s32 @p2 $0x1  }
0x17: {  	s4 =	simm.s32 $0x1BF5;
	[smem:$0x3FAB] =	sst s0  }
0x18: {  	s0 =	sld [smem:$0x3F8E];
	_ =	swait.ge [sflag:s4], $0x0  }
0x19: {  	s7 =	sld [smem:$0x3F8F]  }
0x1a: {  	s8 =	sadd.s32 $0xFFFFE003, lr  }
0x1b: {  	s9 =	sadd.s32 $0xFFFFFEF7, lr;
	s5 =	simm.s32 $0xFFFFFFFF;
	p2 =	slt.u32 s8, $0xFFFFF086  }
0x1c: {  	p1 =	slt.u32 s9, $0xF7A;
	s5 =	simm.s32 @!p2 $0x0  }
0x1d: {  	s5 =	simm.s32 @p1 $0x1;
	p0 =	seq.s32 s7, s2  }
0x1e: {  	s7 =	smul.u32 @!p0 $0xF7A, s2;
	p2 =	seq.s32 @!p0 s5, $0x0  }
0x1f: {  	s9 =	smul.u32 $0xF7A, s1;
	s8 =	simm.s32 @!p0 $0x1BF5;
	p2 =	por !p2, p0  }
0x20: {  	[sflag:s8] =	ssyncset.s32 @!p0 $0xFFFFF086;
	s6 =	sadd.s32 @!p0 s3, s7;
	s7 =	simm.s32 @!p0 $0x108  }
0x21: {  	s3 =	sadd.s32 s3, s9;
	s6 =	sadd.s32 @!p0 $0x88, s6;
	s7 =	simm.s32 @p2 $0x1082  }
0x22: {  	[simem:s7], [sflag:s8] =	dma.local @!p0 [hbm:s6], $0xF7A  }
0x23: {  	s9 =	sor.u32 $0xD0000000, s2;
	s6 =	simm.s32 $0x108;
	_ =	swait.ge @!p0 [sflag:s8], $0x0  }
0x24: {  	s3 =	sadd.s32 $0x88, s3;
	s6 =	simm.s32 @!p1 $0x1082;
	[sflag:s4] =	ssyncset.s32 $0xFFFFF086  }
0x25: {  	[simem:s6], [sflag:s4] =	dma.local [hbm:s3], $0xF7A  }
0x26: {  	[smem:$0x3F8F] =	sst s1;
	(tag) =	ssettag s2;
	_ =	strace s9  }
0x27: {  	s1 =	sld [smem:$0x3F9F]  }
0x28: {  	s2 =	sld [smem:$0x3FA0]  }
0x29: {  	s4 =	sld [smem:$0x3FA2]  }
0x2a: {  	p0 =	seq.s32 s5, $0x0;
	s5 =	sld [smem:$0x3FA3]  }
0x2b: {  	s6 =	sld [smem:$0x3FA4]  }
0x2c: {  	s7 =	sld [smem:$0x3FA5]  }
0x2d: {  	s3 =	simm.s32 $0x108;
	s8 =	sld [smem:$0x3FA6]  }
0x2e: {  	s3 =	simm.s32 @!p0 $0x1082;
	s9 =	sld [smem:$0x3FA7]  }
0x2f: {  	lr =	sadd.s32 s0, s3;
	s0 =	sld [smem:$0x3F9E]  }
0x30: {  	s3 =	sld [smem:$0x3FA1]  }
0x31: {  	[smem:$0x3FAA] =	sst s10  }
0x32: {  	s10 =	sld [smem:$0x3FA8];
	_ =	sdelay $0x3  }
0x33: {  	p0 =	seq.s32 s10, $0x1;
	s10 =	sld [smem:$0x3FAA];
	_ =	sdelay $0x3  }
0x34: {  	[smem:$0x3FAA] =	sst s10  }
0x35: {  	s10 =	sld [smem:$0x3FA9];
	_ =	sdelay $0x3  }
0x36: {  	p1 =	seq.s32 s10, $0x1;
	s10 =	sld [smem:$0x3FAA];
	_ =	sdelay $0x3  }
0x37: {  	[smem:$0x3FAA] =	sst s10  }
0x38: {  	s10 =	sld [smem:$0x3FAB]  }
0x39: {  	_ = 	snop;
	(pc) =	sbr.ind lr, $3  }
0x3a: {  	_ = 	snop  }
0x3b: {  	_ = 	snop  }
0x3c: {  	p2 =	seq.s32 s10, $0x1;
	s10 =	sld [smem:$0x3FAA]  }
0x3d: {  	_ =	shalt  }
0x3e: {  	_ =	shalt  }
0x3f: {  	_ =	shalt  }
0x40: {  	_ =	shalt  }
0x41: {  	_ =	shalt  }
0x42: {  	_ =	shalt  }
0x43: {  	_ =	shalt  }
0x44: {  	_ =	shalt  }
0x45: {  	_ =	shalt  }
0x46: {  	_ =	shalt  }
0x47: {  	_ =	shalt  }
0x48: {  	_ =	shalt  }
0x49: {  	_ =	shalt  }
0x4a: {  	_ =	shalt  }
0x4b: {  	_ =	shalt  }
0x4c: {  	_ =	shalt  }
0x4d: {  	_ =	shalt  }
0x4e: {  	_ =	shalt  }
0x4f: {  	_ =	shalt  }
0x50: {  	_ =	shalt  }
0x51: {  	_ =	shalt  }
0x52: {  	_ =	shalt  }
0x53: {  	_ =	shalt  }
0x54: {  	_ =	shalt  }
0x55: {  	_ =	shalt  }
0x56: {  	_ =	shalt  }
0x57: {  	_ =	shalt  }
0x58: {  	_ =	shalt  }
0x59: {  	_ =	shalt  }
0x5a: {  	_ =	shalt  }
0x5b: {  	_ =	shalt  }
0x5c: {  	_ =	shalt  }
0x5d: {  	_ =	shalt  }
0x5e: {  	_ =	shalt  }
0x5f: {  	_ =	shalt  }
0x60: {  	_ =	shalt  }
0x61: {  	_ =	shalt  }
0x62: {  	_ =	shalt  }
0x63: {  	_ =	shalt  }
0x64: {  	_ =	shalt  }
0x65: {  	_ =	shalt  }
0x66: {  	_ =	shalt  }
0x67: {  	_ =	shalt  }
0x68: {  	_ =	shalt  }
0x69: {  	_ =	shalt  }
0x6a: {  	_ =	shalt  }
0x6b: {  	_ =	shalt  }
0x6c: {  	_ =	shalt  }
0x6d: {  	_ =	shalt  }
0x6e: {  	_ =	shalt  }
0x6f: {  	_ =	shalt  }
0x70: {  	_ =	shalt  }
0x71: {  	_ =	shalt  }
0x72: {  	_ =	shalt  }
0x73: {  	_ =	shalt  }
0x74: {  	_ =	shalt  }
0x75: {  	_ =	shalt  }
0x76: {  	_ =	shalt  }
0x77: {  	_ =	shalt  }
0x78: {  	_ =	shalt  }
0x79: {  	_ =	shalt  }
0x7a: {  	_ =	shalt  }
0x7b: {  	_ =	shalt  }
0x7c: {  	_ =	shalt  }
0x7d: {  	_ =	shalt  }
0x7e: {  	_ =	shalt  }
0x7f: {  	_ =	shalt  }
0x80: {  	_ =	shalt  }
0x81: {  	_ =	shalt  }
0x82: {  	_ =	shalt  }
0x83: {  	_ =	shalt  }
0x84: {  	_ =	shalt  }
0x85: {  	_ =	shalt  }
0x86: {  	_ =	shalt  }
0x87: {  	_ =	shalt  }
.Lfunc_end0:
.L_simem_size_0:
called_computation.1_lowered:
.L_overlay_start_0:
0x88: {  	s2 =	sld [smem:$0x3FD9]  }
0x89: {  	s3 =	sld [smem:$0x3FFE];
	_ =	sdelay $0x1  }
0x8a: {  	s1 =	srdreg.scid  }
0x8b: {  	s0 =	sand.u32 $0x1, s1  }
0x8c: {  	s17 =	sshll.u32 s0, $0xA;
	s2 =	sadd.s32 s3, s2  }
0x8d: {  	s2 =	sadd.s32 s2, s17  }
0x8e: {  	[smem:$0x3FB6] =	sst s2  }
0x8f: {  	_ = 	snop  }
0x90: {  	s2 =	sld [smem:$0x3FD0];
	(tm) =	ssettm $0x1  }
0x91: {  	s18 =	sld [smem:$0x3FFB];
	_ =	sdelay $0x3  }
0x92: {  	_ =	strace s18  }
0x93: {  	s3 =	sld [smem:$0x3FFC];
	_ =	sdelay $0x3  }
0x94: {  	_ =	strace s3  }
0x95: {  	s3 =	sld [smem:$0x3FFD];
	_ =	sdelay $0x3  }
0x96: {  	_ =	strace s3  }
0x97: {  	_ =	strace $0x8FFFFFFF  }
0x98: {  	s19 =	sld [smem:$0x3FDB];
	_ =	sdelay $0x1  }
0x99: {  	s4 =	simm.s32 $_scs_section_size  }
0x9a: {  	s5 =	simm.s32 $_size__tile_overlayer_lowered;
	s6 =	simm.s32 $_tile_overlayer_lowered  }
0x9b: {  	s22 =	simm.s32 $0x1BFF;
	s21 =	sshll.u32 s6, $0x1;
	s3 =	sadd.s32 s4, s19  }
0x9c: {  	s7 =	simm.s32 $0x0;
	s20 =	sshll.u32 s5, $0x1;
	s5 =	sadd.s32 s21, s3  }
0x9d: {  	[timem:s7], [sflag:s22] =	dma.local [hbm:s5], s20  }
0x9e: {  	_ =	swait.ge [sflag:s22], s20  }
0x9f: {  	s4 =	ssub.s32 $0x0, s20;
	[sflag:s22] =	ssyncset.done $0x0  }
0xa0: {  	[sflag:s22] =	ssyncadd.s32 s4;
	_ =	sdelay $0x1  }
0xa1: {  	s23 =	simm.s32 $0x1B8B  }
0xa2: {  	_ =	swait.ge [sflag:s23], $0x1  }
0xa3: {  	[sflag:s23] =	ssyncset.done $0x0  }
0xa4: {  	s25 =	simm.s32 $0x1B8E;
	s24 =	sld [smem:$0x3FFE];
	[sflag:s23] =	ssyncadd.s32 $0xFFFFFFFF  }
0xa5: {  	s26 =	simm.s32 $execute0_lowered;
	[smem:$0x3FD2] =	sst s25  }
0xa6: {  	s5 =	sshll.u32 s26, $0x1;
	_ =	strace $0x80000049;
	[dreg:$0x1] =	wrdreg $0xFFFFFFFF  }
0xa7: {  	s28 =	simm.s32 $_size_execute0_lowered;
	s3 =	sadd.s32 s3, s5;
	[dreg:$0x0] =	wrdreg $0x0  }
0xa8: {  	s5 =	sshll.u32 s28, $0x1;
	[dreg:$0x2] =	wrdreg s3  }
0xa9: {  	[dreg:$0x3] =	wrdreg s5  }
0xaa: {  	[dreg:$0x4] =	wrdreg $0xC0  }
0xab: {  	_ =	task [dreg:s7], $0x5FFFF  }
0xac: {  	[dreg:$0x1] =	wrdreg $0xFFFFFFFF  }
0xad: {  	[dreg:$0x0] =	wrdreg $0x60  }
0xae: {  	[dreg:$0x2] =	wrdreg s24  }
0xaf: {  	[dreg:$0x3] =	wrdreg s2  }
0xb0: {  	[dreg:$0x4] =	wrdreg $0x70000  }
0xb1: {  	[dreg:$0x5] =	wrdreg $0x9  }
0xb2: {  	_ =	task.clear_ibuf [dreg:s7], $0x6FFFF;
	_ =	strace $0x90000049  }
0xb3: {  	s29 =	simm.s32 $0x9;
	_ =	strace $0x8000004B  }
0xb4: {  	_ =	swait.ge [sflag:s29], $0x1  }
0xb5: {  	[sflag:s29] =	ssyncadd.s32 $0xFFFFFFFF  }
0xb6: {  	_ =	strace $0x9000004B  }
0xb7: {  	_ =	sfence  }
0xb8: {  	s30 =	sld [smem:$0x0];
	_ =	sdelay $0x2  }
0xb9: {  	s31 =	sshll.u32 s1, $0xD;
	s1 =	sshrl.u32 s1, $0x2  }
0xba: {  	s3 =	sand.u32 $0x4000, s31;
	s1 =	sadd.s32 s1, s30  }
0xbb: {  	s0 =	sor.u32 s3, s0;
	s1 =	sshll.u32 s1, $0x11  }
0xbc: {  	s0 =	sor.u32 s1, s0  }
0xbd: {  	s0 =	sadd.s32 $0x8F2B, s0  }
0xbe: {  	[sflag:s0] =	ssyncadd.remote.s32 $0x1  }
0xbf: {  	_ =	sfence.sel $0xFFFF  }
0xc0: {  	[dreg:$0x0] =	wrdreg $0xFFFFFFFF;
	(pc) =	sbr.abs _section_cstart, $3  }
0xc1: {  	[dreg:$0x1] =	wrdreg $0xFFFFFFFF  }
0xc2: {  	_ =	task.clear_ibuf [dreg:s7], $0x2FFFF;
	_ =	strace $0x9FFFFFFF  }
0xc3: {  	(tm) =	ssettm $0x7FFFFFFF  }
tec
execute0_lowered:
.L_overlay_start_1:
0x0: {  	(tag) =	ssettag $0x1  }
0x1: {  	s0 =	rddreg [dreg:$0x0]  }
0x2: {  	s1 =	rddreg [dreg:$0x1]  }
0x3: {  	s2 =	rddreg [dreg:$0x2]  }
0x4: {  	s15 =	stileid.u32;
	s4 =	srdreg.scid  }
0x5: {  	s3 =	simm.s32 $0x0;
	s31 =	simm.s32 $0x4000;
	s30 =	simm.s32 $0x6000  }
0x6: {  	s9 =	smul.u32 $0x18800, s15;
	s10 =	sand.u32 $0x1, s4;
	[smem:$0x7FF] =	sst s3  }
0x7: {  	s5 =	smul.u32 $0xC800, s15;
	s6 =	sadd.s32 $0x4E000, s0;
	s7 =	sadd.s32 $0x3000, s0  }
0x8: {  	s8 =	sadd.s32 $0x35000, s0;
	s14 =	smul.u32 $0x30E00, s15;
	s21 =	sshll.u32 s15, $0x6  }
0x9: {  	s4 =	smul.u32 $0xC8000, s10;
	_ =	strace $0x8000004A;
	s12 =	ssub.s32 $0x2, s10  }
0xa: {  	s10 =	sshll.u32 s10, $0x5;
	s11 =	sshrl.u32 s9, $0x3;
	s16 =	sshrl.u32 s12, $0x1  }
0xb: {  	s18 =	sshrl.u32 s5, $0x3;
	s9 =	sadd.s32 s9, s2;
	s19 =	sadd.s32 $0x800, s5  }
0xc: {  	s22 =	sor.u32 s10, s14;
	s24 =	sshrl.u32 s14, $0x2;
	s14 =	simm.s32 $0x3000  }
0xd: {  	s13 =	sadd.s32 s5, s4;
	s0 =	sadd.s32 s11, s0;
	s11 =	ssub.s32 s12, s16  }
0xe: {  	s12 =	sadd.s32 s8, s18;
	s20 =	sadd.s32 s4, s19;
	s23 =	sshrl.u32 s19, $0x3  }
0xf: {  	s25 =	sadd.s32 s24, s2;
	s29 =	sshrl.u32 s9, $0x3;
	s24 =	simm.s32 $0x10  }
0x10: {  	s9 =	simm.s32 $0x0;
	s13 =	sshrl.u32 s13, $0x3;
	[dreg:$0x5] =	wrdreg s12  }
0x11: {  	s0 =	sadd.s32 $0xAFC00, s0;
	s12 =	sor.u32 $0x1C04, s21;
	[dreg:$0xa] =	wrdreg s25  }
0x12: {  	s10 =	sadd.s32 s8, s23;
	s26 =	sadd.s32 $0xC4000, s25;
	[dreg:$0xd] =	wrdreg s29  }
0x13: {  	s28 =	smax.u32 s11, $0x1;
	s21 =	simm.s32 $0x4;
	[dreg:$0x6] =	wrdreg s0  }
0x14: {  	s23 =	simm.s32 $0x1;
	s0 =	sshrl.u32 s20, $0x3;
	[dreg:$0x8] =	wrdreg s10  }
0x15: {  	s17 =	sadd.s32 s7, s13;
	[dreg:$0xc] =	wrdreg s28;
	s0 =	sadd.s32 s7, s0  }
0x16: {  	s25 =	sshrl.u32 s26, $0x3;
	[dreg:$0x7] =	wrdreg s0;
	s0 =	sshrl.u32 s22, $0x3  }
0x17: {  	s26 =	simm.s32 $0x80;
	[dreg:$0x4] =	wrdreg s17;
	s0 =	sadd.s32 s1, s0  }
0x18: {  	s22 =	simm.s32 $0x3;
	[dreg:$0x9] =	wrdreg s0;
	s0 =	sadd.s32 $0x8, s0  }
0x19: {  	s1 =	simm.s32 $0x5000;
	[dreg:$0xb] =	wrdreg s0;
	s0 =	simm.s32 $0x2  }
.LBB2_1:
0x1a: {  	s10 =	rddreg [dreg:$0x4]  }
0x1b: {  	s13 =	rddreg [dreg:$0x5]  }
0x1c: {  	[tilespmem:s3], [sflag:$0x3] =	stream.linear.gather [hbm4b:s10+s3], $0x800, $0x38;
	[tilespmem:$0x1F800] =	vst v63  }
0x1d: {  	s11 =	simm.s32 $0x1000;
	s15 =	rddreg [dreg:$0x6]  }
0x1e: {  	[tilespmem:s11], [sflag:$0x3] =	stream.linear.gather [hbm4b:s13+s3], $0x800, $0x38;
	[tilespmem:$0x1F800] =	vst v63  }
0x1f: {  	s13 =	rddreg [dreg:$0xd]  }
0x20: {  	[spmem:s13], [sflag:s12] =	dma.local [hbm:s15], $0x3100  }
0x21: {  	_ =	swait.ge [sflag:s21], $0x3100  }
0x22: {  	[sflag:s21] =	ssyncset.done $0x0  }
0x23: {  	[sflag:s21] =	ssyncadd.s32 $0xFFFFCF00  }
0x24: {  	[bflag:$0x0] =	sbarrier.arrive $0xFFFF  }
0x25: {  	_ =	swait.ge [sflag:s22], $0x800  }
0x26: {  	[sflag:s22] =	ssyncset.done $0x0  }
0x27: {  	[sflag:s22] =	ssyncadd.s32 $0xFFFFF800  }
0x28: {  	_ =	swait.ge [sflag:s22], $0x800  }
0x29: {  	[sflag:s22] =	ssyncset.done $0x0  }
0x2a: {  	s17 =	simm.s32 $0x800;
	s16 =	rddreg [dreg:$0x7];
	[sflag:s22] =	ssyncadd.s32 $0xFFFFF800  }
0x2b: {  	[tilespmem:s17], [sflag:$0x3] =	stream.linear.gather [hbm4b:s16+s3], $0x800, $0x38;
	[tilespmem:$0x1F800] =	vst v63  }
0x2c: {  	s19 =	simm.s32 $0x1800;
	s18 =	rddreg [dreg:$0x8]  }
0x2d: {  	[tilespmem:s19], [sflag:$0x3] =	stream.linear.gather [hbm4b:s18+s3], $0x800, $0x38;
	[tilespmem:$0x1F800] =	vst v63  }
0x2e: {  	s20 =	simm.s32 $0x2000  }
0x2f: {  	[tilespmem:s20], [sflag:$0x1] =	stream.indirect.gather [hbm4b:s6+s26], $0x20, s3, s26, $0xb8;
	[tilespmem:$0x1F800] =	vst v63  }
0x30: {  	_ = 	snop  }
0x31: {  	[tilespmem:s14], [sflag:$0x1] =	stream.indirect.gather [hbm4b:s6+s26], $0x20, s26, s26, $0xb8;
	[tilespmem:$0x1F800] =	vst v63  }
0x32: {  	s14 =	simm.s32 $0x100  }
0x33: {  	[tilespmem:s31], [sflag:$0x1] =	stream.indirect.gather [hbm4b:s6+s26], $0x20, s14, s26, $0xb8;
	[tilespmem:$0x1F800] =	vst v63  }
0x34: {  	s15 =	simm.s32 $0x180  }
0x35: {  	[tilespmem:s1], [sflag:$0x1] =	stream.indirect.gather [hbm4b:s6+s26], $0x20, s15, s26, $0xb8;
	[tilespmem:$0x1F800] =	vst v63  }
0x36: {  	_ =	swait.ge [sflag:s23], $0x1000  }
0x37: {  	s13 =	simm.s32 $0xA00;
	[sflag:s23] =	ssyncset.done $0x0  }
0x38: {  	s16 =	simm.s32 $0x1;
	s18 =	simm.s32 $0x5;
	[sflag:s23] =	ssyncadd.s32 $0xFFFFF000  }
0x39: {  	[spmem:s2] =	stream.indirect.scatter.add.f32 [tilespmem:s20], [sflag:$0x2], $0x20, s11, s26, $0xb8;
	[tilespmem:$0x1F800] =	vst v63  }
0x3a: {  	s19 =	simm.s32 $0x80;
	s14 =	simm.s32 $0x200;
	s20 =	smul.u32 $0xCCCD, s16  }
0x3b: {  	[tilespmem:s30], [sflag:$0x1] =	stream.indirect.gather [hbm4b:s6+s26], $0x20, s14, s26, $0xb8;
	[tilespmem:$0x1F800] =	vst v63  }
0x3c: {  	s15 =	smul.u32 $0xCCCD, s18;
	s11 =	sand.u32 $0xF, s16;
	s10 =	sshrl.u32 s20, $0x12  }
0x3d: {  	s19 =	sand.u32 $0x800, s19;
	p1 =	seq.s32 s11, $0xC;
	s17 =	smul.u32 $0x5, s10  }
0x3e: {  	s14 =	simm.s32 $0xE00;
	s20 =	sshll.u32 s11, $0x7;
	p0 =	sne.s32 @!p1 s11, $0x0  }
0x3f: {  	s11 =	simm.s32 $0x6;
	_ =	swait.ge [sflag:s23], $0x1000;
	s17 =	ssub.s32 $0x1, s17  }
0x40: {  	s19 =	sor.u32 s20, s19;
	p0 =	por p0, p1;
	s17 =	sand.u32 $0xFFFF, s17  }
0x41: {  	[sflag:s23] =	ssyncset.done $0x0;
	s19 =	sor.u32 $0x1000, s19;
	s17 =	sshll.u32 s17, $0xC  }
0x42: {  	s18 =	simm.s32 @!p0 $0x1;
	[sflag:s23] =	ssyncadd.s32 $0xFFFFF000;
	s17 =	sadd.s32 $0x2000, s17  }
0x43: {  	[spmem:s2] =	stream.indirect.scatter.add.f32 [tilespmem:s17], [sflag:$0x2], $0x20, s19, s26, $0xb8;
	[tilespmem:$0x1F800] =	vst v63  }
0x44: {  	s10 =	simm.s32 $0xC00;
	s18 =	smin.u32 @!p0 s18, $0x18;
	_ =	swait.ge [sflag:s0], $0x1000  }
0x45: {  	s20 =	simm.s32 @!p0 $0x800;
	s18 =	sshll.u32 @!p0 s18, $0xB;
	[sflag:s0] =	ssyncset.done $0x0  }
0x46: {  	s18 =	sadd.s32 @!p0 s5, s18;
	s19 =	simm.s32 @p1 $0x3;
	[sflag:s0] =	ssyncadd.s32 $0xFFFFF000  }
0x47: {  	s28 =	sand.u32 @!p0 $0x800, s20;
	s20 =	sadd.s32 @!p0 s4, s18;
	_ =	swait.ge @p1 [sflag:s19], $0x800  }
0x48: {  	s18 =	sshrl.u32 @!p0 s18, $0x3;
	s17 =	sshrl.u32 s15, $0x12;
	[sflag:s19] =	ssyncset.done @p1 $0x0  }
0x49: {  	s20 =	sshrl.u32 @!p0 s20, $0x3;
	s17 =	smul.u32 $0x5, s17;
	[sflag:s19] =	ssyncadd.s32 @p1 $0xFFFFF800  }
0x4a: {  	s18 =	sadd.s32 @!p0 s8, s18;
	s29 =	sadd.s32 @!p0 s7, s20;
	_ =	swait.ge @p1 [sflag:s19], $0x800  }
0x4b: {  	s20 =	simm.s32 @!p0 $0x0;
	s16 =	ssub.s32 $0x5, s17;
	[sflag:s19] =	ssyncset.done @p1 $0x0  }
0x4c: {  	s17 =	simm.s32 $0x2;
	[sflag:s19] =	ssyncadd.s32 @p1 $0xFFFFF800;
	s19 =	sand.u32 $0xFFFF, s16  }
0x4d: {  	[tilespmem:s28], [sflag:$0x3] =	stream.linear.gather @!p0 [hbm4b:s29+s20], $0x800, $0x38;
	[tilespmem:$0x1F800] =	vst v63  }
0x4e: {  	s28 =	sor.u32 @!p0 $0x1000, s28;
	s29 =	smul.u32 $0xCCCD, s17;
	s19 =	sshll.u32 s19, $0xC  }
.LBB2_2:
0x4f: {  	s15 =	sadd.s32 $0x2000, s19;
	s16 =	sand.u32 $0x3E00, s13;
	s13 =	smov.u32 s10  }
0x50: {  	s10 =	smov.u32 s14;
	s14 =	sadd.s32 $0x200, s14;
	s19 =	smov.u32 s11  }
0x51: {  	s11 =	sadd.s32 $0x1, s11;
	s29 =	sshrl.u32 s29, $0x12;
	s16 =	sshrl.u32 s16, $0x2  }
0x52: {  	[tilespmem:s28], [sflag:$0x3] =	stream.linear.gather @!p0 [hbm4b:s18+s20], $0x800, $0x38;
	[tilespmem:$0x1F800] =	vst v63  }
0x53: {  	s18 =	sshrl.u32 s17, $0x4;
	s20 =	smul.u32 $0x5, s29;
	s28 =	sshll.u32 s17, $0x7  }
0x54: {  	[tilespmem:s15], [sflag:$0x1] =	stream.indirect.gather [hbm4b:s6+s26], $0x20, s16, s26, $0xb8;
	[tilespmem:$0x1F800] =	vst v63  }
0x55: {  	s15 =	sand.u32 $0xF, s17;
	s16 =	ssub.s32 s17, s20;
	_ =	swait.ge [sflag:s23], $0x1000  }
0x56: {  	s16 =	sand.u32 $0xFFFF, s16;
	s17 =	sshll.u32 s15, $0x7;
	p1 =	seq.s32 s15, $0xC  }
0x57: {  	s20 =	sand.u32 $0x800, s28;
	s16 =	sshll.u32 s16, $0xC;
	[sflag:s23] =	ssyncset.done $0x0  }
0x58: {  	s17 =	sor.u32 s17, s20;
	s16 =	sadd.s32 $0x2000, s16;
	[sflag:s23] =	ssyncadd.s32 $0xFFFFF000  }
0x59: {  	p0 =	sne.s32 @!p1 s15, $0x0;
	s15 =	smul.u32 $0xCCCD, s19;
	s17 =	sor.u32 $0x1000, s17  }
0x5a: {  	[spmem:s2] =	stream.indirect.scatter.add.f32 [tilespmem:s16], [sflag:$0x2], $0x20, s17, s26, $0xb8;
	[tilespmem:$0x1F800] =	vst v63  }
0x5b: {  	p0 =	por p0, p1;
	s15 =	sshrl.u32 s15, $0x12;
	_ =	swait.ge [sflag:s0], $0x1000  }
0x5c: {  	s16 =	simm.s32 @p1 $0x3;
	s17 =	sadd.s32 @!p0 $0x1, s18;
	[sflag:s0] =	ssyncset.done $0x0  }
0x5d: {  	s18 =	smin.u32 @!p0 s17, $0x18;
	s17 =	sshll.u32 @!p0 s17, $0xB;
	[sflag:s0] =	ssyncadd.s32 $0xFFFFF000  }
0x5e: {  	s18 =	sshll.u32 @!p0 s18, $0xB;
	s28 =	sand.u32 @!p0 $0x800, s17;
	_ =	swait.ge @p1 [sflag:s16], $0x800  }
0x5f: {  	s15 =	smul.u32 $0x5, s15;
	s17 =	sadd.s32 @!p0 s5, s18;
	[sflag:s16] =	ssyncset.done @p1 $0x0  }
0x60: {  	s18 =	sadd.s32 @!p0 s4, s17;
	s17 =	sshrl.u32 @!p0 s17, $0x3;
	[sflag:s16] =	ssyncadd.s32 @p1 $0xFFFFF800  }
0x61: {  	s20 =	sshrl.u32 @!p0 s18, $0x3;
	s18 =	sadd.s32 @!p0 s8, s17;
	_ =	swait.ge @p1 [sflag:s16], $0x800  }
0x62: {  	s17 =	sadd.s32 @!p0 s7, s20;
	[sflag:s16] =	ssyncset.done @p1 $0x0  }
0x63: {  	[sflag:s16] =	ssyncadd.s32 @p1 $0xFFFFF800;
	p1 =	sne.s32 s14, $0x32000  }
.Ltmp0:
0x64: {  	_ = 	snop;
	(pc) =	sbr.rel @p1 .LBB2_2-.Ltmp0, $4  }
0x65: {  	s15 =	ssub.s32 s19, s15;
	s20 =	simm.s32 @!p0 $0x0  }
0x66: {  	[tilespmem:s28], [sflag:$0x3] =	stream.linear.gather @!p0 [hbm4b:s17+s20], $0x800, $0x38;
	[tilespmem:$0x1F800] =	vst v63  }
0x67: {  	s15 =	sand.u32 $0xFFFF, s15;
	s17 =	sadd.s32 $0xFFFFFFFC, s11;
	s28 =	sor.u32 @!p0 $0x1000, s28  }
0x68: {  	s19 =	sshll.u32 s15, $0xC;
	s29 =	smul.u32 $0xCCCD, s17  }
0x69: {  	[tilespmem:s28], [sflag:$0x3] =	stream.linear.gather @!p0 [hbm4b:s18+s20], $0x800, $0x38;
	[tilespmem:$0x1F800] =	vst v63  }
0x6a: {  	s13 =	sand.u32 $0x3E00, s13;
	s14 =	sshrl.u32 s29, $0x12  }
0x6b: {  	s15 =	sadd.s32 $0x2000, s19;
	s13 =	sshrl.u32 s13, $0x2;
	s14 =	smul.u32 $0x5, s14  }
0x6c: {  	[tilespmem:s15], [sflag:$0x1] =	stream.indirect.gather [hbm4b:s6+s26], $0x20, s13, s26, $0xb8;
	[tilespmem:$0x1F800] =	vst v63  }
0x6d: {  	s28 =	sshll.u32 s17, $0x7;
	s15 =	sand.u32 $0xF, s17  }
0x6e: {  	s13 =	sand.u32 $0x800, s28;
	_ =	swait.ge [sflag:s23], $0x1000;
	s14 =	ssub.s32 s17, s14  }
0x6f: {  	s16 =	sshll.u32 s15, $0x7;
	p0 =	seq.s32 s15, $0xC;
	s14 =	sand.u32 $0xFFFF, s14  }
0x70: {  	[sflag:s23] =	ssyncset.done $0x0;
	s13 =	sor.u32 s16, s13;
	s14 =	sshll.u32 s14, $0xC  }
0x71: {  	[sflag:s23] =	ssyncadd.s32 $0xFFFFF000;
	s13 =	sor.u32 $0x1000, s13;
	s14 =	sadd.s32 $0x2000, s14  }
0x72: {  	[spmem:s2] =	stream.indirect.scatter.add.f32 [tilespmem:s14], [sflag:$0x2], $0x20, s13, s26, $0xb8;
	[tilespmem:$0x1F800] =	vst v63  }
0x73: {  	s29 =	smul.u32 $0xCCCD, s11;
	p1 =	sne.s32 @!p0 s15, $0x0;
	_ =	swait.ge [sflag:s0], $0x1000  }
0x74: {  	p1 =	por p1, p0;
	s13 =	sshrl.u32 s17, $0x4;
	[sflag:s0] =	ssyncset.done $0x0  }
0x75: {  	s14 =	simm.s32 @p0 $0x3;
	s13 =	sadd.s32 @!p1 $0x1, s13;
	[sflag:s0] =	ssyncadd.s32 $0xFFFFF000  }
0x76: {  	s15 =	smin.u32 @!p1 s13, $0x18;
	_ =	swait.ge @p0 [sflag:s14], $0x800  }
0x77: {  	s16 =	sshrl.u32 s29, $0x12;
	s15 =	sshll.u32 @!p1 s15, $0xB;
	[sflag:s14] =	ssyncset.done @p0 $0x0  }
0x78: {  	s13 =	sshll.u32 @!p1 s13, $0xB;
	s15 =	sadd.s32 @!p1 s5, s15;
	[sflag:s14] =	ssyncadd.s32 @p0 $0xFFFFF800  }
0x79: {  	s13 =	sand.u32 @!p1 $0x800, s13;
	s17 =	sadd.s32 @!p1 s4, s15;
	_ =	swait.ge @p0 [sflag:s14], $0x800  }
0x7a: {  	s15 =	sshrl.u32 @!p1 s15, $0x3;
	s17 =	sshrl.u32 @!p1 s17, $0x3;
	[sflag:s14] =	ssyncset.done @p0 $0x0  }
0x7b: {  	s17 =	sadd.s32 @!p1 s7, s17;
	[sflag:s14] =	ssyncadd.s32 @p0 $0xFFFFF800;
	s14 =	simm.s32 @!p1 $0x0  }
0x7c: {  	[tilespmem:s13], [sflag:$0x3] =	stream.linear.gather @!p1 [hbm4b:s17+s14], $0x800, $0x38;
	[tilespmem:$0x1F800] =	vst v63  }
0x7d: {  	s16 =	smul.u32 $0x5, s16;
	s15 =	sadd.s32 @!p1 s8, s15;
	s13 =	sor.u32 @!p1 $0x1000, s13  }
0x7e: {  	[tilespmem:s13], [sflag:$0x3] =	stream.linear.gather @!p1 [hbm4b:s15+s14], $0x800, $0x38;
	[tilespmem:$0x1F800] =	vst v63  }
0x7f: {  	s14 =	ssub.s32 s11, s16  }
0x80: {  	s11 =	sand.u32 $0xFFFF, s14  }
0x81: {  	s10 =	sand.u32 $0x3E00, s10;
	s11 =	sshll.u32 s11, $0xC  }
0x82: {  	s10 =	sshrl.u32 s10, $0x2;
	s11 =	sadd.s32 $0x2000, s11  }
0x83: {  	[tilespmem:s11], [sflag:$0x1] =	stream.indirect.gather [hbm4b:s6+s26], $0x20, s10, s26, $0xb8;
	[tilespmem:$0x1F800] =	vst v63  }
0x84: {  	_ =	swait.ge [sflag:s23], $0x1000  }
0x85: {  	[sflag:s23] =	ssyncset.done $0x0  }
0x86: {  	s15 =	simm.s32 $0x1600;
	s14 =	simm.s32 $0x3000;
	[sflag:s23] =	ssyncadd.s32 $0xFFFFF000  }
0x87: {  	[spmem:s2] =	stream.indirect.scatter.add.f32 [tilespmem:s14], [sflag:$0x2], $0x20, s15, s26, $0xb8;
	[tilespmem:$0x1F800] =	vst v63  }
0x88: {  	_ =	swait.ge [sflag:s0], $0x1000  }
0x89: {  	[sflag:s0] =	ssyncset.done $0x0  }
0x8a: {  	[sflag:s0] =	ssyncadd.s32 $0xFFFFF000  }
0x8b: {  	_ =	swait.ge [sflag:s23], $0x1000  }
0x8c: {  	[sflag:s23] =	ssyncset.done $0x0  }
0x8d: {  	s16 =	simm.s32 $0x1680;
	[sflag:s23] =	ssyncadd.s32 $0xFFFFF000  }
0x8e: {  	[spmem:s2] =	stream.indirect.scatter.add.f32 [tilespmem:s31], [sflag:$0x2], $0x20, s16, s26, $0xb8;
	[tilespmem:$0x1F800] =	vst v63  }
0x8f: {  	_ =	swait.ge [sflag:s0], $0x1000  }
0x90: {  	[sflag:s0] =	ssyncset.done $0x0  }
0x91: {  	[sflag:s0] =	ssyncadd.s32 $0xFFFFF000  }
0x92: {  	_ =	swait.ge [sflag:s23], $0x1000  }
0x93: {  	[sflag:s23] =	ssyncset.done $0x0  }
0x94: {  	s17 =	simm.s32 $0x1700;
	[sflag:s23] =	ssyncadd.s32 $0xFFFFF000  }
0x95: {  	[spmem:s2] =	stream.indirect.scatter.add.f32 [tilespmem:s1], [sflag:$0x2], $0x20, s17, s26, $0xb8;
	[tilespmem:$0x1F800] =	vst v63  }
0x96: {  	_ =	swait.ge [sflag:s0], $0x1000  }
0x97: {  	[sflag:s0] =	ssyncset.done $0x0  }
0x98: {  	[sflag:s0] =	ssyncadd.s32 $0xFFFFF000  }
0x99: {  	_ =	swait.ge [sflag:s23], $0x1000  }
0x9a: {  	[sflag:s23] =	ssyncset.done $0x0  }
0x9b: {  	s18 =	simm.s32 $0x1780;
	[sflag:s23] =	ssyncadd.s32 $0xFFFFF000  }
0x9c: {  	[spmem:s2] =	stream.indirect.scatter.add.f32 [tilespmem:s30], [sflag:$0x2], $0x20, s18, s26, $0xb8;
	[tilespmem:$0x1F800] =	vst v63  }
0x9d: {  	_ =	swait.ge [sflag:s0], $0x1000  }
0x9e: {  	[sflag:s0] =	ssyncset.done $0x0  }
0x9f: {  	[sflag:s0] =	ssyncadd.s32 $0xFFFFF000  }
0xa0: {  	_ =	swait.ge [sflag:s0], $0x1000  }
0xa1: {  	[sflag:s0] =	ssyncset.done $0x0  }
0xa2: {  	[sflag:s0] =	ssyncadd.s32 $0xFFFFF000  }
0xa3: {  	_ =	swait.ge [sflag:s22], $0x800  }
0xa4: {  	[sflag:s22] =	ssyncset.done $0x0  }
0xa5: {  	[sflag:s22] =	ssyncadd.s32 $0xFFFFF800  }
0xa6: {  	_ =	swait.ge [sflag:s22], $0x800  }
0xa7: {  	[sflag:s22] =	ssyncset.done $0x0  }
0xa8: {  	[sflag:s22] =	ssyncadd.s32 $0xFFFFF800  }
0xa9: {  	[bflag:$0x0] =	sbarrier.arrive $0xFFFF  }
0xaa: {  	s19 =	rddreg [dreg:$0xa]  }
0xab: {  	s20 =	rddreg [dreg:$0x9];
	s10 =	sshrl.u32 s19, $0x3  }
0xac: {  	[hbm:s20@s24], [sflag:s12] =	dma.strided [spmem:s10@s21], $0x1870, s23, $0x4   }
0xad: {  	_ =	swait.ge [sflag:s21], $0x1870  }
0xae: {  	[sflag:s21] =	ssyncset.done $0x0  }
0xaf: {  	s28 =	rddreg [dreg:$0xb];
	[sflag:s21] =	ssyncadd.s32 $0xFFFFE790  }
0xb0: {  	[hbm:s28@s24], [sflag:s12] =	dma.strided [spmem:s25@s21], $0x1870, s23, $0x4   }
0xb1: {  	_ =	swait.ge [sflag:s21], $0x1870  }
0xb2: {  	s9 =	sadd.s32 $0x1, s9;
	s29 =	rddreg [dreg:$0xc]  }
0xb3: {  	p0 =	sne.s32 s9, s29  }
.Ltmp1:
0xb4: {  	_ = 	snop;
	(pc) =	sbr.rel @p0 .LBB2_1-.Ltmp1, $3  }
0xb5: {  	_ =	sdelay $0x1  }
0xb6: {  	[sflag:s21] =	ssyncset.done $0x0  }
0xb7: {  	[sflag:s21] =	ssyncadd.s32 $0xFFFFE790  }
0xb8: {  	_ =	sfence.sel $0x180000  }
0xb9: {  	[bflag:$0x0] =	sbarrier.arrive $0xFFFF  }
0xba: {  	_ =	strace $0x9000004A  }
0xbb: {  	s0 =	stileid.u32;
	[bflag:$0x2] =	sbarrier.arrive $0xFFFF  }
0xbc: {  	p0 =	sne.s32 s0, $0x0;
	s0 =	rddreg [dreg:$0x3]  }
0xbd: {  	s0 =	sadd.s32 @!p0 $0x100000, s0  }
0xbe: {  	[sflag:s0] =	ssyncadd.tile.s32 @!p0 $0x1;
	_ =	shalt  }
.Lfunc_end2:
_tile_overlayer_lowered:
.L_overlay_start_2:
0xbf: {  	(tag) =	ssettag $0x2  }
0xc0: {  	s0 =	rddreg [dreg:$0x0];
	s2 =	stileid.u32  }
0xc1: {  	s1 =	rddreg [dreg:$0x1];
	p0 =	sne.s32 s2, $0x0  }
0xc2: {  	s3 =	rddreg [dreg:$0x2];
	[bflag:$0x3] =	sbarrier.arrive $0xFFFF;
	s2 =	simm.s32 @!p0 $0x1C04  }
0xc3: {  	[timem:s3], [sflag:s2] =	dma.local @!p0 [hbm:s0], s1  }
0xc4: {  	s0 =	simm.s32 @!p0 $0x4  }
0xc5: {  	_ =	swait.ge @!p0 [sflag:s0], s1  }
0xc6: {  	s1 =	ssub.s32 @!p0 $0x0, s1;
	[sflag:s0] =	ssyncset.done @!p0 $0x0  }
0xc7: {  	[sflag:s0] =	ssyncadd.s32 @!p0 s1  }
0xc8: {  	[bflag:$0x3] =	sbarrier.arrive $0xFFFF  }
0xc9: {  	_ =	shalt  }

// kernel: kernel.7.cloned.1.call-start
scs
__scs_entry_jumppad:
0x0: {  	(pc) =	sbr.rel $0x88, $3  }
0x1: {  	(tag) =	ssettag $0x0;
	lr =	simm.s32 $0x1  }
0x2: {  	[smem:$0x3F8F] =	sst lr;
	_ =	strace $0xD0000000  }
0x3: {  	_ = 	snop  }
0x4: {  	_ = 	snop  }
0x5: {  	_ = 	snop  }
0x6: {  	_ = 	snop  }
0x7: {  	_ = 	snop  }
__scs_overlays_trampoline_lowered:
0x8: {  	[smem:$0x3F9E] =	sst s0  }
0x9: {  	[smem:$0x3F9F] =	sst s1  }
0xa: {  	[smem:$0x3FA0] =	sst s2  }
0xb: {  	[smem:$0x3FA1] =	sst s3  }
0xc: {  	[smem:$0x3FA2] =	sst s4  }
0xd: {  	[smem:$0x3FA3] =	sst s5  }
0xe: {  	[smem:$0x3FA4] =	sst s6  }
0xf: {  	[smem:$0x3FA5] =	sst s7  }
0x10: {  	[smem:$0x3FA6] =	sst s8  }
0x11: {  	[smem:$0x3FA7] =	sst s9;
	s0 =	simm.s32 @!p0 $0x0  }
0x12: {  	s1 =	sld [smem:$0x3F8D];
	s0 =	simm.s32 @p0 $0x1  }
0x13: {  	[smem:$0x3FA8] =	sst s0;
	s0 =	simm.s32 @!p1 $0x0  }
0x14: {  	s2 =	sld [smem:$0x3F8C];
	s0 =	simm.s32 @p1 $0x1  }
0x15: {  	[smem:$0x3FA9] =	sst s0;
	s0 =	simm.s32 @!p2 $0x0  }
0x16: {  	s3 =	sld [smem:$0x3FDB];
	s0 =	simm.s32 @p2 $0x1  }
0x17: {  	s4 =	simm.s32 $0x1BF5;
	[smem:$0x3FAB] =	sst s0  }
0x18: {  	s0 =	sld [smem:$0x3F8E];
	_ =	swait.ge [sflag:s4], $0x0  }
0x19: {  	s7 =	sld [smem:$0x3F8F]  }
0x1a: {  	s8 =	sadd.s32 $0xFFFFE003, lr  }
0x1b: {  	s9 =	sadd.s32 $0xFFFFFEF7, lr;
	s5 =	simm.s32 $0xFFFFFFFF;
	p2 =	slt.u32 s8, $0xFFFFF086  }
0x1c: {  	p1 =	slt.u32 s9, $0xF7A;
	s5 =	simm.s32 @!p2 $0x0  }
0x1d: {  	s5 =	simm.s32 @p1 $0x1;
	p0 =	seq.s32 s7, s2  }
0x1e: {  	s7 =	smul.u32 @!p0 $0xF7A, s2;
	p2 =	seq.s32 @!p0 s5, $0x0  }
0x1f: {  	s9 =	smul.u32 $0xF7A, s1;
	s8 =	simm.s32 @!p0 $0x1BF5;
	p2 =	por !p2, p0  }
0x20: {  	[sflag:s8] =	ssyncset.s32 @!p0 $0xFFFFF086;
	s6 =	sadd.s32 @!p0 s3, s7;
	s7 =	simm.s32 @!p0 $0x108  }
0x21: {  	s3 =	sadd.s32 s3, s9;
	s6 =	sadd.s32 @!p0 $0x88, s6;
	s7 =	simm.s32 @p2 $0x1082  }
0x22: {  	[simem:s7], [sflag:s8] =	dma.local @!p0 [hbm:s6], $0xF7A  }
0x23: {  	s9 =	sor.u32 $0xD0000000, s2;
	s6 =	simm.s32 $0x108;
	_ =	swait.ge @!p0 [sflag:s8], $0x0  }
0x24: {  	s3 =	sadd.s32 $0x88, s3;
	s6 =	simm.s32 @!p1 $0x1082;
	[sflag:s4] =	ssyncset.s32 $0xFFFFF086  }
0x25: {  	[simem:s6], [sflag:s4] =	dma.local [hbm:s3], $0xF7A  }
0x26: {  	[smem:$0x3F8F] =	sst s1;
	(tag) =	ssettag s2;
	_ =	strace s9  }
0x27: {  	s1 =	sld [smem:$0x3F9F]  }
0x28: {  	s2 =	sld [smem:$0x3FA0]  }
0x29: {  	s4 =	sld [smem:$0x3FA2]  }
0x2a: {  	p0 =	seq.s32 s5, $0x0;
	s5 =	sld [smem:$0x3FA3]  }
0x2b: {  	s6 =	sld [smem:$0x3FA4]  }
0x2c: {  	s7 =	sld [smem:$0x3FA5]  }
0x2d: {  	s3 =	simm.s32 $0x108;
	s8 =	sld [smem:$0x3FA6]  }
0x2e: {  	s3 =	simm.s32 @!p0 $0x1082;
	s9 =	sld [smem:$0x3FA7]  }
0x2f: {  	lr =	sadd.s32 s0, s3;
	s0 =	sld [smem:$0x3F9E]  }
0x30: {  	s3 =	sld [smem:$0x3FA1]  }
0x31: {  	[smem:$0x3FAA] =	sst s10  }
0x32: {  	s10 =	sld [smem:$0x3FA8];
	_ =	sdelay $0x3  }
0x33: {  	p0 =	seq.s32 s10, $0x1;
	s10 =	sld [smem:$0x3FAA];
	_ =	sdelay $0x3  }
0x34: {  	[smem:$0x3FAA] =	sst s10  }
0x35: {  	s10 =	sld [smem:$0x3FA9];
	_ =	sdelay $0x3  }
0x36: {  	p1 =	seq.s32 s10, $0x1;
	s10 =	sld [smem:$0x3FAA];
	_ =	sdelay $0x3  }
0x37: {  	[smem:$0x3FAA] =	sst s10  }
0x38: {  	s10 =	sld [smem:$0x3FAB]  }
0x39: {  	_ = 	snop;
	(pc) =	sbr.ind lr, $3  }
0x3a: {  	_ = 	snop  }
0x3b: {  	_ = 	snop  }
0x3c: {  	p2 =	seq.s32 s10, $0x1;
	s10 =	sld [smem:$0x3FAA]  }
0x3d: {  	_ =	shalt  }
0x3e: {  	_ =	shalt  }
0x3f: {  	_ =	shalt  }
0x40: {  	_ =	shalt  }
0x41: {  	_ =	shalt  }
0x42: {  	_ =	shalt  }
0x43: {  	_ =	shalt  }
0x44: {  	_ =	shalt  }
0x45: {  	_ =	shalt  }
0x46: {  	_ =	shalt  }
0x47: {  	_ =	shalt  }
0x48: {  	_ =	shalt  }
0x49: {  	_ =	shalt  }
0x4a: {  	_ =	shalt  }
0x4b: {  	_ =	shalt  }
0x4c: {  	_ =	shalt  }
0x4d: {  	_ =	shalt  }
0x4e: {  	_ =	shalt  }
0x4f: {  	_ =	shalt  }
0x50: {  	_ =	shalt  }
0x51: {  	_ =	shalt  }
0x52: {  	_ =	shalt  }
0x53: {  	_ =	shalt  }
0x54: {  	_ =	shalt  }
0x55: {  	_ =	shalt  }
0x56: {  	_ =	shalt  }
0x57: {  	_ =	shalt  }
0x58: {  	_ =	shalt  }
0x59: {  	_ =	shalt  }
0x5a: {  	_ =	shalt  }
0x5b: {  	_ =	shalt  }
0x5c: {  	_ =	shalt  }
0x5d: {  	_ =	shalt  }
0x5e: {  	_ =	shalt  }
0x5f: {  	_ =	shalt  }
0x60: {  	_ =	shalt  }
0x61: {  	_ =	shalt  }
0x62: {  	_ =	shalt  }
0x63: {  	_ =	shalt  }
0x64: {  	_ =	shalt  }
0x65: {  	_ =	shalt  }
0x66: {  	_ =	shalt  }
0x67: {  	_ =	shalt  }
0x68: {  	_ =	shalt  }
0x69: {  	_ =	shalt  }
0x6a: {  	_ =	shalt  }
0x6b: {  	_ =	shalt  }
0x6c: {  	_ =	shalt  }
0x6d: {  	_ =	shalt  }
0x6e: {  	_ =	shalt  }
0x6f: {  	_ =	shalt  }
0x70: {  	_ =	shalt  }
0x71: {  	_ =	shalt  }
0x72: {  	_ =	shalt  }
0x73: {  	_ =	shalt  }
0x74: {  	_ =	shalt  }
0x75: {  	_ =	shalt  }
0x76: {  	_ =	shalt  }
0x77: {  	_ =	shalt  }
0x78: {  	_ =	shalt  }
0x79: {  	_ =	shalt  }
0x7a: {  	_ =	shalt  }
0x7b: {  	_ =	shalt  }
0x7c: {  	_ =	shalt  }
0x7d: {  	_ =	shalt  }
0x7e: {  	_ =	shalt  }
0x7f: {  	_ =	shalt  }
0x80: {  	_ =	shalt  }
0x81: {  	_ =	shalt  }
0x82: {  	_ =	shalt  }
0x83: {  	_ =	shalt  }
0x84: {  	_ =	shalt  }
0x85: {  	_ =	shalt  }
0x86: {  	_ =	shalt  }
0x87: {  	_ =	shalt  }
.Lfunc_end0:
.L_simem_size_0:
called_computation_lowered:
.L_overlay_start_0:
0x88: {  	s2 =	sld [smem:$0x3FD9]  }
0x89: {  	s3 =	sld [smem:$0x3FFE];
	_ =	sdelay $0x1  }
0x8a: {  	s1 =	srdreg.scid  }
0x8b: {  	s0 =	sand.u32 $0x1, s1  }
0x8c: {  	s17 =	sshll.u32 s0, $0xA;
	s2 =	sadd.s32 s3, s2  }
0x8d: {  	s2 =	sadd.s32 s2, s17  }
0x8e: {  	[smem:$0x3FB6] =	sst s2  }
0x8f: {  	_ = 	snop  }
0x90: {  	s2 =	sld [smem:$0x3FD0];
	(tm) =	ssettm $0x1  }
0x91: {  	s18 =	sld [smem:$0x3FFB];
	_ =	sdelay $0x3  }
0x92: {  	_ =	strace s18  }
0x93: {  	s3 =	sld [smem:$0x3FFC];
	_ =	sdelay $0x3  }
0x94: {  	_ =	strace s3  }
0x95: {  	s3 =	sld [smem:$0x3FFD];
	_ =	sdelay $0x3  }
0x96: {  	_ =	strace s3  }
0x97: {  	_ =	strace $0x8FFFFFFF  }
0x98: {  	s19 =	sld [smem:$0x3FDB];
	_ =	sdelay $0x1  }
0x99: {  	s4 =	simm.s32 $_scs_section_size  }
0x9a: {  	s5 =	simm.s32 $_size__tile_overlayer_lowered;
	s6 =	simm.s32 $_tile_overlayer_lowered  }
0x9b: {  	s22 =	simm.s32 $0x1BFF;
	s21 =	sshll.u32 s6, $0x1;
	s3 =	sadd.s32 s4, s19  }
0x9c: {  	s7 =	simm.s32 $0x0;
	s20 =	sshll.u32 s5, $0x1;
	s5 =	sadd.s32 s21, s3  }
0x9d: {  	[timem:s7], [sflag:s22] =	dma.local [hbm:s5], s20  }
0x9e: {  	_ =	swait.ge [sflag:s22], s20  }
0x9f: {  	s4 =	ssub.s32 $0x0, s20;
	[sflag:s22] =	ssyncset.done $0x0  }
0xa0: {  	[sflag:s22] =	ssyncadd.s32 s4;
	_ =	sdelay $0x1  }
0xa1: {  	s23 =	simm.s32 $0x1B8B  }
0xa2: {  	_ =	swait.ge [sflag:s23], $0x1  }
0xa3: {  	[sflag:s23] =	ssyncset.done $0x0  }
0xa4: {  	s25 =	simm.s32 $0x1B8E;
	s24 =	sld [smem:$0x3FFE];
	[sflag:s23] =	ssyncadd.s32 $0xFFFFFFFF  }
0xa5: {  	s26 =	simm.s32 $execute0_lowered;
	[smem:$0x3FD2] =	sst s25  }
0xa6: {  	s5 =	sshll.u32 s26, $0x1;
	_ =	strace $0x80000046;
	[dreg:$0x1] =	wrdreg $0xFFFFFFFF  }
0xa7: {  	s28 =	simm.s32 $_size_execute0_lowered;
	s3 =	sadd.s32 s3, s5;
	[dreg:$0x0] =	wrdreg $0x0  }
0xa8: {  	s5 =	sshll.u32 s28, $0x1;
	[dreg:$0x2] =	wrdreg s3  }
0xa9: {  	[dreg:$0x3] =	wrdreg s5  }
0xaa: {  	[dreg:$0x4] =	wrdreg $0xC0  }
0xab: {  	_ =	task [dreg:s7], $0x5FFFF  }
0xac: {  	[dreg:$0x1] =	wrdreg $0xFFFFFFFF  }
0xad: {  	[dreg:$0x0] =	wrdreg $0x60  }
0xae: {  	[dreg:$0x2] =	wrdreg s24  }
0xaf: {  	[dreg:$0x3] =	wrdreg s2  }
0xb0: {  	[dreg:$0x4] =	wrdreg $0x70000  }
0xb1: {  	[dreg:$0x5] =	wrdreg $0x9  }
0xb2: {  	_ =	task.clear_ibuf [dreg:s7], $0x6FFFF;
	_ =	strace $0x90000046  }
0xb3: {  	s29 =	simm.s32 $0x9;
	_ =	strace $0x80000048  }
0xb4: {  	_ =	swait.ge [sflag:s29], $0x1  }
0xb5: {  	[sflag:s29] =	ssyncadd.s32 $0xFFFFFFFF  }
0xb6: {  	_ =	strace $0x90000048  }
0xb7: {  	_ =	sfence  }
0xb8: {  	s30 =	sld [smem:$0x0];
	_ =	sdelay $0x2  }
0xb9: {  	s31 =	sshll.u32 s1, $0xD;
	s1 =	sshrl.u32 s1, $0x2  }
0xba: {  	s3 =	sand.u32 $0x4000, s31;
	s1 =	sadd.s32 s1, s30  }
0xbb: {  	s0 =	sor.u32 s3, s0;
	s1 =	sshll.u32 s1, $0x11  }
0xbc: {  	s0 =	sor.u32 s1, s0  }
0xbd: {  	s0 =	sadd.s32 $0x8F2B, s0  }
0xbe: {  	[sflag:s0] =	ssyncadd.remote.s32 $0x1  }
0xbf: {  	_ =	sfence.sel $0xFFFF  }
0xc0: {  	[dreg:$0x0] =	wrdreg $0xFFFFFFFF;
	(pc) =	sbr.abs _section_cstart, $3  }
0xc1: {  	[dreg:$0x1] =	wrdreg $0xFFFFFFFF  }
0xc2: {  	_ =	task.clear_ibuf [dreg:s7], $0x2FFFF;
	_ =	strace $0x9FFFFFFF  }
0xc3: {  	(tm) =	ssettm $0x7FFFFFFF  }
tec
execute0_lowered:
.L_overlay_start_1:
0x0: {  	(tag) =	ssettag $0x1  }
0x1: {  	s0 =	rddreg [dreg:$0x0]  }
0x2: {  	s1 =	rddreg [dreg:$0x1]  }
0x3: {  	s2 =	rddreg [dreg:$0x2]  }
0x4: {  	s15 =	stileid.u32;
	s4 =	srdreg.scid  }
0x5: {  	s3 =	simm.s32 $0x0;
	s31 =	simm.s32 $0x4000;
	s30 =	simm.s32 $0x6000  }
0x6: {  	s9 =	smul.u32 $0x18800, s15;
	s10 =	sand.u32 $0x1, s4;
	[smem:$0x7FF] =	sst s3  }
0x7: {  	s5 =	smul.u32 $0xC800, s15;
	s6 =	sadd.s32 $0x4E000, s0;
	s7 =	sadd.s32 $0x3000, s0  }
0x8: {  	s8 =	sadd.s32 $0x35000, s0;
	s14 =	smul.u32 $0x30E00, s15;
	s21 =	sshll.u32 s15, $0x6  }
0x9: {  	s4 =	smul.u32 $0xC8000, s10;
	_ =	strace $0x80000047;
	s12 =	ssub.s32 $0x2, s10  }
0xa: {  	s10 =	sshll.u32 s10, $0x5;
	s11 =	sshrl.u32 s9, $0x3;
	s16 =	sshrl.u32 s12, $0x1  }
0xb: {  	s18 =	sshrl.u32 s5, $0x3;
	s9 =	sadd.s32 s9, s2;
	s19 =	sadd.s32 $0x800, s5  }
0xc: {  	s22 =	sor.u32 s10, s14;
	s24 =	sshrl.u32 s14, $0x2;
	s14 =	simm.s32 $0x3000  }
0xd: {  	s13 =	sadd.s32 s5, s4;
	s0 =	sadd.s32 s11, s0;
	s11 =	ssub.s32 s12, s16  }
0xe: {  	s12 =	sadd.s32 s8, s18;
	s20 =	sadd.s32 s4, s19;
	s23 =	sshrl.u32 s19, $0x3  }
0xf: {  	s25 =	sadd.s32 s24, s2;
	s29 =	sshrl.u32 s9, $0x3;
	s24 =	simm.s32 $0x10  }
0x10: {  	s9 =	simm.s32 $0x0;
	s13 =	sshrl.u32 s13, $0x3;
	[dreg:$0x5] =	wrdreg s12  }
0x11: {  	s0 =	sadd.s32 $0xAFC00, s0;
	s12 =	sor.u32 $0x1C04, s21;
	[dreg:$0xa] =	wrdreg s25  }
0x12: {  	s10 =	sadd.s32 s8, s23;
	s26 =	sadd.s32 $0xC4000, s25;
	[dreg:$0xd] =	wrdreg s29  }
0x13: {  	s28 =	smax.u32 s11, $0x1;
	s21 =	simm.s32 $0x4;
	[dreg:$0x6] =	wrdreg s0  }
0x14: {  	s23 =	simm.s32 $0x1;
	s0 =	sshrl.u32 s20, $0x3;
	[dreg:$0x8] =	wrdreg s10  }
0x15: {  	s17 =	sadd.s32 s7, s13;
	[dreg:$0xc] =	wrdreg s28;
	s0 =	sadd.s32 s7, s0  }
0x16: {  	s25 =	sshrl.u32 s26, $0x3;
	[dreg:$0x7] =	wrdreg s0;
	s0 =	sshrl.u32 s22, $0x3  }
0x17: {  	s26 =	simm.s32 $0x80;
	[dreg:$0x4] =	wrdreg s17;
	s0 =	sadd.s32 s1, s0  }
0x18: {  	s22 =	simm.s32 $0x3;
	[dreg:$0x9] =	wrdreg s0;
	s0 =	sadd.s32 $0x8, s0  }
0x19: {  	s1 =	simm.s32 $0x5000;
	[dreg:$0xb] =	wrdreg s0;
	s0 =	simm.s32 $0x2  }
.LBB2_1:
0x1a: {  	s10 =	rddreg [dreg:$0x4]  }
0x1b: {  	s13 =	rddreg [dreg:$0x5]  }
0x1c: {  	[tilespmem:s3], [sflag:$0x3] =	stream.linear.gather [hbm4b:s10+s3], $0x800, $0x38;
	[tilespmem:$0x1F800] =	vst v63  }
0x1d: {  	s11 =	simm.s32 $0x1000;
	s15 =	rddreg [dreg:$0x6]  }
0x1e: {  	[tilespmem:s11], [sflag:$0x3] =	stream.linear.gather [hbm4b:s13+s3], $0x800, $0x38;
	[tilespmem:$0x1F800] =	vst v63  }
0x1f: {  	s13 =	rddreg [dreg:$0xd]  }
0x20: {  	[spmem:s13], [sflag:s12] =	dma.local [hbm:s15], $0x3100  }
0x21: {  	_ =	swait.ge [sflag:s21], $0x3100  }
0x22: {  	[sflag:s21] =	ssyncset.done $0x0  }
0x23: {  	[sflag:s21] =	ssyncadd.s32 $0xFFFFCF00  }
0x24: {  	[bflag:$0x0] =	sbarrier.arrive $0xFFFF  }
0x25: {  	_ =	swait.ge [sflag:s22], $0x800  }
0x26: {  	[sflag:s22] =	ssyncset.done $0x0  }
0x27: {  	[sflag:s22] =	ssyncadd.s32 $0xFFFFF800  }
0x28: {  	_ =	swait.ge [sflag:s22], $0x800  }
0x29: {  	[sflag:s22] =	ssyncset.done $0x0  }
0x2a: {  	s17 =	simm.s32 $0x800;
	s16 =	rddreg [dreg:$0x7];
	[sflag:s22] =	ssyncadd.s32 $0xFFFFF800  }
0x2b: {  	[tilespmem:s17], [sflag:$0x3] =	stream.linear.gather [hbm4b:s16+s3], $0x800, $0x38;
	[tilespmem:$0x1F800] =	vst v63  }
0x2c: {  	s19 =	simm.s32 $0x1800;
	s18 =	rddreg [dreg:$0x8]  }
0x2d: {  	[tilespmem:s19], [sflag:$0x3] =	stream.linear.gather [hbm4b:s18+s3], $0x800, $0x38;
	[tilespmem:$0x1F800] =	vst v63  }
0x2e: {  	s20 =	simm.s32 $0x2000  }
0x2f: {  	[tilespmem:s20], [sflag:$0x1] =	stream.indirect.gather [hbm4b:s6+s26], $0x20, s3, s26, $0xb8;
	[tilespmem:$0x1F800] =	vst v63  }
0x30: {  	_ = 	snop  }
0x31: {  	[tilespmem:s14], [sflag:$0x1] =	stream.indirect.gather [hbm4b:s6+s26], $0x20, s26, s26, $0xb8;
	[tilespmem:$0x1F800] =	vst v63  }
0x32: {  	s14 =	simm.s32 $0x100  }
0x33: {  	[tilespmem:s31], [sflag:$0x1] =	stream.indirect.gather [hbm4b:s6+s26], $0x20, s14, s26, $0xb8;
	[tilespmem:$0x1F800] =	vst v63  }
0x34: {  	s15 =	simm.s32 $0x180  }
0x35: {  	[tilespmem:s1], [sflag:$0x1] =	stream.indirect.gather [hbm4b:s6+s26], $0x20, s15, s26, $0xb8;
	[tilespmem:$0x1F800] =	vst v63  }
0x36: {  	_ =	swait.ge [sflag:s23], $0x1000  }
0x37: {  	s13 =	simm.s32 $0xA00;
	[sflag:s23] =	ssyncset.done $0x0  }
0x38: {  	s16 =	simm.s32 $0x1;
	s18 =	simm.s32 $0x5;
	[sflag:s23] =	ssyncadd.s32 $0xFFFFF000  }
0x39: {  	[spmem:s2] =	stream.indirect.scatter.add.f32 [tilespmem:s20], [sflag:$0x2], $0x20, s11, s26, $0xb8;
	[tilespmem:$0x1F800] =	vst v63  }
0x3a: {  	s19 =	simm.s32 $0x80;
	s14 =	simm.s32 $0x200;
	s20 =	smul.u32 $0xCCCD, s16  }
0x3b: {  	[tilespmem:s30], [sflag:$0x1] =	stream.indirect.gather [hbm4b:s6+s26], $0x20, s14, s26, $0xb8;
	[tilespmem:$0x1F800] =	vst v63  }
0x3c: {  	s15 =	smul.u32 $0xCCCD, s18;
	s11 =	sand.u32 $0xF, s16;
	s10 =	sshrl.u32 s20, $0x12  }
0x3d: {  	s19 =	sand.u32 $0x800, s19;
	p1 =	seq.s32 s11, $0xC;
	s17 =	smul.u32 $0x5, s10  }
0x3e: {  	s14 =	simm.s32 $0xE00;
	s20 =	sshll.u32 s11, $0x7;
	p0 =	sne.s32 @!p1 s11, $0x0  }
0x3f: {  	s11 =	simm.s32 $0x6;
	_ =	swait.ge [sflag:s23], $0x1000;
	s17 =	ssub.s32 $0x1, s17  }
0x40: {  	s19 =	sor.u32 s20, s19;
	p0 =	por p0, p1;
	s17 =	sand.u32 $0xFFFF, s17  }
0x41: {  	[sflag:s23] =	ssyncset.done $0x0;
	s19 =	sor.u32 $0x1000, s19;
	s17 =	sshll.u32 s17, $0xC  }
0x42: {  	s18 =	simm.s32 @!p0 $0x1;
	[sflag:s23] =	ssyncadd.s32 $0xFFFFF000;
	s17 =	sadd.s32 $0x2000, s17  }
0x43: {  	[spmem:s2] =	stream.indirect.scatter.add.f32 [tilespmem:s17], [sflag:$0x2], $0x20, s19, s26, $0xb8;
	[tilespmem:$0x1F800] =	vst v63  }
0x44: {  	s10 =	simm.s32 $0xC00;
	s18 =	smin.u32 @!p0 s18, $0x18;
	_ =	swait.ge [sflag:s0], $0x1000  }
0x45: {  	s20 =	simm.s32 @!p0 $0x800;
	s18 =	sshll.u32 @!p0 s18, $0xB;
	[sflag:s0] =	ssyncset.done $0x0  }
0x46: {  	s18 =	sadd.s32 @!p0 s5, s18;
	s19 =	simm.s32 @p1 $0x3;
	[sflag:s0] =	ssyncadd.s32 $0xFFFFF000  }
0x47: {  	s28 =	sand.u32 @!p0 $0x800, s20;
	s20 =	sadd.s32 @!p0 s4, s18;
	_ =	swait.ge @p1 [sflag:s19], $0x800  }
0x48: {  	s18 =	sshrl.u32 @!p0 s18, $0x3;
	s17 =	sshrl.u32 s15, $0x12;
	[sflag:s19] =	ssyncset.done @p1 $0x0  }
0x49: {  	s20 =	sshrl.u32 @!p0 s20, $0x3;
	s17 =	smul.u32 $0x5, s17;
	[sflag:s19] =	ssyncadd.s32 @p1 $0xFFFFF800  }
0x4a: {  	s18 =	sadd.s32 @!p0 s8, s18;
	s29 =	sadd.s32 @!p0 s7, s20;
	_ =	swait.ge @p1 [sflag:s19], $0x800  }
0x4b: {  	s20 =	simm.s32 @!p0 $0x0;
	s16 =	ssub.s32 $0x5, s17;
	[sflag:s19] =	ssyncset.done @p1 $0x0  }
0x4c: {  	s17 =	simm.s32 $0x2;
	[sflag:s19] =	ssyncadd.s32 @p1 $0xFFFFF800;
	s19 =	sand.u32 $0xFFFF, s16  }
0x4d: {  	[tilespmem:s28], [sflag:$0x3] =	stream.linear.gather @!p0 [hbm4b:s29+s20], $0x800, $0x38;
	[tilespmem:$0x1F800] =	vst v63  }
0x4e: {  	s28 =	sor.u32 @!p0 $0x1000, s28;
	s29 =	smul.u32 $0xCCCD, s17;
	s19 =	sshll.u32 s19, $0xC  }
.LBB2_2:
0x4f: {  	s15 =	sadd.s32 $0x2000, s19;
	s16 =	sand.u32 $0x3E00, s13;
	s13 =	smov.u32 s10  }
0x50: {  	s10 =	smov.u32 s14;
	s14 =	sadd.s32 $0x200, s14;
	s19 =	smov.u32 s11  }
0x51: {  	s11 =	sadd.s32 $0x1, s11;
	s29 =	sshrl.u32 s29, $0x12;
	s16 =	sshrl.u32 s16, $0x2  }
0x52: {  	[tilespmem:s28], [sflag:$0x3] =	stream.linear.gather @!p0 [hbm4b:s18+s20], $0x800, $0x38;
	[tilespmem:$0x1F800] =	vst v63  }
0x53: {  	s18 =	sshrl.u32 s17, $0x4;
	s20 =	smul.u32 $0x5, s29;
	s28 =	sshll.u32 s17, $0x7  }
0x54: {  	[tilespmem:s15], [sflag:$0x1] =	stream.indirect.gather [hbm4b:s6+s26], $0x20, s16, s26, $0xb8;
	[tilespmem:$0x1F800] =	vst v63  }
0x55: {  	s15 =	sand.u32 $0xF, s17;
	s16 =	ssub.s32 s17, s20;
	_ =	swait.ge [sflag:s23], $0x1000  }
0x56: {  	s16 =	sand.u32 $0xFFFF, s16;
	s17 =	sshll.u32 s15, $0x7;
	p1 =	seq.s32 s15, $0xC  }
0x57: {  	s20 =	sand.u32 $0x800, s28;
	s16 =	sshll.u32 s16, $0xC;
	[sflag:s23] =	ssyncset.done $0x0  }
0x58: {  	s17 =	sor.u32 s17, s20;
	s16 =	sadd.s32 $0x2000, s16;
	[sflag:s23] =	ssyncadd.s32 $0xFFFFF000  }
0x59: {  	p0 =	sne.s32 @!p1 s15, $0x0;
	s15 =	smul.u32 $0xCCCD, s19;
	s17 =	sor.u32 $0x1000, s17  }
0x5a: {  	[spmem:s2] =	stream.indirect.scatter.add.f32 [tilespmem:s16], [sflag:$0x2], $0x20, s17, s26, $0xb8;
	[tilespmem:$0x1F800] =	vst v63  }
0x5b: {  	p0 =	por p0, p1;
	s15 =	sshrl.u32 s15, $0x12;
	_ =	swait.ge [sflag:s0], $0x1000  }
0x5c: {  	s16 =	simm.s32 @p1 $0x3;
	s17 =	sadd.s32 @!p0 $0x1, s18;
	[sflag:s0] =	ssyncset.done $0x0  }
0x5d: {  	s18 =	smin.u32 @!p0 s17, $0x18;
	s17 =	sshll.u32 @!p0 s17, $0xB;
	[sflag:s0] =	ssyncadd.s32 $0xFFFFF000  }
0x5e: {  	s18 =	sshll.u32 @!p0 s18, $0xB;
	s28 =	sand.u32 @!p0 $0x800, s17;
	_ =	swait.ge @p1 [sflag:s16], $0x800  }
0x5f: {  	s15 =	smul.u32 $0x5, s15;
	s17 =	sadd.s32 @!p0 s5, s18;
	[sflag:s16] =	ssyncset.done @p1 $0x0  }
0x60: {  	s18 =	sadd.s32 @!p0 s4, s17;
	s17 =	sshrl.u32 @!p0 s17, $0x3;
	[sflag:s16] =	ssyncadd.s32 @p1 $0xFFFFF800  }
0x61: {  	s20 =	sshrl.u32 @!p0 s18, $0x3;
	s18 =	sadd.s32 @!p0 s8, s17;
	_ =	swait.ge @p1 [sflag:s16], $0x800  }
0x62: {  	s17 =	sadd.s32 @!p0 s7, s20;
	[sflag:s16] =	ssyncset.done @p1 $0x0  }
0x63: {  	[sflag:s16] =	ssyncadd.s32 @p1 $0xFFFFF800;
	p1 =	sne.s32 s14, $0x32000  }
.Ltmp0:
0x64: {  	_ = 	snop;
	(pc) =	sbr.rel @p1 .LBB2_2-.Ltmp0, $4  }
0x65: {  	s15 =	ssub.s32 s19, s15;
	s20 =	simm.s32 @!p0 $0x0  }
0x66: {  	[tilespmem:s28], [sflag:$0x3] =	stream.linear.gather @!p0 [hbm4b:s17+s20], $0x800, $0x38;
	[tilespmem:$0x1F800] =	vst v63  }
0x67: {  	s15 =	sand.u32 $0xFFFF, s15;
	s17 =	sadd.s32 $0xFFFFFFFC, s11;
	s28 =	sor.u32 @!p0 $0x1000, s28  }
0x68: {  	s19 =	sshll.u32 s15, $0xC;
	s29 =	smul.u32 $0xCCCD, s17  }
0x69: {  	[tilespmem:s28], [sflag:$0x3] =	stream.linear.gather @!p0 [hbm4b:s18+s20], $0x800, $0x38;
	[tilespmem:$0x1F800] =	vst v63  }
0x6a: {  	s13 =	sand.u32 $0x3E00, s13;
	s14 =	sshrl.u32 s29, $0x12  }
0x6b: {  	s15 =	sadd.s32 $0x2000, s19;
	s13 =	sshrl.u32 s13, $0x2;
	s14 =	smul.u32 $0x5, s14  }
0x6c: {  	[tilespmem:s15], [sflag:$0x1] =	stream.indirect.gather [hbm4b:s6+s26], $0x20, s13, s26, $0xb8;
	[tilespmem:$0x1F800] =	vst v63  }
0x6d: {  	s28 =	sshll.u32 s17, $0x7;
	s15 =	sand.u32 $0xF, s17  }
0x6e: {  	s13 =	sand.u32 $0x800, s28;
	_ =	swait.ge [sflag:s23], $0x1000;
	s14 =	ssub.s32 s17, s14  }
0x6f: {  	s16 =	sshll.u32 s15, $0x7;
	p0 =	seq.s32 s15, $0xC;
	s14 =	sand.u32 $0xFFFF, s14  }
0x70: {  	[sflag:s23] =	ssyncset.done $0x0;
	s13 =	sor.u32 s16, s13;
	s14 =	sshll.u32 s14, $0xC  }
0x71: {  	[sflag:s23] =	ssyncadd.s32 $0xFFFFF000;
	s13 =	sor.u32 $0x1000, s13;
	s14 =	sadd.s32 $0x2000, s14  }
0x72: {  	[spmem:s2] =	stream.indirect.scatter.add.f32 [tilespmem:s14], [sflag:$0x2], $0x20, s13, s26, $0xb8;
	[tilespmem:$0x1F800] =	vst v63  }
0x73: {  	s29 =	smul.u32 $0xCCCD, s11;
	p1 =	sne.s32 @!p0 s15, $0x0;
	_ =	swait.ge [sflag:s0], $0x1000  }
0x74: {  	p1 =	por p1, p0;
	s13 =	sshrl.u32 s17, $0x4;
	[sflag:s0] =	ssyncset.done $0x0  }
0x75: {  	s14 =	simm.s32 @p0 $0x3;
	s13 =	sadd.s32 @!p1 $0x1, s13;
	[sflag:s0] =	ssyncadd.s32 $0xFFFFF000  }
0x76: {  	s15 =	smin.u32 @!p1 s13, $0x18;
	_ =	swait.ge @p0 [sflag:s14], $0x800  }
0x77: {  	s16 =	sshrl.u32 s29, $0x12;
	s15 =	sshll.u32 @!p1 s15, $0xB;
	[sflag:s14] =	ssyncset.done @p0 $0x0  }
0x78: {  	s13 =	sshll.u32 @!p1 s13, $0xB;
	s15 =	sadd.s32 @!p1 s5, s15;
	[sflag:s14] =	ssyncadd.s32 @p0 $0xFFFFF800  }
0x79: {  	s13 =	sand.u32 @!p1 $0x800, s13;
	s17 =	sadd.s32 @!p1 s4, s15;
	_ =	swait.ge @p0 [sflag:s14], $0x800  }
0x7a: {  	s15 =	sshrl.u32 @!p1 s15, $0x3;
	s17 =	sshrl.u32 @!p1 s17, $0x3;
	[sflag:s14] =	ssyncset.done @p0 $0x0  }
0x7b: {  	s17 =	sadd.s32 @!p1 s7, s17;
	[sflag:s14] =	ssyncadd.s32 @p0 $0xFFFFF800;
	s14 =	simm.s32 @!p1 $0x0  }
0x7c: {  	[tilespmem:s13], [sflag:$0x3] =	stream.linear.gather @!p1 [hbm4b:s17+s14], $0x800, $0x38;
	[tilespmem:$0x1F800] =	vst v63  }
0x7d: {  	s16 =	smul.u32 $0x5, s16;
	s15 =	sadd.s32 @!p1 s8, s15;
	s13 =	sor.u32 @!p1 $0x1000, s13  }
0x7e: {  	[tilespmem:s13], [sflag:$0x3] =	stream.linear.gather @!p1 [hbm4b:s15+s14], $0x800, $0x38;
	[tilespmem:$0x1F800] =	vst v63  }
0x7f: {  	s14 =	ssub.s32 s11, s16  }
0x80: {  	s11 =	sand.u32 $0xFFFF, s14  }
0x81: {  	s10 =	sand.u32 $0x3E00, s10;
	s11 =	sshll.u32 s11, $0xC  }
0x82: {  	s10 =	sshrl.u32 s10, $0x2;
	s11 =	sadd.s32 $0x2000, s11  }
0x83: {  	[tilespmem:s11], [sflag:$0x1] =	stream.indirect.gather [hbm4b:s6+s26], $0x20, s10, s26, $0xb8;
	[tilespmem:$0x1F800] =	vst v63  }
0x84: {  	_ =	swait.ge [sflag:s23], $0x1000  }
0x85: {  	[sflag:s23] =	ssyncset.done $0x0  }
0x86: {  	s15 =	simm.s32 $0x1600;
	s14 =	simm.s32 $0x3000;
	[sflag:s23] =	ssyncadd.s32 $0xFFFFF000  }
0x87: {  	[spmem:s2] =	stream.indirect.scatter.add.f32 [tilespmem:s14], [sflag:$0x2], $0x20, s15, s26, $0xb8;
	[tilespmem:$0x1F800] =	vst v63  }
0x88: {  	_ =	swait.ge [sflag:s0], $0x1000  }
0x89: {  	[sflag:s0] =	ssyncset.done $0x0  }
0x8a: {  	[sflag:s0] =	ssyncadd.s32 $0xFFFFF000  }
0x8b: {  	_ =	swait.ge [sflag:s23], $0x1000  }
0x8c: {  	[sflag:s23] =	ssyncset.done $0x0  }
0x8d: {  	s16 =	simm.s32 $0x1680;
	[sflag:s23] =	ssyncadd.s32 $0xFFFFF000  }
0x8e: {  	[spmem:s2] =	stream.indirect.scatter.add.f32 [tilespmem:s31], [sflag:$0x2], $0x20, s16, s26, $0xb8;
	[tilespmem:$0x1F800] =	vst v63  }
0x8f: {  	_ =	swait.ge [sflag:s0], $0x1000  }
0x90: {  	[sflag:s0] =	ssyncset.done $0x0  }
0x91: {  	[sflag:s0] =	ssyncadd.s32 $0xFFFFF000  }
0x92: {  	_ =	swait.ge [sflag:s23], $0x1000  }
0x93: {  	[sflag:s23] =	ssyncset.done $0x0  }
0x94: {  	s17 =	simm.s32 $0x1700;
	[sflag:s23] =	ssyncadd.s32 $0xFFFFF000  }
0x95: {  	[spmem:s2] =	stream.indirect.scatter.add.f32 [tilespmem:s1], [sflag:$0x2], $0x20, s17, s26, $0xb8;
	[tilespmem:$0x1F800] =	vst v63  }
0x96: {  	_ =	swait.ge [sflag:s0], $0x1000  }
0x97: {  	[sflag:s0] =	ssyncset.done $0x0  }
0x98: {  	[sflag:s0] =	ssyncadd.s32 $0xFFFFF000  }
0x99: {  	_ =	swait.ge [sflag:s23], $0x1000  }
0x9a: {  	[sflag:s23] =	ssyncset.done $0x0  }
0x9b: {  	s18 =	simm.s32 $0x1780;
	[sflag:s23] =	ssyncadd.s32 $0xFFFFF000  }
0x9c: {  	[spmem:s2] =	stream.indirect.scatter.add.f32 [tilespmem:s30], [sflag:$0x2], $0x20, s18, s26, $0xb8;
	[tilespmem:$0x1F800] =	vst v63  }
0x9d: {  	_ =	swait.ge [sflag:s0], $0x1000  }
0x9e: {  	[sflag:s0] =	ssyncset.done $0x0  }
0x9f: {  	[sflag:s0] =	ssyncadd.s32 $0xFFFFF000  }
0xa0: {  	_ =	swait.ge [sflag:s0], $0x1000  }
0xa1: {  	[sflag:s0] =	ssyncset.done $0x0  }
0xa2: {  	[sflag:s0] =	ssyncadd.s32 $0xFFFFF000  }
0xa3: {  	_ =	swait.ge [sflag:s22], $0x800  }
0xa4: {  	[sflag:s22] =	ssyncset.done $0x0  }
0xa5: {  	[sflag:s22] =	ssyncadd.s32 $0xFFFFF800  }
0xa6: {  	_ =	swait.ge [sflag:s22], $0x800  }
0xa7: {  	[sflag:s22] =	ssyncset.done $0x0  }
0xa8: {  	[sflag:s22] =	ssyncadd.s32 $0xFFFFF800  }
0xa9: {  	[bflag:$0x0] =	sbarrier.arrive $0xFFFF  }
0xaa: {  	s19 =	rddreg [dreg:$0xa]  }
0xab: {  	s20 =	rddreg [dreg:$0x9];
	s10 =	sshrl.u32 s19, $0x3  }
0xac: {  	[hbm:s20@s24], [sflag:s12] =	dma.strided [spmem:s10@s21], $0x1870, s23, $0x4   }
0xad: {  	_ =	swait.ge [sflag:s21], $0x1870  }
0xae: {  	[sflag:s21] =	ssyncset.done $0x0  }
0xaf: {  	s28 =	rddreg [dreg:$0xb];
	[sflag:s21] =	ssyncadd.s32 $0xFFFFE790  }
0xb0: {  	[hbm:s28@s24], [sflag:s12] =	dma.strided [spmem:s25@s21], $0x1870, s23, $0x4   }
0xb1: {  	_ =	swait.ge [sflag:s21], $0x1870  }
0xb2: {  	s9 =	sadd.s32 $0x1, s9;
	s29 =	rddreg [dreg:$0xc]  }
0xb3: {  	p0 =	sne.s32 s9, s29  }
.Ltmp1:
0xb4: {  	_ = 	snop;
	(pc) =	sbr.rel @p0 .LBB2_1-.Ltmp1, $3  }
0xb5: {  	_ =	sdelay $0x1  }
0xb6: {  	[sflag:s21] =	ssyncset.done $0x0  }
0xb7: {  	[sflag:s21] =	ssyncadd.s32 $0xFFFFE790  }
0xb8: {  	_ =	sfence.sel $0x180000  }
0xb9: {  	[bflag:$0x0] =	sbarrier.arrive $0xFFFF  }
0xba: {  	_ =	strace $0x90000047  }
0xbb: {  	s0 =	stileid.u32;
	[bflag:$0x2] =	sbarrier.arrive $0xFFFF  }
0xbc: {  	p0 =	sne.s32 s0, $0x0;
	s0 =	rddreg [dreg:$0x3]  }
0xbd: {  	s0 =	sadd.s32 @!p0 $0x100000, s0  }
0xbe: {  	[sflag:s0] =	ssyncadd.tile.s32 @!p0 $0x1;
	_ =	shalt  }
.Lfunc_end2:
_tile_overlayer_lowered:
.L_overlay_start_2:
0xbf: {  	(tag) =	ssettag $0x2  }
0xc0: {  	s0 =	rddreg [dreg:$0x0];
	s2 =	stileid.u32  }
0xc1: {  	s1 =	rddreg [dreg:$0x1];
	p0 =	sne.s32 s2, $0x0  }
0xc2: {  	s3 =	rddreg [dreg:$0x2];
	[bflag:$0x3] =	sbarrier.arrive $0xFFFF;
	s2 =	simm.s32 @!p0 $0x1C04  }
0xc3: {  	[timem:s3], [sflag:s2] =	dma.local @!p0 [hbm:s0], s1  }
0xc4: {  	s0 =	simm.s32 @!p0 $0x4  }
0xc5: {  	_ =	swait.ge @!p0 [sflag:s0], s1  }
0xc6: {  	s1 =	ssub.s32 @!p0 $0x0, s1;
	[sflag:s0] =	ssyncset.done @!p0 $0x0  }
0xc7: {  	[sflag:s0] =	ssyncadd.s32 @!p0 s1  }
0xc8: {  	[bflag:$0x3] =	sbarrier.arrive $0xFFFF  }
0xc9: {  	_ =	shalt  }

</sc_bundles>
